<compile_context>
chip_gen: v7x
topology: tpu7x:2x2x1
jax: 0.10.2.dev20260603
libtpu: 0.0.44.dev20260713+nightly
codegen_flags: <defaults>
</compile_context>

<pallas_src>
import functools

import jax
import jax.numpy as jnp
from jax import lax
from jax.experimental import pallas as pl
from jax.experimental.pallas import tpu as pltpu
from jax.experimental.pallas import tpu_sc as plsc

N = 10000
E = 320000
F_IN = 128
HID = 16
C = 40
KS = 3

NC = 2
NS = 16
NW = NC * NS
CH = 79
EP = NW * CH * 128
NP = 10112
RPT = NP // NS
NP3 = KS * NP
CH3 = KS * CH
RPT3 = NP3 // NS

_mesh = plsc.VectorSubcoreMesh(core_axis_name="c", subcore_axis_name="s")


def _make_agg(nslab, ch):
    @functools.partial(
        pl.kernel,
        mesh=_mesh,
        compiler_params=pltpu.CompilerParams(use_tc_tiling_on_sc=False),
        out_type=jax.ShapeDtypeStruct((NC, nslab * NP, HID), jnp.float32),
        scratch_types=[
            pltpu.VMEM((ch, 128), jnp.int32),
            pltpu.VMEM((ch, 128), jnp.int32),
            pltpu.VMEM((128, HID), jnp.float32),
            pltpu.VMEM((128, HID), jnp.float32),
            pltpu.VMEM((128, HID), jnp.float32),
            pltpu.VMEM((128, HID), jnp.float32),
            pltpu.VMEM_SHARED((NP, HID), jnp.float32),
            pltpu.VMEM_SHARED((NP, HID), jnp.float32),
            pltpu.SemaphoreType.DMA,
            pltpu.SemaphoreType.DMA,
            pltpu.SemaphoreType.DMA,
            pltpu.SemaphoreType.DMA,
            pltpu.SemaphoreType.DMA,
            pltpu.SemaphoreType.DMA,
            pltpu.SemaphoreType.DMA,
            pltpu.SemaphoreType.DMA,
        ],
    )
    def agg(g_hbm, src_hbm, dst_hbm, z_hbm, out_hbm,
            srcv, dstv, rows0, rows1, rows2, rows3, table, acc,
            semg0, semg1, semg2, semg3, sems0, sems1, sems2, sems3):
        cid = lax.axis_index("c")
        sid = lax.axis_index("s")
        wid = sid * NC + cid
        pltpu.sync_copy(src_hbm.at[wid], srcv)
        pltpu.sync_copy(dst_hbm.at[wid], dstv)
        sl = pl.ds(sid * RPT, RPT)

        rows = (rows0, rows1, rows2, rows3)
        semg = (semg0, semg1, semg2, semg3)
        sems = (sems0, sems1, sems2, sems3)

        def gath(j, b):
            pltpu.async_copy(table.at[srcv.at[j]], rows[b], semg[b])

        def scat(j, b):
            pltpu.async_copy(rows[b], acc.at[dstv.at[j]], sems[b],
                             add=True)

        def wait_g(b):
            pltpu.make_async_copy(table.at[srcv.at[0]], rows[b],
                                  semg[b]).wait()

        def wait_s(b):
            pltpu.make_async_copy(rows[b], acc.at[dstv.at[0]],
                                  sems[b]).wait()

        def body(i, carry):
            for boff in range(4):
                j = i * 4 + 2 + boff
                b = (2 + boff) % 4
                bn = (b + 2) % 4

                @pl.when(j + 2 < ch)
                def _():
                    wait_s(bn)
                    gath(j + 2, bn)

                wait_g(b)
                scat(j, b)
            return carry

        for k in range(nslab):
            pltpu.sync_copy(
                g_hbm.at[pl.ds(k * NP + sid * RPT, RPT)], table.at[sl])
            pltpu.sync_copy(z_hbm, acc.at[sl])
            plsc.subcore_barrier()
            gath(0, 0)
            gath(1, 1)
            wait_g(0)
            scat(0, 0)
            gath(2, 2)
            wait_g(1)
            scat(1, 1)
            gath(3, 3)
            lax.fori_loop(0, (ch - 3) // 4, body, 0)
            wait_g((ch - 1) % 4)
            scat(ch - 1, (ch - 1) % 4)
            for b in range(4):
                wait_s(b)
            plsc.subcore_barrier()
            pltpu.sync_copy(
                acc.at[sl], out_hbm.at[cid, pl.ds(k * NP + sid * RPT, RPT)])

    return agg


_agg1 = _make_agg(1, CH)
_agg3 = _make_agg(KS, CH)


@functools.partial(
    pl.kernel,
    mesh=_mesh,
    compiler_params=pltpu.CompilerParams(use_tc_tiling_on_sc=False),
    out_type=jax.ShapeDtypeStruct((NC, NP, HID), jnp.float32),
    scratch_types=[
        pltpu.VMEM((CH, 128), jnp.int32),
        pltpu.VMEM((128, HID), jnp.float32),
        pltpu.VMEM_SHARED((NP, HID), jnp.float32),
        pltpu.SemaphoreType.DMA,
    ],
)
def _deg_kernel(dst_hbm, ones_hbm, z_hbm, out_hbm, dstv, rows, acc, semd):
    cid = lax.axis_index("c")
    sid = lax.axis_index("s")
    wid = sid * NC + cid
    pltpu.sync_copy(dst_hbm.at[wid], dstv)
    pltpu.sync_copy(ones_hbm, rows)
    sl = pl.ds(sid * RPT, RPT)
    pltpu.sync_copy(z_hbm, acc.at[sl])
    plsc.subcore_barrier()

    def body(j, carry):
        pltpu.async_copy(rows, acc.at[dstv.at[j]], semd, add=True)
        return carry

    lax.fori_loop(0, CH, body, 0)

    def drain(j, carry):
        pltpu.make_async_copy(rows, acc.at[dstv.at[0]], semd).wait()
        return carry

    lax.fori_loop(0, CH, drain, 0)
    plsc.subcore_barrier()
    pltpu.sync_copy(acc.at[sl], out_hbm.at[cid, sl])


def _tc0_body(x_ref, w1_ref, h_ref):
    h_ref[...] = jnp.dot(x_ref[...], w1_ref[...],
                         preferred_element_type=jnp.float32)


_tc0 = pl.pallas_call(
    _tc0_body,
    out_shape=jax.ShapeDtypeStruct((NP, HID), jnp.float32),
)


def _tc1_body(h_ref, degp_ref, g1_ref, dinv_ref):
    deg = degp_ref[0, :, 0] + degp_ref[1, :, 0] + 1.0
    dinv = lax.rsqrt(deg)
    g1_ref[...] = h_ref[...] * dinv[:, None]
    dinv_ref[...] = dinv[:, None]


_tc1 = pl.pallas_call(
    _tc1_body,
    out_shape=[
        jax.ShapeDtypeStruct((NP, HID), jnp.float32),
        jax.ShapeDtypeStruct((NP, 1), jnp.float32),
    ],
)


def _tc2_body(up_ref, g1_ref, dinv_ref, w2_ref, b1_ref, g2_ref):
    u1 = up_ref[0] + up_ref[1]
    dinv = dinv_ref[...]
    z1 = dinv * (u1 + g1_ref[...]) + b1_ref[...]
    a1 = jnp.maximum(z1, 0.0)
    h2 = jnp.dot(a1, w2_ref[...], preferred_element_type=jnp.float32)
    g2 = h2 * dinv
    rowid = lax.broadcasted_iota(jnp.int32, (NP, 1), 0)
    g2 = jnp.where(rowid < N, g2, 0.0)
    for k in range(KS):
        g2_ref[k] = g2[:, k * HID:(k + 1) * HID]


_tc2 = pl.pallas_call(
    _tc2_body,
    out_shape=jax.ShapeDtypeStruct((KS, NP, HID), jnp.float32),
)


def _tc3_body(up_ref, g2_ref, dinv_ref, b2_ref, out_ref):
    dinv = dinv_ref[...]
    zs = []
    for k in range(KS):
        zs.append(dinv * (up_ref[0, k] + up_ref[1, k] + g2_ref[k]))
    z = jnp.concatenate(zs, axis=1)[:, :C] + b2_ref[...]
    m = jnp.max(z, axis=1, keepdims=True)
    e = jnp.exp(z - m)
    s = jnp.sum(e, axis=1, keepdims=True)
    out_ref[...] = z - m - jnp.log(s)


_BB = NP // 8
_tc3 = pl.pallas_call(
    _tc3_body,
    grid=(8,),
    in_specs=[
        pl.BlockSpec((NC, KS, _BB, HID), lambda i: (0, 0, i, 0)),
        pl.BlockSpec((KS, _BB, HID), lambda i: (0, i, 0)),
        pl.BlockSpec((_BB, 1), lambda i: (i, 0)),
        pl.BlockSpec((1, C), lambda i: (0, 0)),
    ],
    out_specs=pl.BlockSpec((_BB, C), lambda i: (i, 0)),
    out_shape=jax.ShapeDtypeStruct((NP, C), jnp.float32),
)


def kernel(x, edge_index, W1, b1, W2, b2):
    src = edge_index[0]
    dst = edge_index[1]
    pad = jnp.full((EP - E,), N, jnp.int32)
    src3 = jnp.concatenate([src, pad]).reshape(NW, CH, 128)
    dst3 = jnp.concatenate([dst, pad]).reshape(NW, CH, 128)
    x_p = jnp.concatenate(
        [x, jnp.zeros((NP - N, F_IN), jnp.float32)], axis=0)
    z1h = jnp.zeros((RPT, HID), jnp.float32)
    w2p = jnp.concatenate(
        [W2, jnp.zeros((HID, KS * HID - C), jnp.float32)], axis=1)
    ones_rows = jnp.ones((128, HID), jnp.float32)

    h1 = _tc0(x_p, W1)
    degp = _deg_kernel(dst3, ones_rows, z1h)
    g1, dinv = _tc1(h1, degp)
    up1 = _agg1(g1, src3, dst3, z1h)
    g2 = _tc2(up1, g1, dinv, w2p, b1.reshape(1, HID))
    up2 = _agg3(g2.reshape(KS * NP, HID), src3, dst3, z1h)
    outp = _tc3(up2.reshape(NC, KS, NP, HID), g2, dinv, b2.reshape(1, C))
    return outp[:N]

# --- scband reference (transcript-rebuilt; emitter-appended) ---
"""Pipeline reference for scband-gcnnet-41120016892607 (READ-ONLY COPY).

The authoritative reference and input builder live on the scoring server;
editing this copy changes nothing except your own understanding.
"""

import jax, jax.numpy as jnp
import numpy as np

N = 10000
E = 320000
F_IN = 128
HID = 16
C = 40

def gcn_conv(x, edge_index, W, b):
    n = x.shape[0]
    loop = jnp.arange(n, dtype=edge_index.dtype)
    src = jnp.concatenate([edge_index[0], loop])
    dst = jnp.concatenate([edge_index[1], loop])
    ones = jnp.ones(src.shape[0], dtype=x.dtype)
    deg = jax.ops.segment_sum(ones, dst, num_segments=n)
    dinv = jnp.where(deg > 0, jax.lax.rsqrt(deg), 0.0)
    norm = dinv[src] * dinv[dst]
    h = x @ W
    msg = jnp.take(h, src, axis=0) * norm[:, None]
    out = jax.ops.segment_sum(msg, dst, num_segments=n)
    return out + b

def setup_inputs(seed: int = 0) -> dict:
    key = jax.random.key(seed)
    ks = jax.random.split(key, 6)
    x = jax.random.normal(ks[0], (N, F_IN), dtype=jnp.float32)
    edge_index = jax.random.randint(ks[1], (2, E), 0, N, dtype=jnp.int32)
    W1 = jax.random.normal(ks[2], (F_IN, HID), dtype=jnp.float32) * (1.0 / np.sqrt(F_IN))
    b1 = jnp.zeros((HID,), dtype=jnp.float32)
    W2 = jax.random.normal(ks[3], (HID, C), dtype=jnp.float32) * (1.0 / np.sqrt(HID))
    b2 = jnp.zeros((C,), dtype=jnp.float32)
    return {"x": x, "edge_index": edge_index, "W1": W1, "b1": b1, "W2": W2, "b2": b2}

def reference(x, edge_index, W1, b1, W2, b2):
    h = gcn_conv(x, edge_index, W1, b1)
    h = jax.nn.relu(h)
    # F.dropout(training=self.training): identity in eval mode
    h = gcn_conv(h, edge_index, W2, b2)
    return jax.nn.log_softmax(h, axis=1)

if __name__ == "__main__":
    import jax
    _d = setup_inputs()
    print(jax.jit(kernel)(*tuple(_d.values())))

</pallas_src>

<mosaic_0001>
#map = affine_map<(d0, d1) -> (0, 0)>
#map1 = affine_map<(d0, d1) -> (0, 0, 0)>
module attributes {stable_mosaic.version = 14 : i64} {
  func.func @agg(%arg0: i32, %arg1: i32, %arg2: memref<30336x16xf32, #tpu.memory_space<hbm>>, %arg3: memref<32x79x128xi32, #tpu.memory_space<hbm>>, %arg4: memref<32x79x128xi32, #tpu.memory_space<hbm>>, %arg5: memref<632x16xf32, #tpu.memory_space<hbm>>, %arg6: memref<2x30336x16xf32, #tpu.memory_space<hbm>>, %arg7: memref<79x128xi32, #tpu.memory_space<vmem>>, %arg8: memref<79x128xi32, #tpu.memory_space<vmem>>, %arg9: memref<128x16xf32, #tpu.memory_space<vmem>>, %arg10: memref<128x16xf32, #tpu.memory_space<vmem>>, %arg11: memref<128x16xf32, #tpu.memory_space<vmem>>, %arg12: memref<128x16xf32, #tpu.memory_space<vmem>>, %arg13: memref<10112x16xf32, #tpu.memory_space<vmem_shared>>, %arg14: memref<10112x16xf32, #tpu.memory_space<vmem_shared>>, %arg15: memref<!tpu.dma_semaphore, #tpu.memory_space<semaphore_mem>>, %arg16: memref<!tpu.dma_semaphore, #tpu.memory_space<semaphore_mem>>, %arg17: memref<!tpu.dma_semaphore, #tpu.memory_space<semaphore_mem>>, %arg18: memref<!tpu.dma_semaphore, #tpu.memory_space<semaphore_mem>>, %arg19: memref<!tpu.dma_semaphore, #tpu.memory_space<semaphore_mem>>, %arg20: memref<!tpu.dma_semaphore, #tpu.memory_space<semaphore_mem>>, %arg21: memref<!tpu.dma_semaphore, #tpu.memory_space<semaphore_mem>>, %arg22: memref<!tpu.dma_semaphore, #tpu.memory_space<semaphore_mem>>) attributes {dimension_semantics = [#tpu.dimension_semantics<core_parallel>, #tpu.dimension_semantics<subcore_parallel>], iteration_bounds = array<i64: 2, 16>, scalar_prefetch = 0 : i64, scratch_operands = 16 : i64, tpu.core_type = #tpu.core_type<sc_vector_subcore>, window_params = [{transform_indices = #map}, {transform_indices = #map1}, {transform_indices = #map1}, {transform_indices = #map}, {transform_indices = #map1}]} {
    %mul3A = arith.constant 2 : i32
    %mul3A_0 = arith.muli %arg1, %mul3A : i32
    %add3A = arith.addi %mul3A_0, %arg0 : i32
    "tpu.region"() ({
      %run_scoped3A = tpu.sem_alloc : memref<!tpu.dma_semaphore, #tpu.memory_space<semaphore_mem>>
      %dma_start3A_341 = arith.constant 0 : i32
      %dma_start3A_342 = arith.constant 0 : i32
      %dma_start3A_343 = tpu.memref_slice %arg3[%add3A, %dma_start3A_341, %dma_start3A_342] : memref<32x79x128xi32, #tpu.memory_space<hbm>> -> memref<1x79x128xi32, #tpu.memory_space<hbm>>
      %dma_start3A_344 = tpu.memref_squeeze %dma_start3A_343 : memref<1x79x128xi32, #tpu.memory_space<hbm>> -> memref<79x128xi32, #tpu.memory_space<hbm>>
      %dma_start3A_345 = arith.constant 0 : i32
      %dma_start3A_346 = arith.constant 0 : i32
      %dma_start3A_347 = tpu.memref_slice %arg3[%add3A, %dma_start3A_345, %dma_start3A_346] : memref<32x79x128xi32, #tpu.memory_space<hbm>> -> memref<1x79x128xi32, #tpu.memory_space<hbm>>
      %dma_start3A_348 = tpu.memref_squeeze %dma_start3A_347 : memref<1x79x128xi32, #tpu.memory_space<hbm>> -> memref<79x128xi32, #tpu.memory_space<hbm>>
      tpu.enqueue_dma source(%dma_start3A_348 : memref<79x128xi32, #tpu.memory_space<hbm>>) target(%arg7 : memref<79x128xi32, #tpu.memory_space<vmem>>) target_semaphore(%run_scoped3A : memref<!tpu.dma_semaphore, #tpu.memory_space<semaphore_mem>>)
      %dma_wait3A_349 = arith.constant 0 : i32
      %dma_wait3A_350 = arith.constant 0 : i32
      %dma_wait3A_351 = tpu.memref_slice %arg3[%add3A, %dma_wait3A_349, %dma_wait3A_350] : memref<32x79x128xi32, #tpu.memory_space<hbm>> -> memref<1x79x128xi32, #tpu.memory_space<hbm>>
      %dma_wait3A_352 = tpu.memref_squeeze %dma_wait3A_351 : memref<1x79x128xi32, #tpu.memory_space<hbm>> -> memref<79x128xi32, #tpu.memory_space<hbm>>
      %dma_wait3A_353 = arith.constant 0 : i32
      %dma_wait3A_354 = arith.constant 0 : i32
      %dma_wait3A_355 = tpu.memref_slice %arg3[%add3A, %dma_wait3A_353, %dma_wait3A_354] : memref<32x79x128xi32, #tpu.memory_space<hbm>> -> memref<1x79x128xi32, #tpu.memory_space<hbm>>
      %dma_wait3A_356 = tpu.memref_squeeze %dma_wait3A_355 : memref<1x79x128xi32, #tpu.memory_space<hbm>> -> memref<79x128xi32, #tpu.memory_space<hbm>>
      tpu.wait_dma2 semaphore(%run_scoped3A : memref<!tpu.dma_semaphore, #tpu.memory_space<semaphore_mem>>) src(%dma_wait3A_356 : memref<79x128xi32, #tpu.memory_space<hbm>>) dst(%arg7 : memref<79x128xi32, #tpu.memory_space<vmem>>)
      tpu.yield
    }) : () -> ()
    "tpu.region"() ({
      %run_scoped3A = tpu.sem_alloc : memref<!tpu.dma_semaphore, #tpu.memory_space<semaphore_mem>>
      %dma_start3A_341 = arith.constant 0 : i32
      %dma_start3A_342 = arith.constant 0 : i32
      %dma_start3A_343 = tpu.memref_slice %arg4[%add3A, %dma_start3A_341, %dma_start3A_342] : memref<32x79x128xi32, #tpu.memory_space<hbm>> -> memref<1x79x128xi32, #tpu.memory_space<hbm>>
      %dma_start3A_344 = tpu.memref_squeeze %dma_start3A_343 : memref<1x79x128xi32, #tpu.memory_space<hbm>> -> memref<79x128xi32, #tpu.memory_space<hbm>>
      %dma_start3A_345 = arith.constant 0 : i32
      %dma_start3A_346 = arith.constant 0 : i32
      %dma_start3A_347 = tpu.memref_slice %arg4[%add3A, %dma_start3A_345, %dma_start3A_346] : memref<32x79x128xi32, #tpu.memory_space<hbm>> -> memref<1x79x128xi32, #tpu.memory_space<hbm>>
      %dma_start3A_348 = tpu.memref_squeeze %dma_start3A_347 : memref<1x79x128xi32, #tpu.memory_space<hbm>> -> memref<79x128xi32, #tpu.memory_space<hbm>>
      tpu.enqueue_dma source(%dma_start3A_348 : memref<79x128xi32, #tpu.memory_space<hbm>>) target(%arg8 : memref<79x128xi32, #tpu.memory_space<vmem>>) target_semaphore(%run_scoped3A : memref<!tpu.dma_semaphore, #tpu.memory_space<semaphore_mem>>)
      %dma_wait3A_349 = arith.constant 0 : i32
      %dma_wait3A_350 = arith.constant 0 : i32
      %dma_wait3A_351 = tpu.memref_slice %arg4[%add3A, %dma_wait3A_349, %dma_wait3A_350] : memref<32x79x128xi32, #tpu.memory_space<hbm>> -> memref<1x79x128xi32, #tpu.memory_space<hbm>>
      %dma_wait3A_352 = tpu.memref_squeeze %dma_wait3A_351 : memref<1x79x128xi32, #tpu.memory_space<hbm>> -> memref<79x128xi32, #tpu.memory_space<hbm>>
      %dma_wait3A_353 = arith.constant 0 : i32
      %dma_wait3A_354 = arith.constant 0 : i32
      %dma_wait3A_355 = tpu.memref_slice %arg4[%add3A, %dma_wait3A_353, %dma_wait3A_354] : memref<32x79x128xi32, #tpu.memory_space<hbm>> -> memref<1x79x128xi32, #tpu.memory_space<hbm>>
      %dma_wait3A_356 = tpu.memref_squeeze %dma_wait3A_355 : memref<1x79x128xi32, #tpu.memory_space<hbm>> -> memref<79x128xi32, #tpu.memory_space<hbm>>
      tpu.wait_dma2 semaphore(%run_scoped3A : memref<!tpu.dma_semaphore, #tpu.memory_space<semaphore_mem>>) src(%dma_wait3A_356 : memref<79x128xi32, #tpu.memory_space<hbm>>) dst(%arg8 : memref<79x128xi32, #tpu.memory_space<vmem>>)
      tpu.yield
    }) : () -> ()
    %mul3A_1 = arith.constant 632 : i32
    %mul3A_2 = arith.muli %arg1, %mul3A_1 : i32
    %mul3A_3 = arith.constant 632 : i32
    %mul3A_4 = arith.muli %arg1, %mul3A_3 : i32
    %add3A_5 = arith.constant 0 : i32
    %add3A_6 = arith.addi %add3A_5, %mul3A_4 : i32
    "tpu.region"() ({
      %run_scoped3A = tpu.sem_alloc : memref<!tpu.dma_semaphore, #tpu.memory_space<semaphore_mem>>
      %dma_start3A_341 = arith.constant 0 : i32
      %dma_start3A_342 = tpu.memref_slice %arg13[%mul3A_2, %dma_start3A_341] : memref<10112x16xf32, #tpu.memory_space<vmem_shared>> -> memref<632x16xf32, #tpu.memory_space<vmem_shared>>
      %dma_start3A_343 = arith.constant 0 : i32
      %dma_start3A_344 = tpu.memref_slice %arg2[%add3A_6, %dma_start3A_343] : memref<30336x16xf32, #tpu.memory_space<hbm>> -> memref<632x16xf32, #tpu.memory_space<hbm>>
      tpu.enqueue_dma source(%dma_start3A_344 : memref<632x16xf32, #tpu.memory_space<hbm>>) target(%dma_start3A_342 : memref<632x16xf32, #tpu.memory_space<vmem_shared>>) target_semaphore(%run_scoped3A : memref<!tpu.dma_semaphore, #tpu.memory_space<semaphore_mem>>)
      %dma_wait3A_345 = arith.constant 0 : i32
      %dma_wait3A_346 = tpu.memref_slice %arg13[%mul3A_2, %dma_wait3A_345] : memref<10112x16xf32, #tpu.memory_space<vmem_shared>> -> memref<632x16xf32, #tpu.memory_space<vmem_shared>>
      %dma_wait3A_347 = arith.constant 0 : i32
      %dma_wait3A_348 = tpu.memref_slice %arg2[%add3A_6, %dma_wait3A_347] : memref<30336x16xf32, #tpu.memory_space<hbm>> -> memref<632x16xf32, #tpu.memory_space<hbm>>
      tpu.wait_dma2 semaphore(%run_scoped3A : memref<!tpu.dma_semaphore, #tpu.memory_space<semaphore_mem>>) src(%dma_wait3A_348 : memref<632x16xf32, #tpu.memory_space<hbm>>) dst(%dma_wait3A_346 : memref<632x16xf32, #tpu.memory_space<vmem_shared>>)
      tpu.yield
    }) : () -> ()
    "tpu.region"() ({
      %run_scoped3A = tpu.sem_alloc : memref<!tpu.dma_semaphore, #tpu.memory_space<semaphore_mem>>
      %dma_start3A_341 = arith.constant 0 : i32
      %dma_start3A_342 = tpu.memref_slice %arg14[%mul3A_2, %dma_start3A_341] : memref<10112x16xf32, #tpu.memory_space<vmem_shared>> -> memref<632x16xf32, #tpu.memory_space<vmem_shared>>
      tpu.enqueue_dma source(%arg5 : memref<632x16xf32, #tpu.memory_space<hbm>>) target(%dma_start3A_342 : memref<632x16xf32, #tpu.memory_space<vmem_shared>>) target_semaphore(%run_scoped3A : memref<!tpu.dma_semaphore, #tpu.memory_space<semaphore_mem>>)
      %dma_wait3A_343 = arith.constant 0 : i32
      %dma_wait3A_344 = tpu.memref_slice %arg14[%mul3A_2, %dma_wait3A_343] : memref<10112x16xf32, #tpu.memory_space<vmem_shared>> -> memref<632x16xf32, #tpu.memory_space<vmem_shared>>
      tpu.wait_dma2 semaphore(%run_scoped3A : memref<!tpu.dma_semaphore, #tpu.memory_space<semaphore_mem>>) src(%arg5 : memref<632x16xf32, #tpu.memory_space<hbm>>) dst(%dma_wait3A_344 : memref<632x16xf32, #tpu.memory_space<vmem_shared>>)
      tpu.yield
    }) : () -> ()
    %barrier3A = arith.constant 0 : index
    tpu.barrier barrier_id(%barrier3A)
    %dma_start3A = arith.constant 0 : i32
    %dma_start3A_7 = arith.constant 0 : i32
    %dma_start3A_8 = tpu.memref_slice %arg7[%dma_start3A, %dma_start3A_7] : memref<79x128xi32, #tpu.memory_space<vmem>> -> memref<1x128xi32, #tpu.memory_space<vmem>>
    %dma_start3A_9 = tpu.memref_squeeze %dma_start3A_8 : memref<1x128xi32, #tpu.memory_space<vmem>> -> memref<128xi32, #tpu.memory_space<vmem>>
    %dma_start3A_10 = arith.constant 0 : i32
    %dma_start3A_11 = arith.constant 0 : i32
    %dma_start3A_12 = tpu.memref_slice %arg13[%dma_start3A_10, %dma_start3A_11] : memref<10112x16xf32, #tpu.memory_space<vmem_shared>> -> memref<10112x16xf32, #tpu.memory_space<vmem_shared>>
    tpu.enqueue_indirect_dma source(%dma_start3A_12 : memref<10112x16xf32, #tpu.memory_space<vmem_shared>>) target(%arg9 : memref<128x16xf32, #tpu.memory_space<vmem>>) offsets(%dma_start3A_9 : memref<128xi32, #tpu.memory_space<vmem>>) semaphore(%arg15 : memref<!tpu.dma_semaphore, #tpu.memory_space<semaphore_mem>>)
    %dma_start3A_13 = arith.constant 1 : i32
    %dma_start3A_14 = arith.constant 0 : i32
    %dma_start3A_15 = tpu.memref_slice %arg7[%dma_start3A_13, %dma_start3A_14] : memref<79x128xi32, #tpu.memory_space<vmem>> -> memref<1x128xi32, #tpu.memory_space<vmem>>
    %dma_start3A_16 = tpu.memref_squeeze %dma_start3A_15 : memref<1x128xi32, #tpu.memory_space<vmem>> -> memref<128xi32, #tpu.memory_space<vmem>>
    %dma_start3A_17 = arith.constant 0 : i32
    %dma_start3A_18 = arith.constant 0 : i32
    %dma_start3A_19 = tpu.memref_slice %arg13[%dma_start3A_17, %dma_start3A_18] : memref<10112x16xf32, #tpu.memory_space<vmem_shared>> -> memref<10112x16xf32, #tpu.memory_space<vmem_shared>>
    tpu.enqueue_indirect_dma source(%dma_start3A_19 : memref<10112x16xf32, #tpu.memory_space<vmem_shared>>) target(%arg10 : memref<128x16xf32, #tpu.memory_space<vmem>>) offsets(%dma_start3A_16 : memref<128xi32, #tpu.memory_space<vmem>>) semaphore(%arg16 : memref<!tpu.dma_semaphore, #tpu.memory_space<semaphore_mem>>)
    %dma_wait3A = arith.constant 0 : i32
    %dma_wait3A_20 = arith.constant 0 : i32
    %dma_wait3A_21 = tpu.memref_slice %arg7[%dma_wait3A, %dma_wait3A_20] : memref<79x128xi32, #tpu.memory_space<vmem>> -> memref<1x128xi32, #tpu.memory_space<vmem>>
    %dma_wait3A_22 = tpu.memref_squeeze %dma_wait3A_21 : memref<1x128xi32, #tpu.memory_space<vmem>> -> memref<128xi32, #tpu.memory_space<vmem>>
    %dma_wait3A_23 = arith.constant 0 : i32
    %dma_wait3A_24 = arith.constant 0 : i32
    %dma_wait3A_25 = tpu.memref_slice %arg13[%dma_wait3A_23, %dma_wait3A_24] : memref<10112x16xf32, #tpu.memory_space<vmem_shared>> -> memref<10112x16xf32, #tpu.memory_space<vmem_shared>>
    tpu.wait_indirect_dma semaphore(%arg15 : memref<!tpu.dma_semaphore, #tpu.memory_space<semaphore_mem>>) src(%dma_wait3A_25 : memref<10112x16xf32, #tpu.memory_space<vmem_shared>>) dst(%arg9 : memref<128x16xf32, #tpu.memory_space<vmem>>)
    %dma_start3A_26 = arith.constant 0 : i32
    %dma_start3A_27 = arith.constant 0 : i32
    %dma_start3A_28 = tpu.memref_slice %arg8[%dma_start3A_26, %dma_start3A_27] : memref<79x128xi32, #tpu.memory_space<vmem>> -> memref<1x128xi32, #tpu.memory_space<vmem>>
    %dma_start3A_29 = tpu.memref_squeeze %dma_start3A_28 : memref<1x128xi32, #tpu.memory_space<vmem>> -> memref<128xi32, #tpu.memory_space<vmem>>
    %dma_start3A_30 = arith.constant 0 : i32
    %dma_start3A_31 = arith.constant 0 : i32
    %dma_start3A_32 = tpu.memref_slice %arg14[%dma_start3A_30, %dma_start3A_31] : memref<10112x16xf32, #tpu.memory_space<vmem_shared>> -> memref<10112x16xf32, #tpu.memory_space<vmem_shared>>
    tpu.enqueue_indirect_dma source(%arg9 : memref<128x16xf32, #tpu.memory_space<vmem>>) target(%dma_start3A_32 : memref<10112x16xf32, #tpu.memory_space<vmem_shared>>) offsets(%dma_start3A_29 : memref<128xi32, #tpu.memory_space<vmem>>) semaphore(%arg19 : memref<!tpu.dma_semaphore, #tpu.memory_space<semaphore_mem>>) {add = true}
    %dma_start3A_33 = arith.constant 2 : i32
    %dma_start3A_34 = arith.constant 0 : i32
    %dma_start3A_35 = tpu.memref_slice %arg7[%dma_start3A_33, %dma_start3A_34] : memref<79x128xi32, #tpu.memory_space<vmem>> -> memref<1x128xi32, #tpu.memory_space<vmem>>
    %dma_start3A_36 = tpu.memref_squeeze %dma_start3A_35 : memref<1x128xi32, #tpu.memory_space<vmem>> -> memref<128xi32, #tpu.memory_space<vmem>>
    %dma_start3A_37 = arith.constant 0 : i32
    %dma_start3A_38 = arith.constant 0 : i32
    %dma_start3A_39 = tpu.memref_slice %arg13[%dma_start3A_37, %dma_start3A_38] : memref<10112x16xf32, #tpu.memory_space<vmem_shared>> -> memref<10112x16xf32, #tpu.memory_space<vmem_shared>>
    tpu.enqueue_indirect_dma source(%dma_start3A_39 : memref<10112x16xf32, #tpu.memory_space<vmem_shared>>) target(%arg11 : memref<128x16xf32, #tpu.memory_space<vmem>>) offsets(%dma_start3A_36 : memref<128xi32, #tpu.memory_space<vmem>>) semaphore(%arg17 : memref<!tpu.dma_semaphore, #tpu.memory_space<semaphore_mem>>)
    %dma_wait3A_40 = arith.constant 0 : i32
    %dma_wait3A_41 = arith.constant 0 : i32
    %dma_wait3A_42 = tpu.memref_slice %arg7[%dma_wait3A_40, %dma_wait3A_41] : memref<79x128xi32, #tpu.memory_space<vmem>> -> memref<1x128xi32, #tpu.memory_space<vmem>>
    %dma_wait3A_43 = tpu.memref_squeeze %dma_wait3A_42 : memref<1x128xi32, #tpu.memory_space<vmem>> -> memref<128xi32, #tpu.memory_space<vmem>>
    %dma_wait3A_44 = arith.constant 0 : i32
    %dma_wait3A_45 = arith.constant 0 : i32
    %dma_wait3A_46 = tpu.memref_slice %arg13[%dma_wait3A_44, %dma_wait3A_45] : memref<10112x16xf32, #tpu.memory_space<vmem_shared>> -> memref<10112x16xf32, #tpu.memory_space<vmem_shared>>
    tpu.wait_indirect_dma semaphore(%arg16 : memref<!tpu.dma_semaphore, #tpu.memory_space<semaphore_mem>>) src(%dma_wait3A_46 : memref<10112x16xf32, #tpu.memory_space<vmem_shared>>) dst(%arg10 : memref<128x16xf32, #tpu.memory_space<vmem>>)
    %dma_start3A_47 = arith.constant 1 : i32
    %dma_start3A_48 = arith.constant 0 : i32
    %dma_start3A_49 = tpu.memref_slice %arg8[%dma_start3A_47, %dma_start3A_48] : memref<79x128xi32, #tpu.memory_space<vmem>> -> memref<1x128xi32, #tpu.memory_space<vmem>>
    %dma_start3A_50 = tpu.memref_squeeze %dma_start3A_49 : memref<1x128xi32, #tpu.memory_space<vmem>> -> memref<128xi32, #tpu.memory_space<vmem>>
    %dma_start3A_51 = arith.constant 0 : i32
    %dma_start3A_52 = arith.constant 0 : i32
    %dma_start3A_53 = tpu.memref_slice %arg14[%dma_start3A_51, %dma_start3A_52] : memref<10112x16xf32, #tpu.memory_space<vmem_shared>> -> memref<10112x16xf32, #tpu.memory_space<vmem_shared>>
    tpu.enqueue_indirect_dma source(%arg10 : memref<128x16xf32, #tpu.memory_space<vmem>>) target(%dma_start3A_53 : memref<10112x16xf32, #tpu.memory_space<vmem_shared>>) offsets(%dma_start3A_50 : memref<128xi32, #tpu.memory_space<vmem>>) semaphore(%arg20 : memref<!tpu.dma_semaphore, #tpu.memory_space<semaphore_mem>>) {add = true}
    %dma_start3A_54 = arith.constant 3 : i32
    %dma_start3A_55 = arith.constant 0 : i32
    %dma_start3A_56 = tpu.memref_slice %arg7[%dma_start3A_54, %dma_start3A_55] : memref<79x128xi32, #tpu.memory_space<vmem>> -> memref<1x128xi32, #tpu.memory_space<vmem>>
    %dma_start3A_57 = tpu.memref_squeeze %dma_start3A_56 : memref<1x128xi32, #tpu.memory_space<vmem>> -> memref<128xi32, #tpu.memory_space<vmem>>
    %dma_start3A_58 = arith.constant 0 : i32
    %dma_start3A_59 = arith.constant 0 : i32
    %dma_start3A_60 = tpu.memref_slice %arg13[%dma_start3A_58, %dma_start3A_59] : memref<10112x16xf32, #tpu.memory_space<vmem_shared>> -> memref<10112x16xf32, #tpu.memory_space<vmem_shared>>
    tpu.enqueue_indirect_dma source(%dma_start3A_60 : memref<10112x16xf32, #tpu.memory_space<vmem_shared>>) target(%arg12 : memref<128x16xf32, #tpu.memory_space<vmem>>) offsets(%dma_start3A_57 : memref<128xi32, #tpu.memory_space<vmem>>) semaphore(%arg18 : memref<!tpu.dma_semaphore, #tpu.memory_space<semaphore_mem>>)
    %scan3A = arith.constant 0 : i32
    %scan3A_61 = arith.constant 0 : i32
    %scan3A_62 = arith.constant 19 : i32
    %scan3A_63 = arith.addi %scan3A_61, %scan3A_62 : i32
    %scan3A_64 = arith.constant 1 : i32
    scf.for %scan3A_341 = %scan3A_61 to %scan3A_63 step %scan3A_64  : i32 {
      %mul3A_342 = arith.constant 4 : i32
      %mul3A_343 = arith.muli %scan3A_341, %mul3A_342 : i32
      %add3A_344 = arith.constant 2 : i32
      %add3A_345 = arith.addi %mul3A_343, %add3A_344 : i32
      %add3A_346 = arith.constant 0 : i32
      %add3A_347 = arith.addi %add3A_345, %add3A_346 : i32
      %add3A_348 = arith.constant 2 : i32
      %add3A_349 = arith.addi %add3A_347, %add3A_348 : i32
      %lt3A = arith.constant 79 : i32
      %lt3A_350 = arith.cmpi slt, %add3A_349, %lt3A : i32
      %convert_element_type3A = arith.extui %lt3A_350 : i1 to i32
      %cond3A = arith.constant 0 : i32
      %cond3A_351 = arith.cmpi ne, %convert_element_type3A, %cond3A : i32
      scf.if %cond3A_351 {
        %dma_wait3A_443 = arith.constant 0 : i32
        %dma_wait3A_444 = arith.constant 0 : i32
        %dma_wait3A_445 = tpu.memref_slice %arg8[%dma_wait3A_443, %dma_wait3A_444] : memref<79x128xi32, #tpu.memory_space<vmem>> -> memref<1x128xi32, #tpu.memory_space<vmem>>
        %dma_wait3A_446 = tpu.memref_squeeze %dma_wait3A_445 : memref<1x128xi32, #tpu.memory_space<vmem>> -> memref<128xi32, #tpu.memory_space<vmem>>
        %dma_wait3A_447 = arith.constant 0 : i32
        %dma_wait3A_448 = arith.constant 0 : i32
        %dma_wait3A_449 = tpu.memref_slice %arg14[%dma_wait3A_447, %dma_wait3A_448] : memref<10112x16xf32, #tpu.memory_space<vmem_shared>> -> memref<10112x16xf32, #tpu.memory_space<vmem_shared>>
        tpu.wait_indirect_dma semaphore(%arg19 : memref<!tpu.dma_semaphore, #tpu.memory_space<semaphore_mem>>) src(%arg9 : memref<128x16xf32, #tpu.memory_space<vmem>>) dst(%dma_wait3A_449 : memref<10112x16xf32, #tpu.memory_space<vmem_shared>>)
        %add3A_450 = arith.constant 2 : i32
        %add3A_451 = arith.addi %add3A_347, %add3A_450 : i32
        %dma_start3A_452 = arith.constant 0 : i32
        %dma_start3A_453 = tpu.memref_slice %arg7[%add3A_451, %dma_start3A_452] : memref<79x128xi32, #tpu.memory_space<vmem>> -> memref<1x128xi32, #tpu.memory_space<vmem>>
        %dma_start3A_454 = tpu.memref_squeeze %dma_start3A_453 : memref<1x128xi32, #tpu.memory_space<vmem>> -> memref<128xi32, #tpu.memory_space<vmem>>
        %dma_start3A_455 = arith.constant 0 : i32
        %dma_start3A_456 = arith.constant 0 : i32
        %dma_start3A_457 = tpu.memref_slice %arg13[%dma_start3A_455, %dma_start3A_456] : memref<10112x16xf32, #tpu.memory_space<vmem_shared>> -> memref<10112x16xf32, #tpu.memory_space<vmem_shared>>
        tpu.enqueue_indirect_dma source(%dma_start3A_457 : memref<10112x16xf32, #tpu.memory_space<vmem_shared>>) target(%arg9 : memref<128x16xf32, #tpu.memory_space<vmem>>) offsets(%dma_start3A_454 : memref<128xi32, #tpu.memory_space<vmem>>) semaphore(%arg15 : memref<!tpu.dma_semaphore, #tpu.memory_space<semaphore_mem>>)
      } else {
      }
      %dma_wait3A_352 = arith.constant 0 : i32
      %dma_wait3A_353 = arith.constant 0 : i32
      %dma_wait3A_354 = tpu.memref_slice %arg7[%dma_wait3A_352, %dma_wait3A_353] : memref<79x128xi32, #tpu.memory_space<vmem>> -> memref<1x128xi32, #tpu.memory_space<vmem>>
      %dma_wait3A_355 = tpu.memref_squeeze %dma_wait3A_354 : memref<1x128xi32, #tpu.memory_space<vmem>> -> memref<128xi32, #tpu.memory_space<vmem>>
      %dma_wait3A_356 = arith.constant 0 : i32
      %dma_wait3A_357 = arith.constant 0 : i32
      %dma_wait3A_358 = tpu.memref_slice %arg13[%dma_wait3A_356, %dma_wait3A_357] : memref<10112x16xf32, #tpu.memory_space<vmem_shared>> -> memref<10112x16xf32, #tpu.memory_space<vmem_shared>>
      tpu.wait_indirect_dma semaphore(%arg17 : memref<!tpu.dma_semaphore, #tpu.memory_space<semaphore_mem>>) src(%dma_wait3A_358 : memref<10112x16xf32, #tpu.memory_space<vmem_shared>>) dst(%arg11 : memref<128x16xf32, #tpu.memory_space<vmem>>)
      %dma_start3A_359 = arith.constant 0 : i32
      %dma_start3A_360 = tpu.memref_slice %arg8[%add3A_347, %dma_start3A_359] : memref<79x128xi32, #tpu.memory_space<vmem>> -> memref<1x128xi32, #tpu.memory_space<vmem>>
      %dma_start3A_361 = tpu.memref_squeeze %dma_start3A_360 : memref<1x128xi32, #tpu.memory_space<vmem>> -> memref<128xi32, #tpu.memory_space<vmem>>
      %dma_start3A_362 = arith.constant 0 : i32
      %dma_start3A_363 = arith.constant 0 : i32
      %dma_start3A_364 = tpu.memref_slice %arg14[%dma_start3A_362, %dma_start3A_363] : memref<10112x16xf32, #tpu.memory_space<vmem_shared>> -> memref<10112x16xf32, #tpu.memory_space<vmem_shared>>
      tpu.enqueue_indirect_dma source(%arg11 : memref<128x16xf32, #tpu.memory_space<vmem>>) target(%dma_start3A_364 : memref<10112x16xf32, #tpu.memory_space<vmem_shared>>) offsets(%dma_start3A_361 : memref<128xi32, #tpu.memory_space<vmem>>) semaphore(%arg21 : memref<!tpu.dma_semaphore, #tpu.memory_space<semaphore_mem>>) {add = true}
      %mul3A_365 = arith.constant 4 : i32
      %mul3A_366 = arith.muli %scan3A_341, %mul3A_365 : i32
      %add3A_367 = arith.constant 2 : i32
      %add3A_368 = arith.addi %mul3A_366, %add3A_367 : i32
      %add3A_369 = arith.constant 1 : i32
      %add3A_370 = arith.addi %add3A_368, %add3A_369 : i32
      %add3A_371 = arith.constant 2 : i32
      %add3A_372 = arith.addi %add3A_370, %add3A_371 : i32
      %lt3A_373 = arith.constant 79 : i32
      %lt3A_374 = arith.cmpi slt, %add3A_372, %lt3A_373 : i32
      %convert_element_type3A_375 = arith.extui %lt3A_374 : i1 to i32
      %cond3A_376 = arith.constant 0 : i32
      %cond3A_377 = arith.cmpi ne, %convert_element_type3A_375, %cond3A_376 : i32
      scf.if %cond3A_377 {
        %dma_wait3A_443 = arith.constant 0 : i32
        %dma_wait3A_444 = arith.constant 0 : i32
        %dma_wait3A_445 = tpu.memref_slice %arg8[%dma_wait3A_443, %dma_wait3A_444] : memref<79x128xi32, #tpu.memory_space<vmem>> -> memref<1x128xi32, #tpu.memory_space<vmem>>
        %dma_wait3A_446 = tpu.memref_squeeze %dma_wait3A_445 : memref<1x128xi32, #tpu.memory_space<vmem>> -> memref<128xi32, #tpu.memory_space<vmem>>
        %dma_wait3A_447 = arith.constant 0 : i32
        %dma_wait3A_448 = arith.constant 0 : i32
        %dma_wait3A_449 = tpu.memref_slice %arg14[%dma_wait3A_447, %dma_wait3A_448] : memref<10112x16xf32, #tpu.memory_space<vmem_shared>> -> memref<10112x16xf32, #tpu.memory_space<vmem_shared>>
        tpu.wait_indirect_dma semaphore(%arg20 : memref<!tpu.dma_semaphore, #tpu.memory_space<semaphore_mem>>) src(%arg10 : memref<128x16xf32, #tpu.memory_space<vmem>>) dst(%dma_wait3A_449 : memref<10112x16xf32, #tpu.memory_space<vmem_shared>>)
        %add3A_450 = arith.constant 2 : i32
        %add3A_451 = arith.addi %add3A_370, %add3A_450 : i32
        %dma_start3A_452 = arith.constant 0 : i32
        %dma_start3A_453 = tpu.memref_slice %arg7[%add3A_451, %dma_start3A_452] : memref<79x128xi32, #tpu.memory_space<vmem>> -> memref<1x128xi32, #tpu.memory_space<vmem>>
        %dma_start3A_454 = tpu.memref_squeeze %dma_start3A_453 : memref<1x128xi32, #tpu.memory_space<vmem>> -> memref<128xi32, #tpu.memory_space<vmem>>
        %dma_start3A_455 = arith.constant 0 : i32
        %dma_start3A_456 = arith.constant 0 : i32
        %dma_start3A_457 = tpu.memref_slice %arg13[%dma_start3A_455, %dma_start3A_456] : memref<10112x16xf32, #tpu.memory_space<vmem_shared>> -> memref<10112x16xf32, #tpu.memory_space<vmem_shared>>
        tpu.enqueue_indirect_dma source(%dma_start3A_457 : memref<10112x16xf32, #tpu.memory_space<vmem_shared>>) target(%arg10 : memref<128x16xf32, #tpu.memory_space<vmem>>) offsets(%dma_start3A_454 : memref<128xi32, #tpu.memory_space<vmem>>) semaphore(%arg16 : memref<!tpu.dma_semaphore, #tpu.memory_space<semaphore_mem>>)
      } else {
      }
      %dma_wait3A_378 = arith.constant 0 : i32
      %dma_wait3A_379 = arith.constant 0 : i32
      %dma_wait3A_380 = tpu.memref_slice %arg7[%dma_wait3A_378, %dma_wait3A_379] : memref<79x128xi32, #tpu.memory_space<vmem>> -> memref<1x128xi32, #tpu.memory_space<vmem>>
      %dma_wait3A_381 = tpu.memref_squeeze %dma_wait3A_380 : memref<1x128xi32, #tpu.memory_space<vmem>> -> memref<128xi32, #tpu.memory_space<vmem>>
      %dma_wait3A_382 = arith.constant 0 : i32
      %dma_wait3A_383 = arith.constant 0 : i32
      %dma_wait3A_384 = tpu.memref_slice %arg13[%dma_wait3A_382, %dma_wait3A_383] : memref<10112x16xf32, #tpu.memory_space<vmem_shared>> -> memref<10112x16xf32, #tpu.memory_space<vmem_shared>>
      tpu.wait_indirect_dma semaphore(%arg18 : memref<!tpu.dma_semaphore, #tpu.memory_space<semaphore_mem>>) src(%dma_wait3A_384 : memref<10112x16xf32, #tpu.memory_space<vmem_shared>>) dst(%arg12 : memref<128x16xf32, #tpu.memory_space<vmem>>)
      %dma_start3A_385 = arith.constant 0 : i32
      %dma_start3A_386 = tpu.memref_slice %arg8[%add3A_370, %dma_start3A_385] : memref<79x128xi32, #tpu.memory_space<vmem>> -> memref<1x128xi32, #tpu.memory_space<vmem>>
      %dma_start3A_387 = tpu.memref_squeeze %dma_start3A_386 : memref<1x128xi32, #tpu.memory_space<vmem>> -> memref<128xi32, #tpu.memory_space<vmem>>
      %dma_start3A_388 = arith.constant 0 : i32
      %dma_start3A_389 = arith.constant 0 : i32
      %dma_start3A_390 = tpu.memref_slice %arg14[%dma_start3A_388, %dma_start3A_389] : memref<10112x16xf32, #tpu.memory_space<vmem_shared>> -> memref<10112x16xf32, #tpu.memory_space<vmem_shared>>
      tpu.enqueue_indirect_dma source(%arg12 : memref<128x16xf32, #tpu.memory_space<vmem>>) target(%dma_start3A_390 : memref<10112x16xf32, #tpu.memory_space<vmem_shared>>) offsets(%dma_start3A_387 : memref<128xi32, #tpu.memory_space<vmem>>) semaphore(%arg22 : memref<!tpu.dma_semaphore, #tpu.memory_space<semaphore_mem>>) {add = true}
      %mul3A_391 = arith.constant 4 : i32
      %mul3A_392 = arith.muli %scan3A_341, %mul3A_391 : i32
      %add3A_393 = arith.constant 2 : i32
      %add3A_394 = arith.addi %mul3A_392, %add3A_393 : i32
      %add3A_395 = arith.constant 2 : i32
      %add3A_396 = arith.addi %add3A_394, %add3A_395 : i32
      %add3A_397 = arith.constant 2 : i32
      %add3A_398 = arith.addi %add3A_396, %add3A_397 : i32
      %lt3A_399 = arith.constant 79 : i32
      %lt3A_400 = arith.cmpi slt, %add3A_398, %lt3A_399 : i32
      %convert_element_type3A_401 = arith.extui %lt3A_400 : i1 to i32
      %cond3A_402 = arith.constant 0 : i32
      %cond3A_403 = arith.cmpi ne, %convert_element_type3A_401, %cond3A_402 : i32
      scf.if %cond3A_403 {
        %dma_wait3A_443 = arith.constant 0 : i32
        %dma_wait3A_444 = arith.constant 0 : i32
        %dma_wait3A_445 = tpu.memref_slice %arg8[%dma_wait3A_443, %dma_wait3A_444] : memref<79x128xi32, #tpu.memory_space<vmem>> -> memref<1x128xi32, #tpu.memory_space<vmem>>
        %dma_wait3A_446 = tpu.memref_squeeze %dma_wait3A_445 : memref<1x128xi32, #tpu.memory_space<vmem>> -> memref<128xi32, #tpu.memory_space<vmem>>
        %dma_wait3A_447 = arith.constant 0 : i32
        %dma_wait3A_448 = arith.constant 0 : i32
        %dma_wait3A_449 = tpu.memref_slice %arg14[%dma_wait3A_447, %dma_wait3A_448] : memref<10112x16xf32, #tpu.memory_space<vmem_shared>> -> memref<10112x16xf32, #tpu.memory_space<vmem_shared>>
        tpu.wait_indirect_dma semaphore(%arg21 : memref<!tpu.dma_semaphore, #tpu.memory_space<semaphore_mem>>) src(%arg11 : memref<128x16xf32, #tpu.memory_space<vmem>>) dst(%dma_wait3A_449 : memref<10112x16xf32, #tpu.memory_space<vmem_shared>>)
        %add3A_450 = arith.constant 2 : i32
        %add3A_451 = arith.addi %add3A_396, %add3A_450 : i32
        %dma_start3A_452 = arith.constant 0 : i32
        %dma_start3A_453 = tpu.memref_slice %arg7[%add3A_451, %dma_start3A_452] : memref<79x128xi32, #tpu.memory_space<vmem>> -> memref<1x128xi32, #tpu.memory_space<vmem>>
        %dma_start3A_454 = tpu.memref_squeeze %dma_start3A_453 : memref<1x128xi32, #tpu.memory_space<vmem>> -> memref<128xi32, #tpu.memory_space<vmem>>
        %dma_start3A_455 = arith.constant 0 : i32
        %dma_start3A_456 = arith.constant 0 : i32
        %dma_start3A_457 = tpu.memref_slice %arg13[%dma_start3A_455, %dma_start3A_456] : memref<10112x16xf32, #tpu.memory_space<vmem_shared>> -> memref<10112x16xf32, #tpu.memory_space<vmem_shared>>
        tpu.enqueue_indirect_dma source(%dma_start3A_457 : memref<10112x16xf32, #tpu.memory_space<vmem_shared>>) target(%arg11 : memref<128x16xf32, #tpu.memory_space<vmem>>) offsets(%dma_start3A_454 : memref<128xi32, #tpu.memory_space<vmem>>) semaphore(%arg17 : memref<!tpu.dma_semaphore, #tpu.memory_space<semaphore_mem>>)
      } else {
      }
      %dma_wait3A_404 = arith.constant 0 : i32
      %dma_wait3A_405 = arith.constant 0 : i32
      %dma_wait3A_406 = tpu.memref_slice %arg7[%dma_wait3A_404, %dma_wait3A_405] : memref<79x128xi32, #tpu.memory_space<vmem>> -> memref<1x128xi32, #tpu.memory_space<vmem>>
      %dma_wait3A_407 = tpu.memref_squeeze %dma_wait3A_406 : memref<1x128xi32, #tpu.memory_space<vmem>> -> memref<128xi32, #tpu.memory_space<vmem>>
      %dma_wait3A_408 = arith.constant 0 : i32
      %dma_wait3A_409 = arith.constant 0 : i32
      %dma_wait3A_410 = tpu.memref_slice %arg13[%dma_wait3A_408, %dma_wait3A_409] : memref<10112x16xf32, #tpu.memory_space<vmem_shared>> -> memref<10112x16xf32, #tpu.memory_space<vmem_shared>>
      tpu.wait_indirect_dma semaphore(%arg15 : memref<!tpu.dma_semaphore, #tpu.memory_space<semaphore_mem>>) src(%dma_wait3A_410 : memref<10112x16xf32, #tpu.memory_space<vmem_shared>>) dst(%arg9 : memref<128x16xf32, #tpu.memory_space<vmem>>)
      %dma_start3A_411 = arith.constant 0 : i32
      %dma_start3A_412 = tpu.memref_slice %arg8[%add3A_396, %dma_start3A_411] : memref<79x128xi32, #tpu.memory_space<vmem>> -> memref<1x128xi32, #tpu.memory_space<vmem>>
      %dma_start3A_413 = tpu.memref_squeeze %dma_start3A_412 : memref<1x128xi32, #tpu.memory_space<vmem>> -> memref<128xi32, #tpu.memory_space<vmem>>
      %dma_start3A_414 = arith.constant 0 : i32
      %dma_start3A_415 = arith.constant 0 : i32
      %dma_start3A_416 = tpu.memref_slice %arg14[%dma_start3A_414, %dma_start3A_415] : memref<10112x16xf32, #tpu.memory_space<vmem_shared>> -> memref<10112x16xf32, #tpu.memory_space<vmem_shared>>
      tpu.enqueue_indirect_dma source(%arg9 : memref<128x16xf32, #tpu.memory_space<vmem>>) target(%dma_start3A_416 : memref<10112x16xf32, #tpu.memory_space<vmem_shared>>) offsets(%dma_start3A_413 : memref<128xi32, #tpu.memory_space<vmem>>) semaphore(%arg19 : memref<!tpu.dma_semaphore, #tpu.memory_space<semaphore_mem>>) {add = true}
      %mul3A_417 = arith.constant 4 : i32
      %mul3A_418 = arith.muli %scan3A_341, %mul3A_417 : i32
      %add3A_419 = arith.constant 2 : i32
      %add3A_420 = arith.addi %mul3A_418, %add3A_419 : i32
      %add3A_421 = arith.constant 3 : i32
      %add3A_422 = arith.addi %add3A_420, %add3A_421 : i32
      %add3A_423 = arith.constant 2 : i32
      %add3A_424 = arith.addi %add3A_422, %add3A_423 : i32
      %lt3A_425 = arith.constant 79 : i32
      %lt3A_426 = arith.cmpi slt, %add3A_424, %lt3A_425 : i32
      %convert_element_type3A_427 = arith.extui %lt3A_426 : i1 to i32
      %cond3A_428 = arith.constant 0 : i32
      %cond3A_429 = arith.cmpi ne, %convert_element_type3A_427, %cond3A_428 : i32
      scf.if %cond3A_429 {
        %dma_wait3A_443 = arith.constant 0 : i32
        %dma_wait3A_444 = arith.constant 0 : i32
        %dma_wait3A_445 = tpu.memref_slice %arg8[%dma_wait3A_443, %dma_wait3A_444] : memref<79x128xi32, #tpu.memory_space<vmem>> -> memref<1x128xi32, #tpu.memory_space<vmem>>
        %dma_wait3A_446 = tpu.memref_squeeze %dma_wait3A_445 : memref<1x128xi32, #tpu.memory_space<vmem>> -> memref<128xi32, #tpu.memory_space<vmem>>
        %dma_wait3A_447 = arith.constant 0 : i32
        %dma_wait3A_448 = arith.constant 0 : i32
        %dma_wait3A_449 = tpu.memref_slice %arg14[%dma_wait3A_447, %dma_wait3A_448] : memref<10112x16xf32, #tpu.memory_space<vmem_shared>> -> memref<10112x16xf32, #tpu.memory_space<vmem_shared>>
        tpu.wait_indirect_dma semaphore(%arg22 : memref<!tpu.dma_semaphore, #tpu.memory_space<semaphore_mem>>) src(%arg12 : memref<128x16xf32, #tpu.memory_space<vmem>>) dst(%dma_wait3A_449 : memref<10112x16xf32, #tpu.memory_space<vmem_shared>>)
        %add3A_450 = arith.constant 2 : i32
        %add3A_451 = arith.addi %add3A_422, %add3A_450 : i32
        %dma_start3A_452 = arith.constant 0 : i32
        %dma_start3A_453 = tpu.memref_slice %arg7[%add3A_451, %dma_start3A_452] : memref<79x128xi32, #tpu.memory_space<vmem>> -> memref<1x128xi32, #tpu.memory_space<vmem>>
        %dma_start3A_454 = tpu.memref_squeeze %dma_start3A_453 : memref<1x128xi32, #tpu.memory_space<vmem>> -> memref<128xi32, #tpu.memory_space<vmem>>
        %dma_start3A_455 = arith.constant 0 : i32
        %dma_start3A_456 = arith.constant 0 : i32
        %dma_start3A_457 = tpu.memref_slice %arg13[%dma_start3A_455, %dma_start3A_456] : memref<10112x16xf32, #tpu.memory_space<vmem_shared>> -> memref<10112x16xf32, #tpu.memory_space<vmem_shared>>
        tpu.enqueue_indirect_dma source(%dma_start3A_457 : memref<10112x16xf32, #tpu.memory_space<vmem_shared>>) target(%arg12 : memref<128x16xf32, #tpu.memory_space<vmem>>) offsets(%dma_start3A_454 : memref<128xi32, #tpu.memory_space<vmem>>) semaphore(%arg18 : memref<!tpu.dma_semaphore, #tpu.memory_space<semaphore_mem>>)
      } else {
      }
      %dma_wait3A_430 = arith.constant 0 : i32
      %dma_wait3A_431 = arith.constant 0 : i32
      %dma_wait3A_432 = tpu.memref_slice %arg7[%dma_wait3A_430, %dma_wait3A_431] : memref<79x128xi32, #tpu.memory_space<vmem>> -> memref<1x128xi32, #tpu.memory_space<vmem>>
      %dma_wait3A_433 = tpu.memref_squeeze %dma_wait3A_432 : memref<1x128xi32, #tpu.memory_space<vmem>> -> memref<128xi32, #tpu.memory_space<vmem>>
      %dma_wait3A_434 = arith.constant 0 : i32
      %dma_wait3A_435 = arith.constant 0 : i32
      %dma_wait3A_436 = tpu.memref_slice %arg13[%dma_wait3A_434, %dma_wait3A_435] : memref<10112x16xf32, #tpu.memory_space<vmem_shared>> -> memref<10112x16xf32, #tpu.memory_space<vmem_shared>>
      tpu.wait_indirect_dma semaphore(%arg16 : memref<!tpu.dma_semaphore, #tpu.memory_space<semaphore_mem>>) src(%dma_wait3A_436 : memref<10112x16xf32, #tpu.memory_space<vmem_shared>>) dst(%arg10 : memref<128x16xf32, #tpu.memory_space<vmem>>)
      %dma_start3A_437 = arith.constant 0 : i32
      %dma_start3A_438 = tpu.memref_slice %arg8[%add3A_422, %dma_start3A_437] : memref<79x128xi32, #tpu.memory_space<vmem>> -> memref<1x128xi32, #tpu.memory_space<vmem>>
      %dma_start3A_439 = tpu.memref_squeeze %dma_start3A_438 : memref<1x128xi32, #tpu.memory_space<vmem>> -> memref<128xi32, #tpu.memory_space<vmem>>
      %dma_start3A_440 = arith.constant 0 : i32
      %dma_start3A_441 = arith.constant 0 : i32
      %dma_start3A_442 = tpu.memref_slice %arg14[%dma_start3A_440, %dma_start3A_441] : memref<10112x16xf32, #tpu.memory_space<vmem_shared>> -> memref<10112x16xf32, #tpu.memory_space<vmem_shared>>
      tpu.enqueue_indirect_dma source(%arg10 : memref<128x16xf32, #tpu.memory_space<vmem>>) target(%dma_start3A_442 : memref<10112x16xf32, #tpu.memory_space<vmem_shared>>) offsets(%dma_start3A_439 : memref<128xi32, #tpu.memory_space<vmem>>) semaphore(%arg20 : memref<!tpu.dma_semaphore, #tpu.memory_space<semaphore_mem>>) {add = true}
    }
    %scan3A_65 = arith.constant 19 : i32
    %dma_wait3A_66 = arith.constant 0 : i32
    %dma_wait3A_67 = arith.constant 0 : i32
    %dma_wait3A_68 = tpu.memref_slice %arg7[%dma_wait3A_66, %dma_wait3A_67] : memref<79x128xi32, #tpu.memory_space<vmem>> -> memref<1x128xi32, #tpu.memory_space<vmem>>
    %dma_wait3A_69 = tpu.memref_squeeze %dma_wait3A_68 : memref<1x128xi32, #tpu.memory_space<vmem>> -> memref<128xi32, #tpu.memory_space<vmem>>
    %dma_wait3A_70 = arith.constant 0 : i32
    %dma_wait3A_71 = arith.constant 0 : i32
    %dma_wait3A_72 = tpu.memref_slice %arg13[%dma_wait3A_70, %dma_wait3A_71] : memref<10112x16xf32, #tpu.memory_space<vmem_shared>> -> memref<10112x16xf32, #tpu.memory_space<vmem_shared>>
    tpu.wait_indirect_dma semaphore(%arg17 : memref<!tpu.dma_semaphore, #tpu.memory_space<semaphore_mem>>) src(%dma_wait3A_72 : memref<10112x16xf32, #tpu.memory_space<vmem_shared>>) dst(%arg11 : memref<128x16xf32, #tpu.memory_space<vmem>>)
    %dma_start3A_73 = arith.constant 78 : i32
    %dma_start3A_74 = arith.constant 0 : i32
    %dma_start3A_75 = tpu.memref_slice %arg8[%dma_start3A_73, %dma_start3A_74] : memref<79x128xi32, #tpu.memory_space<vmem>> -> memref<1x128xi32, #tpu.memory_space<vmem>>
    %dma_start3A_76 = tpu.memref_squeeze %dma_start3A_75 : memref<1x128xi32, #tpu.memory_space<vmem>> -> memref<128xi32, #tpu.memory_space<vmem>>
    %dma_start3A_77 = arith.constant 0 : i32
    %dma_start3A_78 = arith.constant 0 : i32
    %dma_start3A_79 = tpu.memref_slice %arg14[%dma_start3A_77, %dma_start3A_78] : memref<10112x16xf32, #tpu.memory_space<vmem_shared>> -> memref<10112x16xf32, #tpu.memory_space<vmem_shared>>
    tpu.enqueue_indirect_dma source(%arg11 : memref<128x16xf32, #tpu.memory_space<vmem>>) target(%dma_start3A_79 : memref<10112x16xf32, #tpu.memory_space<vmem_shared>>) offsets(%dma_start3A_76 : memref<128xi32, #tpu.memory_space<vmem>>) semaphore(%arg21 : memref<!tpu.dma_semaphore, #tpu.memory_space<semaphore_mem>>) {add = true}
    %dma_wait3A_80 = arith.constant 0 : i32
    %dma_wait3A_81 = arith.constant 0 : i32
    %dma_wait3A_82 = tpu.memref_slice %arg8[%dma_wait3A_80, %dma_wait3A_81] : memref<79x128xi32, #tpu.memory_space<vmem>> -> memref<1x128xi32, #tpu.memory_space<vmem>>
    %dma_wait3A_83 = tpu.memref_squeeze %dma_wait3A_82 : memref<1x128xi32, #tpu.memory_space<vmem>> -> memref<128xi32, #tpu.memory_space<vmem>>
    %dma_wait3A_84 = arith.constant 0 : i32
    %dma_wait3A_85 = arith.constant 0 : i32
    %dma_wait3A_86 = tpu.memref_slice %arg14[%dma_wait3A_84, %dma_wait3A_85] : memref<10112x16xf32, #tpu.memory_space<vmem_shared>> -> memref<10112x16xf32, #tpu.memory_space<vmem_shared>>
    tpu.wait_indirect_dma semaphore(%arg19 : memref<!tpu.dma_semaphore, #tpu.memory_space<semaphore_mem>>) src(%arg9 : memref<128x16xf32, #tpu.memory_space<vmem>>) dst(%dma_wait3A_86 : memref<10112x16xf32, #tpu.memory_space<vmem_shared>>)
    %dma_wait3A_87 = arith.constant 0 : i32
    %dma_wait3A_88 = arith.constant 0 : i32
    %dma_wait3A_89 = tpu.memref_slice %arg8[%dma_wait3A_87, %dma_wait3A_88] : memref<79x128xi32, #tpu.memory_space<vmem>> -> memref<1x128xi32, #tpu.memory_space<vmem>>
    %dma_wait3A_90 = tpu.memref_squeeze %dma_wait3A_89 : memref<1x128xi32, #tpu.memory_space<vmem>> -> memref<128xi32, #tpu.memory_space<vmem>>
    %dma_wait3A_91 = arith.constant 0 : i32
    %dma_wait3A_92 = arith.constant 0 : i32
    %dma_wait3A_93 = tpu.memref_slice %arg14[%dma_wait3A_91, %dma_wait3A_92] : memref<10112x16xf32, #tpu.memory_space<vmem_shared>> -> memref<10112x16xf32, #tpu.memory_space<vmem_shared>>
    tpu.wait_indirect_dma semaphore(%arg20 : memref<!tpu.dma_semaphore, #tpu.memory_space<semaphore_mem>>) src(%arg10 : memref<128x16xf32, #tpu.memory_space<vmem>>) dst(%dma_wait3A_93 : memref<10112x16xf32, #tpu.memory_space<vmem_shared>>)
    %dma_wait3A_94 = arith.constant 0 : i32
    %dma_wait3A_95 = arith.constant 0 : i32
    %dma_wait3A_96 = tpu.memref_slice %arg8[%dma_wait3A_94, %dma_wait3A_95] : memref<79x128xi32, #tpu.memory_space<vmem>> -> memref<1x128xi32, #tpu.memory_space<vmem>>
    %dma_wait3A_97 = tpu.memref_squeeze %dma_wait3A_96 : memref<1x128xi32, #tpu.memory_space<vmem>> -> memref<128xi32, #tpu.memory_space<vmem>>
    %dma_wait3A_98 = arith.constant 0 : i32
    %dma_wait3A_99 = arith.constant 0 : i32
    %dma_wait3A_100 = tpu.memref_slice %arg14[%dma_wait3A_98, %dma_wait3A_99] : memref<10112x16xf32, #tpu.memory_space<vmem_shared>> -> memref<10112x16xf32, #tpu.memory_space<vmem_shared>>
    tpu.wait_indirect_dma semaphore(%arg21 : memref<!tpu.dma_semaphore, #tpu.memory_space<semaphore_mem>>) src(%arg11 : memref<128x16xf32, #tpu.memory_space<vmem>>) dst(%dma_wait3A_100 : memref<10112x16xf32, #tpu.memory_space<vmem_shared>>)
    %dma_wait3A_101 = arith.constant 0 : i32
    %dma_wait3A_102 = arith.constant 0 : i32
    %dma_wait3A_103 = tpu.memref_slice %arg8[%dma_wait3A_101, %dma_wait3A_102] : memref<79x128xi32, #tpu.memory_space<vmem>> -> memref<1x128xi32, #tpu.memory_space<vmem>>
    %dma_wait3A_104 = tpu.memref_squeeze %dma_wait3A_103 : memref<1x128xi32, #tpu.memory_space<vmem>> -> memref<128xi32, #tpu.memory_space<vmem>>
    %dma_wait3A_105 = arith.constant 0 : i32
    %dma_wait3A_106 = arith.constant 0 : i32
    %dma_wait3A_107 = tpu.memref_slice %arg14[%dma_wait3A_105, %dma_wait3A_106] : memref<10112x16xf32, #tpu.memory_space<vmem_shared>> -> memref<10112x16xf32, #tpu.memory_space<vmem_shared>>
    tpu.wait_indirect_dma semaphore(%arg22 : memref<!tpu.dma_semaphore, #tpu.memory_space<semaphore_mem>>) src(%arg12 : memref<128x16xf32, #tpu.memory_space<vmem>>) dst(%dma_wait3A_107 : memref<10112x16xf32, #tpu.memory_space<vmem_shared>>)
    %barrier3A_108 = arith.constant 0 : index
    tpu.barrier barrier_id(%barrier3A_108)
    %mul3A_109 = arith.constant 632 : i32
    %mul3A_110 = arith.muli %arg1, %mul3A_109 : i32
    %add3A_111 = arith.constant 0 : i32
    %add3A_112 = arith.addi %add3A_111, %mul3A_110 : i32
    "tpu.region"() ({
      %run_scoped3A = tpu.sem_alloc : memref<!tpu.dma_semaphore, #tpu.memory_space<semaphore_mem>>
      %dma_start3A_341 = arith.constant 0 : i32
      %dma_start3A_342 = tpu.memref_slice %arg6[%arg0, %add3A_112, %dma_start3A_341] : memref<2x30336x16xf32, #tpu.memory_space<hbm>> -> memref<1x632x16xf32, #tpu.memory_space<hbm>>
      %dma_start3A_343 = tpu.memref_squeeze %dma_start3A_342 : memref<1x632x16xf32, #tpu.memory_space<hbm>> -> memref<632x16xf32, #tpu.memory_space<hbm>>
      %dma_start3A_344 = arith.constant 0 : i32
      %dma_start3A_345 = tpu.memref_slice %arg14[%mul3A_2, %dma_start3A_344] : memref<10112x16xf32, #tpu.memory_space<vmem_shared>> -> memref<632x16xf32, #tpu.memory_space<vmem_shared>>
      tpu.enqueue_dma source(%dma_start3A_345 : memref<632x16xf32, #tpu.memory_space<vmem_shared>>) target(%dma_start3A_343 : memref<632x16xf32, #tpu.memory_space<hbm>>) target_semaphore(%run_scoped3A : memref<!tpu.dma_semaphore, #tpu.memory_space<semaphore_mem>>)
      %dma_wait3A_346 = arith.constant 0 : i32
      %dma_wait3A_347 = tpu.memref_slice %arg6[%arg0, %add3A_112, %dma_wait3A_346] : memref<2x30336x16xf32, #tpu.memory_space<hbm>> -> memref<1x632x16xf32, #tpu.memory_space<hbm>>
      %dma_wait3A_348 = tpu.memref_squeeze %dma_wait3A_347 : memref<1x632x16xf32, #tpu.memory_space<hbm>> -> memref<632x16xf32, #tpu.memory_space<hbm>>
      %dma_wait3A_349 = arith.constant 0 : i32
      %dma_wait3A_350 = tpu.memref_slice %arg14[%mul3A_2, %dma_wait3A_349] : memref<10112x16xf32, #tpu.memory_space<vmem_shared>> -> memref<632x16xf32, #tpu.memory_space<vmem_shared>>
      tpu.wait_dma2 semaphore(%run_scoped3A : memref<!tpu.dma_semaphore, #tpu.memory_space<semaphore_mem>>) src(%dma_wait3A_350 : memref<632x16xf32, #tpu.memory_space<vmem_shared>>) dst(%dma_wait3A_348 : memref<632x16xf32, #tpu.memory_space<hbm>>)
      tpu.yield
    }) : () -> ()
    %mul3A_113 = arith.constant 632 : i32
    %mul3A_114 = arith.muli %arg1, %mul3A_113 : i32
    %add3A_115 = arith.constant 10112 : i32
    %add3A_116 = arith.addi %add3A_115, %mul3A_114 : i32
    "tpu.region"() ({
      %run_scoped3A = tpu.sem_alloc : memref<!tpu.dma_semaphore, #tpu.memory_space<semaphore_mem>>
      %dma_start3A_341 = arith.constant 0 : i32
      %dma_start3A_342 = tpu.memref_slice %arg13[%mul3A_2, %dma_start3A_341] : memref<10112x16xf32, #tpu.memory_space<vmem_shared>> -> memref<632x16xf32, #tpu.memory_space<vmem_shared>>
      %dma_start3A_343 = arith.constant 0 : i32
      %dma_start3A_344 = tpu.memref_slice %arg2[%add3A_116, %dma_start3A_343] : memref<30336x16xf32, #tpu.memory_space<hbm>> -> memref<632x16xf32, #tpu.memory_space<hbm>>
      tpu.enqueue_dma source(%dma_start3A_344 : memref<632x16xf32, #tpu.memory_space<hbm>>) target(%dma_start3A_342 : memref<632x16xf32, #tpu.memory_space<vmem_shared>>) target_semaphore(%run_scoped3A : memref<!tpu.dma_semaphore, #tpu.memory_space<semaphore_mem>>)
      %dma_wait3A_345 = arith.constant 0 : i32
      %dma_wait3A_346 = tpu.memref_slice %arg13[%mul3A_2, %dma_wait3A_345] : memref<10112x16xf32, #tpu.memory_space<vmem_shared>> -> memref<632x16xf32, #tpu.memory_space<vmem_shared>>
      %dma_wait3A_347 = arith.constant 0 : i32
      %dma_wait3A_348 = tpu.memref_slice %arg2[%add3A_116, %dma_wait3A_347] : memref<30336x16xf32, #tpu.memory_space<hbm>> -> memref<632x16xf32, #tpu.memory_space<hbm>>
      tpu.wait_dma2 semaphore(%run_scoped3A : memref<!tpu.dma_semaphore, #tpu.memory_space<semaphore_mem>>) src(%dma_wait3A_348 : memref<632x16xf32, #tpu.memory_space<hbm>>) dst(%dma_wait3A_346 : memref<632x16xf32, #tpu.memory_space<vmem_shared>>)
      tpu.yield
    }) : () -> ()
    "tpu.region"() ({
      %run_scoped3A = tpu.sem_alloc : memref<!tpu.dma_semaphore, #tpu.memory_space<semaphore_mem>>
      %dma_start3A_341 = arith.constant 0 : i32
      %dma_start3A_342 = tpu.memref_slice %arg14[%mul3A_2, %dma_start3A_341] : memref<10112x16xf32, #tpu.memory_space<vmem_shared>> -> memref<632x16xf32, #tpu.memory_space<vmem_shared>>
      tpu.enqueue_dma source(%arg5 : memref<632x16xf32, #tpu.memory_space<hbm>>) target(%dma_start3A_342 : memref<632x16xf32, #tpu.memory_space<vmem_shared>>) target_semaphore(%run_scoped3A : memref<!tpu.dma_semaphore, #tpu.memory_space<semaphore_mem>>)
      %dma_wait3A_343 = arith.constant 0 : i32
      %dma_wait3A_344 = tpu.memref_slice %arg14[%mul3A_2, %dma_wait3A_343] : memref<10112x16xf32, #tpu.memory_space<vmem_shared>> -> memref<632x16xf32, #tpu.memory_space<vmem_shared>>
      tpu.wait_dma2 semaphore(%run_scoped3A : memref<!tpu.dma_semaphore, #tpu.memory_space<semaphore_mem>>) src(%arg5 : memref<632x16xf32, #tpu.memory_space<hbm>>) dst(%dma_wait3A_344 : memref<632x16xf32, #tpu.memory_space<vmem_shared>>)
      tpu.yield
    }) : () -> ()
    %barrier3A_117 = arith.constant 0 : index
    tpu.barrier barrier_id(%barrier3A_117)
    %dma_start3A_118 = arith.constant 0 : i32
    %dma_start3A_119 = arith.constant 0 : i32
    %dma_start3A_120 = tpu.memref_slice %arg7[%dma_start3A_118, %dma_start3A_119] : memref<79x128xi32, #tpu.memory_space<vmem>> -> memref<1x128xi32, #tpu.memory_space<vmem>>
    %dma_start3A_121 = tpu.memref_squeeze %dma_start3A_120 : memref<1x128xi32, #tpu.memory_space<vmem>> -> memref<128xi32, #tpu.memory_space<vmem>>
    %dma_start3A_122 = arith.constant 0 : i32
    %dma_start3A_123 = arith.constant 0 : i32
    %dma_start3A_124 = tpu.memref_slice %arg13[%dma_start3A_122, %dma_start3A_123] : memref<10112x16xf32, #tpu.memory_space<vmem_shared>> -> memref<10112x16xf32, #tpu.memory_space<vmem_shared>>
    tpu.enqueue_indirect_dma source(%dma_start3A_124 : memref<10112x16xf32, #tpu.memory_space<vmem_shared>>) target(%arg9 : memref<128x16xf32, #tpu.memory_space<vmem>>) offsets(%dma_start3A_121 : memref<128xi32, #tpu.memory_space<vmem>>) semaphore(%arg15 : memref<!tpu.dma_semaphore, #tpu.memory_space<semaphore_mem>>)
    %dma_start3A_125 = arith.constant 1 : i32
    %dma_start3A_126 = arith.constant 0 : i32
    %dma_start3A_127 = tpu.memref_slice %arg7[%dma_start3A_125, %dma_start3A_126] : memref<79x128xi32, #tpu.memory_space<vmem>> -> memref<1x128xi32, #tpu.memory_space<vmem>>
    %dma_start3A_128 = tpu.memref_squeeze %dma_start3A_127 : memref<1x128xi32, #tpu.memory_space<vmem>> -> memref<128xi32, #tpu.memory_space<vmem>>
    %dma_start3A_129 = arith.constant 0 : i32
    %dma_start3A_130 = arith.constant 0 : i32
    %dma_start3A_131 = tpu.memref_slice %arg13[%dma_start3A_129, %dma_start3A_130] : memref<10112x16xf32, #tpu.memory_space<vmem_shared>> -> memref<10112x16xf32, #tpu.memory_space<vmem_shared>>
    tpu.enqueue_indirect_dma source(%dma_start3A_131 : memref<10112x16xf32, #tpu.memory_space<vmem_shared>>) target(%arg10 : memref<128x16xf32, #tpu.memory_space<vmem>>) offsets(%dma_start3A_128 : memref<128xi32, #tpu.memory_space<vmem>>) semaphore(%arg16 : memref<!tpu.dma_semaphore, #tpu.memory_space<semaphore_mem>>)
    %dma_wait3A_132 = arith.constant 0 : i32
    %dma_wait3A_133 = arith.constant 0 : i32
    %dma_wait3A_134 = tpu.memref_slice %arg7[%dma_wait3A_132, %dma_wait3A_133] : memref<79x128xi32, #tpu.memory_space<vmem>> -> memref<1x128xi32, #tpu.memory_space<vmem>>
    %dma_wait3A_135 = tpu.memref_squeeze %dma_wait3A_134 : memref<1x128xi32, #tpu.memory_space<vmem>> -> memref<128xi32, #tpu.memory_space<vmem>>
    %dma_wait3A_136 = arith.constant 0 : i32
    %dma_wait3A_137 = arith.constant 0 : i32
    %dma_wait3A_138 = tpu.memref_slice %arg13[%dma_wait3A_136, %dma_wait3A_137] : memref<10112x16xf32, #tpu.memory_space<vmem_shared>> -> memref<10112x16xf32, #tpu.memory_space<vmem_shared>>
    tpu.wait_indirect_dma semaphore(%arg15 : memref<!tpu.dma_semaphore, #tpu.memory_space<semaphore_mem>>) src(%dma_wait3A_138 : memref<10112x16xf32, #tpu.memory_space<vmem_shared>>) dst(%arg9 : memref<128x16xf32, #tpu.memory_space<vmem>>)
    %dma_start3A_139 = arith.constant 0 : i32
    %dma_start3A_140 = arith.constant 0 : i32
    %dma_start3A_141 = tpu.memref_slice %arg8[%dma_start3A_139, %dma_start3A_140] : memref<79x128xi32, #tpu.memory_space<vmem>> -> memref<1x128xi32, #tpu.memory_space<vmem>>
    %dma_start3A_142 = tpu.memref_squeeze %dma_start3A_141 : memref<1x128xi32, #tpu.memory_space<vmem>> -> memref<128xi32, #tpu.memory_space<vmem>>
    %dma_start3A_143 = arith.constant 0 : i32
    %dma_start3A_144 = arith.constant 0 : i32
    %dma_start3A_145 = tpu.memref_slice %arg14[%dma_start3A_143, %dma_start3A_144] : memref<10112x16xf32, #tpu.memory_space<vmem_shared>> -> memref<10112x16xf32, #tpu.memory_space<vmem_shared>>
    tpu.enqueue_indirect_dma source(%arg9 : memref<128x16xf32, #tpu.memory_space<vmem>>) target(%dma_start3A_145 : memref<10112x16xf32, #tpu.memory_space<vmem_shared>>) offsets(%dma_start3A_142 : memref<128xi32, #tpu.memory_space<vmem>>) semaphore(%arg19 : memref<!tpu.dma_semaphore, #tpu.memory_space<semaphore_mem>>) {add = true}
    %dma_start3A_146 = arith.constant 2 : i32
    %dma_start3A_147 = arith.constant 0 : i32
    %dma_start3A_148 = tpu.memref_slice %arg7[%dma_start3A_146, %dma_start3A_147] : memref<79x128xi32, #tpu.memory_space<vmem>> -> memref<1x128xi32, #tpu.memory_space<vmem>>
    %dma_start3A_149 = tpu.memref_squeeze %dma_start3A_148 : memref<1x128xi32, #tpu.memory_space<vmem>> -> memref<128xi32, #tpu.memory_space<vmem>>
    %dma_start3A_150 = arith.constant 0 : i32
    %dma_start3A_151 = arith.constant 0 : i32
    %dma_start3A_152 = tpu.memref_slice %arg13[%dma_start3A_150, %dma_start3A_151] : memref<10112x16xf32, #tpu.memory_space<vmem_shared>> -> memref<10112x16xf32, #tpu.memory_space<vmem_shared>>
    tpu.enqueue_indirect_dma source(%dma_start3A_152 : memref<10112x16xf32, #tpu.memory_space<vmem_shared>>) target(%arg11 : memref<128x16xf32, #tpu.memory_space<vmem>>) offsets(%dma_start3A_149 : memref<128xi32, #tpu.memory_space<vmem>>) semaphore(%arg17 : memref<!tpu.dma_semaphore, #tpu.memory_space<semaphore_mem>>)
    %dma_wait3A_153 = arith.constant 0 : i32
    %dma_wait3A_154 = arith.constant 0 : i32
    %dma_wait3A_155 = tpu.memref_slice %arg7[%dma_wait3A_153, %dma_wait3A_154] : memref<79x128xi32, #tpu.memory_space<vmem>> -> memref<1x128xi32, #tpu.memory_space<vmem>>
    %dma_wait3A_156 = tpu.memref_squeeze %dma_wait3A_155 : memref<1x128xi32, #tpu.memory_space<vmem>> -> memref<128xi32, #tpu.memory_space<vmem>>
    %dma_wait3A_157 = arith.constant 0 : i32
    %dma_wait3A_158 = arith.constant 0 : i32
    %dma_wait3A_159 = tpu.memref_slice %arg13[%dma_wait3A_157, %dma_wait3A_158] : memref<10112x16xf32, #tpu.memory_space<vmem_shared>> -> memref<10112x16xf32, #tpu.memory_space<vmem_shared>>
    tpu.wait_indirect_dma semaphore(%arg16 : memref<!tpu.dma_semaphore, #tpu.memory_space<semaphore_mem>>) src(%dma_wait3A_159 : memref<10112x16xf32, #tpu.memory_space<vmem_shared>>) dst(%arg10 : memref<128x16xf32, #tpu.memory_space<vmem>>)
    %dma_start3A_160 = arith.constant 1 : i32
    %dma_start3A_161 = arith.constant 0 : i32
    %dma_start3A_162 = tpu.memref_slice %arg8[%dma_start3A_160, %dma_start3A_161] : memref<79x128xi32, #tpu.memory_space<vmem>> -> memref<1x128xi32, #tpu.memory_space<vmem>>
    %dma_start3A_163 = tpu.memref_squeeze %dma_start3A_162 : memref<1x128xi32, #tpu.memory_space<vmem>> -> memref<128xi32, #tpu.memory_space<vmem>>
    %dma_start3A_164 = arith.constant 0 : i32
    %dma_start3A_165 = arith.constant 0 : i32
    %dma_start3A_166 = tpu.memref_slice %arg14[%dma_start3A_164, %dma_start3A_165] : memref<10112x16xf32, #tpu.memory_space<vmem_shared>> -> memref<10112x16xf32, #tpu.memory_space<vmem_shared>>
    tpu.enqueue_indirect_dma source(%arg10 : memref<128x16xf32, #tpu.memory_space<vmem>>) target(%dma_start3A_166 : memref<10112x16xf32, #tpu.memory_space<vmem_shared>>) offsets(%dma_start3A_163 : memref<128xi32, #tpu.memory_space<vmem>>) semaphore(%arg20 : memref<!tpu.dma_semaphore, #tpu.memory_space<semaphore_mem>>) {add = true}
    %dma_start3A_167 = arith.constant 3 : i32
    %dma_start3A_168 = arith.constant 0 : i32
    %dma_start3A_169 = tpu.memref_slice %arg7[%dma_start3A_167, %dma_start3A_168] : memref<79x128xi32, #tpu.memory_space<vmem>> -> memref<1x128xi32, #tpu.memory_space<vmem>>
    %dma_start3A_170 = tpu.memref_squeeze %dma_start3A_169 : memref<1x128xi32, #tpu.memory_space<vmem>> -> memref<128xi32, #tpu.memory_space<vmem>>
    %dma_start3A_171 = arith.constant 0 : i32
    %dma_start3A_172 = arith.constant 0 : i32
    %dma_start3A_173 = tpu.memref_slice %arg13[%dma_start3A_171, %dma_start3A_172] : memref<10112x16xf32, #tpu.memory_space<vmem_shared>> -> memref<10112x16xf32, #tpu.memory_space<vmem_shared>>
    tpu.enqueue_indirect_dma source(%dma_start3A_173 : memref<10112x16xf32, #tpu.memory_space<vmem_shared>>) target(%arg12 : memref<128x16xf32, #tpu.memory_space<vmem>>) offsets(%dma_start3A_170 : memref<128xi32, #tpu.memory_space<vmem>>) semaphore(%arg18 : memref<!tpu.dma_semaphore, #tpu.memory_space<semaphore_mem>>)
    %scan3A_174 = arith.constant 0 : i32
    %scan3A_175 = arith.constant 0 : i32
    %scan3A_176 = arith.constant 19 : i32
    %scan3A_177 = arith.addi %scan3A_175, %scan3A_176 : i32
    %scan3A_178 = arith.constant 1 : i32
    scf.for %scan3A_341 = %scan3A_175 to %scan3A_177 step %scan3A_178  : i32 {
      %mul3A_342 = arith.constant 4 : i32
      %mul3A_343 = arith.muli %scan3A_341, %mul3A_342 : i32
      %add3A_344 = arith.constant 2 : i32
      %add3A_345 = arith.addi %mul3A_343, %add3A_344 : i32
      %add3A_346 = arith.constant 0 : i32
      %add3A_347 = arith.addi %add3A_345, %add3A_346 : i32
      %add3A_348 = arith.constant 2 : i32
      %add3A_349 = arith.addi %add3A_347, %add3A_348 : i32
      %lt3A = arith.constant 79 : i32
      %lt3A_350 = arith.cmpi slt, %add3A_349, %lt3A : i32
      %convert_element_type3A = arith.extui %lt3A_350 : i1 to i32
      %cond3A = arith.constant 0 : i32
      %cond3A_351 = arith.cmpi ne, %convert_element_type3A, %cond3A : i32
      scf.if %cond3A_351 {
        %dma_wait3A_443 = arith.constant 0 : i32
        %dma_wait3A_444 = arith.constant 0 : i32
        %dma_wait3A_445 = tpu.memref_slice %arg8[%dma_wait3A_443, %dma_wait3A_444] : memref<79x128xi32, #tpu.memory_space<vmem>> -> memref<1x128xi32, #tpu.memory_space<vmem>>
        %dma_wait3A_446 = tpu.memref_squeeze %dma_wait3A_445 : memref<1x128xi32, #tpu.memory_space<vmem>> -> memref<128xi32, #tpu.memory_space<vmem>>
        %dma_wait3A_447 = arith.constant 0 : i32
        %dma_wait3A_448 = arith.constant 0 : i32
        %dma_wait3A_449 = tpu.memref_slice %arg14[%dma_wait3A_447, %dma_wait3A_448] : memref<10112x16xf32, #tpu.memory_space<vmem_shared>> -> memref<10112x16xf32, #tpu.memory_space<vmem_shared>>
        tpu.wait_indirect_dma semaphore(%arg19 : memref<!tpu.dma_semaphore, #tpu.memory_space<semaphore_mem>>) src(%arg9 : memref<128x16xf32, #tpu.memory_space<vmem>>) dst(%dma_wait3A_449 : memref<10112x16xf32, #tpu.memory_space<vmem_shared>>)
        %add3A_450 = arith.constant 2 : i32
        %add3A_451 = arith.addi %add3A_347, %add3A_450 : i32
        %dma_start3A_452 = arith.constant 0 : i32
        %dma_start3A_453 = tpu.memref_slice %arg7[%add3A_451, %dma_start3A_452] : memref<79x128xi32, #tpu.memory_space<vmem>> -> memref<1x128xi32, #tpu.memory_space<vmem>>
        %dma_start3A_454 = tpu.memref_squeeze %dma_start3A_453 : memref<1x128xi32, #tpu.memory_space<vmem>> -> memref<128xi32, #tpu.memory_space<vmem>>
        %dma_start3A_455 = arith.constant 0 : i32
        %dma_start3A_456 = arith.constant 0 : i32
        %dma_start3A_457 = tpu.memref_slice %arg13[%dma_start3A_455, %dma_start3A_456] : memref<10112x16xf32, #tpu.memory_space<vmem_shared>> -> memref<10112x16xf32, #tpu.memory_space<vmem_shared>>
        tpu.enqueue_indirect_dma source(%dma_start3A_457 : memref<10112x16xf32, #tpu.memory_space<vmem_shared>>) target(%arg9 : memref<128x16xf32, #tpu.memory_space<vmem>>) offsets(%dma_start3A_454 : memref<128xi32, #tpu.memory_space<vmem>>) semaphore(%arg15 : memref<!tpu.dma_semaphore, #tpu.memory_space<semaphore_mem>>)
      } else {
      }
      %dma_wait3A_352 = arith.constant 0 : i32
      %dma_wait3A_353 = arith.constant 0 : i32
      %dma_wait3A_354 = tpu.memref_slice %arg7[%dma_wait3A_352, %dma_wait3A_353] : memref<79x128xi32, #tpu.memory_space<vmem>> -> memref<1x128xi32, #tpu.memory_space<vmem>>
      %dma_wait3A_355 = tpu.memref_squeeze %dma_wait3A_354 : memref<1x128xi32, #tpu.memory_space<vmem>> -> memref<128xi32, #tpu.memory_space<vmem>>
      %dma_wait3A_356 = arith.constant 0 : i32
      %dma_wait3A_357 = arith.constant 0 : i32
      %dma_wait3A_358 = tpu.memref_slice %arg13[%dma_wait3A_356, %dma_wait3A_357] : memref<10112x16xf32, #tpu.memory_space<vmem_shared>> -> memref<10112x16xf32, #tpu.memory_space<vmem_shared>>
      tpu.wait_indirect_dma semaphore(%arg17 : memref<!tpu.dma_semaphore, #tpu.memory_space<semaphore_mem>>) src(%dma_wait3A_358 : memref<10112x16xf32, #tpu.memory_space<vmem_shared>>) dst(%arg11 : memref<128x16xf32, #tpu.memory_space<vmem>>)
      %dma_start3A_359 = arith.constant 0 : i32
      %dma_start3A_360 = tpu.memref_slice %arg8[%add3A_347, %dma_start3A_359] : memref<79x128xi32, #tpu.memory_space<vmem>> -> memref<1x128xi32, #tpu.memory_space<vmem>>
      %dma_start3A_361 = tpu.memref_squeeze %dma_start3A_360 : memref<1x128xi32, #tpu.memory_space<vmem>> -> memref<128xi32, #tpu.memory_space<vmem>>
      %dma_start3A_362 = arith.constant 0 : i32
      %dma_start3A_363 = arith.constant 0 : i32
      %dma_start3A_364 = tpu.memref_slice %arg14[%dma_start3A_362, %dma_start3A_363] : memref<10112x16xf32, #tpu.memory_space<vmem_shared>> -> memref<10112x16xf32, #tpu.memory_space<vmem_shared>>
      tpu.enqueue_indirect_dma source(%arg11 : memref<128x16xf32, #tpu.memory_space<vmem>>) target(%dma_start3A_364 : memref<10112x16xf32, #tpu.memory_space<vmem_shared>>) offsets(%dma_start3A_361 : memref<128xi32, #tpu.memory_space<vmem>>) semaphore(%arg21 : memref<!tpu.dma_semaphore, #tpu.memory_space<semaphore_mem>>) {add = true}
      %mul3A_365 = arith.constant 4 : i32
      %mul3A_366 = arith.muli %scan3A_341, %mul3A_365 : i32
      %add3A_367 = arith.constant 2 : i32
      %add3A_368 = arith.addi %mul3A_366, %add3A_367 : i32
      %add3A_369 = arith.constant 1 : i32
      %add3A_370 = arith.addi %add3A_368, %add3A_369 : i32
      %add3A_371 = arith.constant 2 : i32
      %add3A_372 = arith.addi %add3A_370, %add3A_371 : i32
      %lt3A_373 = arith.constant 79 : i32
      %lt3A_374 = arith.cmpi slt, %add3A_372, %lt3A_373 : i32
      %convert_element_type3A_375 = arith.extui %lt3A_374 : i1 to i32
      %cond3A_376 = arith.constant 0 : i32
      %cond3A_377 = arith.cmpi ne, %convert_element_type3A_375, %cond3A_376 : i32
      scf.if %cond3A_377 {
        %dma_wait3A_443 = arith.constant 0 : i32
        %dma_wait3A_444 = arith.constant 0 : i32
        %dma_wait3A_445 = tpu.memref_slice %arg8[%dma_wait3A_443, %dma_wait3A_444] : memref<79x128xi32, #tpu.memory_space<vmem>> -> memref<1x128xi32, #tpu.memory_space<vmem>>
        %dma_wait3A_446 = tpu.memref_squeeze %dma_wait3A_445 : memref<1x128xi32, #tpu.memory_space<vmem>> -> memref<128xi32, #tpu.memory_space<vmem>>
        %dma_wait3A_447 = arith.constant 0 : i32
        %dma_wait3A_448 = arith.constant 0 : i32
        %dma_wait3A_449 = tpu.memref_slice %arg14[%dma_wait3A_447, %dma_wait3A_448] : memref<10112x16xf32, #tpu.memory_space<vmem_shared>> -> memref<10112x16xf32, #tpu.memory_space<vmem_shared>>
        tpu.wait_indirect_dma semaphore(%arg20 : memref<!tpu.dma_semaphore, #tpu.memory_space<semaphore_mem>>) src(%arg10 : memref<128x16xf32, #tpu.memory_space<vmem>>) dst(%dma_wait3A_449 : memref<10112x16xf32, #tpu.memory_space<vmem_shared>>)
        %add3A_450 = arith.constant 2 : i32
        %add3A_451 = arith.addi %add3A_370, %add3A_450 : i32
        %dma_start3A_452 = arith.constant 0 : i32
        %dma_start3A_453 = tpu.memref_slice %arg7[%add3A_451, %dma_start3A_452] : memref<79x128xi32, #tpu.memory_space<vmem>> -> memref<1x128xi32, #tpu.memory_space<vmem>>
        %dma_start3A_454 = tpu.memref_squeeze %dma_start3A_453 : memref<1x128xi32, #tpu.memory_space<vmem>> -> memref<128xi32, #tpu.memory_space<vmem>>
        %dma_start3A_455 = arith.constant 0 : i32
        %dma_start3A_456 = arith.constant 0 : i32
        %dma_start3A_457 = tpu.memref_slice %arg13[%dma_start3A_455, %dma_start3A_456] : memref<10112x16xf32, #tpu.memory_space<vmem_shared>> -> memref<10112x16xf32, #tpu.memory_space<vmem_shared>>
        tpu.enqueue_indirect_dma source(%dma_start3A_457 : memref<10112x16xf32, #tpu.memory_space<vmem_shared>>) target(%arg10 : memref<128x16xf32, #tpu.memory_space<vmem>>) offsets(%dma_start3A_454 : memref<128xi32, #tpu.memory_space<vmem>>) semaphore(%arg16 : memref<!tpu.dma_semaphore, #tpu.memory_space<semaphore_mem>>)
      } else {
      }
      %dma_wait3A_378 = arith.constant 0 : i32
      %dma_wait3A_379 = arith.constant 0 : i32
      %dma_wait3A_380 = tpu.memref_slice %arg7[%dma_wait3A_378, %dma_wait3A_379] : memref<79x128xi32, #tpu.memory_space<vmem>> -> memref<1x128xi32, #tpu.memory_space<vmem>>
      %dma_wait3A_381 = tpu.memref_squeeze %dma_wait3A_380 : memref<1x128xi32, #tpu.memory_space<vmem>> -> memref<128xi32, #tpu.memory_space<vmem>>
      %dma_wait3A_382 = arith.constant 0 : i32
      %dma_wait3A_383 = arith.constant 0 : i32
      %dma_wait3A_384 = tpu.memref_slice %arg13[%dma_wait3A_382, %dma_wait3A_383] : memref<10112x16xf32, #tpu.memory_space<vmem_shared>> -> memref<10112x16xf32, #tpu.memory_space<vmem_shared>>
      tpu.wait_indirect_dma semaphore(%arg18 : memref<!tpu.dma_semaphore, #tpu.memory_space<semaphore_mem>>) src(%dma_wait3A_384 : memref<10112x16xf32, #tpu.memory_space<vmem_shared>>) dst(%arg12 : memref<128x16xf32, #tpu.memory_space<vmem>>)
      %dma_start3A_385 = arith.constant 0 : i32
      %dma_start3A_386 = tpu.memref_slice %arg8[%add3A_370, %dma_start3A_385] : memref<79x128xi32, #tpu.memory_space<vmem>> -> memref<1x128xi32, #tpu.memory_space<vmem>>
      %dma_start3A_387 = tpu.memref_squeeze %dma_start3A_386 : memref<1x128xi32, #tpu.memory_space<vmem>> -> memref<128xi32, #tpu.memory_space<vmem>>
      %dma_start3A_388 = arith.constant 0 : i32
      %dma_start3A_389 = arith.constant 0 : i32
      %dma_start3A_390 = tpu.memref_slice %arg14[%dma_start3A_388, %dma_start3A_389] : memref<10112x16xf32, #tpu.memory_space<vmem_shared>> -> memref<10112x16xf32, #tpu.memory_space<vmem_shared>>
      tpu.enqueue_indirect_dma source(%arg12 : memref<128x16xf32, #tpu.memory_space<vmem>>) target(%dma_start3A_390 : memref<10112x16xf32, #tpu.memory_space<vmem_shared>>) offsets(%dma_start3A_387 : memref<128xi32, #tpu.memory_space<vmem>>) semaphore(%arg22 : memref<!tpu.dma_semaphore, #tpu.memory_space<semaphore_mem>>) {add = true}
      %mul3A_391 = arith.constant 4 : i32
      %mul3A_392 = arith.muli %scan3A_341, %mul3A_391 : i32
      %add3A_393 = arith.constant 2 : i32
      %add3A_394 = arith.addi %mul3A_392, %add3A_393 : i32
      %add3A_395 = arith.constant 2 : i32
      %add3A_396 = arith.addi %add3A_394, %add3A_395 : i32
      %add3A_397 = arith.constant 2 : i32
      %add3A_398 = arith.addi %add3A_396, %add3A_397 : i32
      %lt3A_399 = arith.constant 79 : i32
      %lt3A_400 = arith.cmpi slt, %add3A_398, %lt3A_399 : i32
      %convert_element_type3A_401 = arith.extui %lt3A_400 : i1 to i32
      %cond3A_402 = arith.constant 0 : i32
      %cond3A_403 = arith.cmpi ne, %convert_element_type3A_401, %cond3A_402 : i32
      scf.if %cond3A_403 {
        %dma_wait3A_443 = arith.constant 0 : i32
        %dma_wait3A_444 = arith.constant 0 : i32
        %dma_wait3A_445 = tpu.memref_slice %arg8[%dma_wait3A_443, %dma_wait3A_444] : memref<79x128xi32, #tpu.memory_space<vmem>> -> memref<1x128xi32, #tpu.memory_space<vmem>>
        %dma_wait3A_446 = tpu.memref_squeeze %dma_wait3A_445 : memref<1x128xi32, #tpu.memory_space<vmem>> -> memref<128xi32, #tpu.memory_space<vmem>>
        %dma_wait3A_447 = arith.constant 0 : i32
        %dma_wait3A_448 = arith.constant 0 : i32
        %dma_wait3A_449 = tpu.memref_slice %arg14[%dma_wait3A_447, %dma_wait3A_448] : memref<10112x16xf32, #tpu.memory_space<vmem_shared>> -> memref<10112x16xf32, #tpu.memory_space<vmem_shared>>
        tpu.wait_indirect_dma semaphore(%arg21 : memref<!tpu.dma_semaphore, #tpu.memory_space<semaphore_mem>>) src(%arg11 : memref<128x16xf32, #tpu.memory_space<vmem>>) dst(%dma_wait3A_449 : memref<10112x16xf32, #tpu.memory_space<vmem_shared>>)
        %add3A_450 = arith.constant 2 : i32
        %add3A_451 = arith.addi %add3A_396, %add3A_450 : i32
        %dma_start3A_452 = arith.constant 0 : i32
        %dma_start3A_453 = tpu.memref_slice %arg7[%add3A_451, %dma_start3A_452] : memref<79x128xi32, #tpu.memory_space<vmem>> -> memref<1x128xi32, #tpu.memory_space<vmem>>
        %dma_start3A_454 = tpu.memref_squeeze %dma_start3A_453 : memref<1x128xi32, #tpu.memory_space<vmem>> -> memref<128xi32, #tpu.memory_space<vmem>>
        %dma_start3A_455 = arith.constant 0 : i32
        %dma_start3A_456 = arith.constant 0 : i32
        %dma_start3A_457 = tpu.memref_slice %arg13[%dma_start3A_455, %dma_start3A_456] : memref<10112x16xf32, #tpu.memory_space<vmem_shared>> -> memref<10112x16xf32, #tpu.memory_space<vmem_shared>>
        tpu.enqueue_indirect_dma source(%dma_start3A_457 : memref<10112x16xf32, #tpu.memory_space<vmem_shared>>) target(%arg11 : memref<128x16xf32, #tpu.memory_space<vmem>>) offsets(%dma_start3A_454 : memref<128xi32, #tpu.memory_space<vmem>>) semaphore(%arg17 : memref<!tpu.dma_semaphore, #tpu.memory_space<semaphore_mem>>)
      } else {
      }
      %dma_wait3A_404 = arith.constant 0 : i32
      %dma_wait3A_405 = arith.constant 0 : i32
      %dma_wait3A_406 = tpu.memref_slice %arg7[%dma_wait3A_404, %dma_wait3A_405] : memref<79x128xi32, #tpu.memory_space<vmem>> -> memref<1x128xi32, #tpu.memory_space<vmem>>
      %dma_wait3A_407 = tpu.memref_squeeze %dma_wait3A_406 : memref<1x128xi32, #tpu.memory_space<vmem>> -> memref<128xi32, #tpu.memory_space<vmem>>
      %dma_wait3A_408 = arith.constant 0 : i32
      %dma_wait3A_409 = arith.constant 0 : i32
      %dma_wait3A_410 = tpu.memref_slice %arg13[%dma_wait3A_408, %dma_wait3A_409] : memref<10112x16xf32, #tpu.memory_space<vmem_shared>> -> memref<10112x16xf32, #tpu.memory_space<vmem_shared>>
      tpu.wait_indirect_dma semaphore(%arg15 : memref<!tpu.dma_semaphore, #tpu.memory_space<semaphore_mem>>) src(%dma_wait3A_410 : memref<10112x16xf32, #tpu.memory_space<vmem_shared>>) dst(%arg9 : memref<128x16xf32, #tpu.memory_space<vmem>>)
      %dma_start3A_411 = arith.constant 0 : i32
      %dma_start3A_412 = tpu.memref_slice %arg8[%add3A_396, %dma_start3A_411] : memref<79x128xi32, #tpu.memory_space<vmem>> -> memref<1x128xi32, #tpu.memory_space<vmem>>
      %dma_start3A_413 = tpu.memref_squeeze %dma_start3A_412 : memref<1x128xi32, #tpu.memory_space<vmem>> -> memref<128xi32, #tpu.memory_space<vmem>>
      %dma_start3A_414 = arith.constant 0 : i32
      %dma_start3A_415 = arith.constant 0 : i32
      %dma_start3A_416 = tpu.memref_slice %arg14[%dma_start3A_414, %dma_start3A_415] : memref<10112x16xf32, #tpu.memory_space<vmem_shared>> -> memref<10112x16xf32, #tpu.memory_space<vmem_shared>>
      tpu.enqueue_indirect_dma source(%arg9 : memref<128x16xf32, #tpu.memory_space<vmem>>) target(%dma_start3A_416 : memref<10112x16xf32, #tpu.memory_space<vmem_shared>>) offsets(%dma_start3A_413 : memref<128xi32, #tpu.memory_space<vmem>>) semaphore(%arg19 : memref<!tpu.dma_semaphore, #tpu.memory_space<semaphore_mem>>) {add = true}
      %mul3A_417 = arith.constant 4 : i32
      %mul3A_418 = arith.muli %scan3A_341, %mul3A_417 : i32
      %add3A_419 = arith.constant 2 : i32
      %add3A_420 = arith.addi %mul3A_418, %add3A_419 : i32
      %add3A_421 = arith.constant 3 : i32
      %add3A_422 = arith.addi %add3A_420, %add3A_421 : i32
      %add3A_423 = arith.constant 2 : i32
      %add3A_424 = arith.addi %add3A_422, %add3A_423 : i32
      %lt3A_425 = arith.constant 79 : i32
      %lt3A_426 = arith.cmpi slt, %add3A_424, %lt3A_425 : i32
      %convert_element_type3A_427 = arith.extui %lt3A_426 : i1 to i32
      %cond3A_428 = arith.constant 0 : i32
      %cond3A_429 = arith.cmpi ne, %convert_element_type3A_427, %cond3A_428 : i32
      scf.if %cond3A_429 {
        %dma_wait3A_443 = arith.constant 0 : i32
        %dma_wait3A_444 = arith.constant 0 : i32
        %dma_wait3A_445 = tpu.memref_slice %arg8[%dma_wait3A_443, %dma_wait3A_444] : memref<79x128xi32, #tpu.memory_space<vmem>> -> memref<1x128xi32, #tpu.memory_space<vmem>>
        %dma_wait3A_446 = tpu.memref_squeeze %dma_wait3A_445 : memref<1x128xi32, #tpu.memory_space<vmem>> -> memref<128xi32, #tpu.memory_space<vmem>>
        %dma_wait3A_447 = arith.constant 0 : i32
        %dma_wait3A_448 = arith.constant 0 : i32
        %dma_wait3A_449 = tpu.memref_slice %arg14[%dma_wait3A_447, %dma_wait3A_448] : memref<10112x16xf32, #tpu.memory_space<vmem_shared>> -> memref<10112x16xf32, #tpu.memory_space<vmem_shared>>
        tpu.wait_indirect_dma semaphore(%arg22 : memref<!tpu.dma_semaphore, #tpu.memory_space<semaphore_mem>>) src(%arg12 : memref<128x16xf32, #tpu.memory_space<vmem>>) dst(%dma_wait3A_449 : memref<10112x16xf32, #tpu.memory_space<vmem_shared>>)
        %add3A_450 = arith.constant 2 : i32
        %add3A_451 = arith.addi %add3A_422, %add3A_450 : i32
        %dma_start3A_452 = arith.constant 0 : i32
        %dma_start3A_453 = tpu.memref_slice %arg7[%add3A_451, %dma_start3A_452] : memref<79x128xi32, #tpu.memory_space<vmem>> -> memref<1x128xi32, #tpu.memory_space<vmem>>
        %dma_start3A_454 = tpu.memref_squeeze %dma_start3A_453 : memref<1x128xi32, #tpu.memory_space<vmem>> -> memref<128xi32, #tpu.memory_space<vmem>>
        %dma_start3A_455 = arith.constant 0 : i32
        %dma_start3A_456 = arith.constant 0 : i32
        %dma_start3A_457 = tpu.memref_slice %arg13[%dma_start3A_455, %dma_start3A_456] : memref<10112x16xf32, #tpu.memory_space<vmem_shared>> -> memref<10112x16xf32, #tpu.memory_space<vmem_shared>>
        tpu.enqueue_indirect_dma source(%dma_start3A_457 : memref<10112x16xf32, #tpu.memory_space<vmem_shared>>) target(%arg12 : memref<128x16xf32, #tpu.memory_space<vmem>>) offsets(%dma_start3A_454 : memref<128xi32, #tpu.memory_space<vmem>>) semaphore(%arg18 : memref<!tpu.dma_semaphore, #tpu.memory_space<semaphore_mem>>)
      } else {
      }
      %dma_wait3A_430 = arith.constant 0 : i32
      %dma_wait3A_431 = arith.constant 0 : i32
      %dma_wait3A_432 = tpu.memref_slice %arg7[%dma_wait3A_430, %dma_wait3A_431] : memref<79x128xi32, #tpu.memory_space<vmem>> -> memref<1x128xi32, #tpu.memory_space<vmem>>
      %dma_wait3A_433 = tpu.memref_squeeze %dma_wait3A_432 : memref<1x128xi32, #tpu.memory_space<vmem>> -> memref<128xi32, #tpu.memory_space<vmem>>
      %dma_wait3A_434 = arith.constant 0 : i32
      %dma_wait3A_435 = arith.constant 0 : i32
      %dma_wait3A_436 = tpu.memref_slice %arg13[%dma_wait3A_434, %dma_wait3A_435] : memref<10112x16xf32, #tpu.memory_space<vmem_shared>> -> memref<10112x16xf32, #tpu.memory_space<vmem_shared>>
      tpu.wait_indirect_dma semaphore(%arg16 : memref<!tpu.dma_semaphore, #tpu.memory_space<semaphore_mem>>) src(%dma_wait3A_436 : memref<10112x16xf32, #tpu.memory_space<vmem_shared>>) dst(%arg10 : memref<128x16xf32, #tpu.memory_space<vmem>>)
      %dma_start3A_437 = arith.constant 0 : i32
      %dma_start3A_438 = tpu.memref_slice %arg8[%add3A_422, %dma_start3A_437] : memref<79x128xi32, #tpu.memory_space<vmem>> -> memref<1x128xi32, #tpu.memory_space<vmem>>
      %dma_start3A_439 = tpu.memref_squeeze %dma_start3A_438 : memref<1x128xi32, #tpu.memory_space<vmem>> -> memref<128xi32, #tpu.memory_space<vmem>>
      %dma_start3A_440 = arith.constant 0 : i32
      %dma_start3A_441 = arith.constant 0 : i32
      %dma_start3A_442 = tpu.memref_slice %arg14[%dma_start3A_440, %dma_start3A_441] : memref<10112x16xf32, #tpu.memory_space<vmem_shared>> -> memref<10112x16xf32, #tpu.memory_space<vmem_shared>>
      tpu.enqueue_indirect_dma source(%arg10 : memref<128x16xf32, #tpu.memory_space<vmem>>) target(%dma_start3A_442 : memref<10112x16xf32, #tpu.memory_space<vmem_shared>>) offsets(%dma_start3A_439 : memref<128xi32, #tpu.memory_space<vmem>>) semaphore(%arg20 : memref<!tpu.dma_semaphore, #tpu.memory_space<semaphore_mem>>) {add = true}
    }
    %scan3A_179 = arith.constant 19 : i32
    %dma_wait3A_180 = arith.constant 0 : i32
    %dma_wait3A_181 = arith.constant 0 : i32
    %dma_wait3A_182 = tpu.memref_slice %arg7[%dma_wait3A_180, %dma_wait3A_181] : memref<79x128xi32, #tpu.memory_space<vmem>> -> memref<1x128xi32, #tpu.memory_space<vmem>>
    %dma_wait3A_183 = tpu.memref_squeeze %dma_wait3A_182 : memref<1x128xi32, #tpu.memory_space<vmem>> -> memref<128xi32, #tpu.memory_space<vmem>>
    %dma_wait3A_184 = arith.constant 0 : i32
    %dma_wait3A_185 = arith.constant 0 : i32
    %dma_wait3A_186 = tpu.memref_slice %arg13[%dma_wait3A_184, %dma_wait3A_185] : memref<10112x16xf32, #tpu.memory_space<vmem_shared>> -> memref<10112x16xf32, #tpu.memory_space<vmem_shared>>
    tpu.wait_indirect_dma semaphore(%arg17 : memref<!tpu.dma_semaphore, #tpu.memory_space<semaphore_mem>>) src(%dma_wait3A_186 : memref<10112x16xf32, #tpu.memory_space<vmem_shared>>) dst(%arg11 : memref<128x16xf32, #tpu.memory_space<vmem>>)
    %dma_start3A_187 = arith.constant 78 : i32
    %dma_start3A_188 = arith.constant 0 : i32
    %dma_start3A_189 = tpu.memref_slice %arg8[%dma_start3A_187, %dma_start3A_188] : memref<79x128xi32, #tpu.memory_space<vmem>> -> memref<1x128xi32, #tpu.memory_space<vmem>>
    %dma_start3A_190 = tpu.memref_squeeze %dma_start3A_189 : memref<1x128xi32, #tpu.memory_space<vmem>> -> memref<128xi32, #tpu.memory_space<vmem>>
    %dma_start3A_191 = arith.constant 0 : i32
    %dma_start3A_192 = arith.constant 0 : i32
    %dma_start3A_193 = tpu.memref_slice %arg14[%dma_start3A_191, %dma_start3A_192] : memref<10112x16xf32, #tpu.memory_space<vmem_shared>> -> memref<10112x16xf32, #tpu.memory_space<vmem_shared>>
    tpu.enqueue_indirect_dma source(%arg11 : memref<128x16xf32, #tpu.memory_space<vmem>>) target(%dma_start3A_193 : memref<10112x16xf32, #tpu.memory_space<vmem_shared>>) offsets(%dma_start3A_190 : memref<128xi32, #tpu.memory_space<vmem>>) semaphore(%arg21 : memref<!tpu.dma_semaphore, #tpu.memory_space<semaphore_mem>>) {add = true}
    %dma_wait3A_194 = arith.constant 0 : i32
    %dma_wait3A_195 = arith.constant 0 : i32
    %dma_wait3A_196 = tpu.memref_slice %arg8[%dma_wait3A_194, %dma_wait3A_195] : memref<79x128xi32, #tpu.memory_space<vmem>> -> memref<1x128xi32, #tpu.memory_space<vmem>>
    %dma_wait3A_197 = tpu.memref_squeeze %dma_wait3A_196 : memref<1x128xi32, #tpu.memory_space<vmem>> -> memref<128xi32, #tpu.memory_space<vmem>>
    %dma_wait3A_198 = arith.constant 0 : i32
    %dma_wait3A_199 = arith.constant 0 : i32
    %dma_wait3A_200 = tpu.memref_slice %arg14[%dma_wait3A_198, %dma_wait3A_199] : memref<10112x16xf32, #tpu.memory_space<vmem_shared>> -> memref<10112x16xf32, #tpu.memory_space<vmem_shared>>
    tpu.wait_indirect_dma semaphore(%arg19 : memref<!tpu.dma_semaphore, #tpu.memory_space<semaphore_mem>>) src(%arg9 : memref<128x16xf32, #tpu.memory_space<vmem>>) dst(%dma_wait3A_200 : memref<10112x16xf32, #tpu.memory_space<vmem_shared>>)
    %dma_wait3A_201 = arith.constant 0 : i32
    %dma_wait3A_202 = arith.constant 0 : i32
    %dma_wait3A_203 = tpu.memref_slice %arg8[%dma_wait3A_201, %dma_wait3A_202] : memref<79x128xi32, #tpu.memory_space<vmem>> -> memref<1x128xi32, #tpu.memory_space<vmem>>
    %dma_wait3A_204 = tpu.memref_squeeze %dma_wait3A_203 : memref<1x128xi32, #tpu.memory_space<vmem>> -> memref<128xi32, #tpu.memory_space<vmem>>
    %dma_wait3A_205 = arith.constant 0 : i32
    %dma_wait3A_206 = arith.constant 0 : i32
    %dma_wait3A_207 = tpu.memref_slice %arg14[%dma_wait3A_205, %dma_wait3A_206] : memref<10112x16xf32, #tpu.memory_space<vmem_shared>> -> memref<10112x16xf32, #tpu.memory_space<vmem_shared>>
    tpu.wait_indirect_dma semaphore(%arg20 : memref<!tpu.dma_semaphore, #tpu.memory_space<semaphore_mem>>) src(%arg10 : memref<128x16xf32, #tpu.memory_space<vmem>>) dst(%dma_wait3A_207 : memref<10112x16xf32, #tpu.memory_space<vmem_shared>>)
    %dma_wait3A_208 = arith.constant 0 : i32
    %dma_wait3A_209 = arith.constant 0 : i32
    %dma_wait3A_210 = tpu.memref_slice %arg8[%dma_wait3A_208, %dma_wait3A_209] : memref<79x128xi32, #tpu.memory_space<vmem>> -> memref<1x128xi32, #tpu.memory_space<vmem>>
    %dma_wait3A_211 = tpu.memref_squeeze %dma_wait3A_210 : memref<1x128xi32, #tpu.memory_space<vmem>> -> memref<128xi32, #tpu.memory_space<vmem>>
    %dma_wait3A_212 = arith.constant 0 : i32
    %dma_wait3A_213 = arith.constant 0 : i32
    %dma_wait3A_214 = tpu.memref_slice %arg14[%dma_wait3A_212, %dma_wait3A_213] : memref<10112x16xf32, #tpu.memory_space<vmem_shared>> -> memref<10112x16xf32, #tpu.memory_space<vmem_shared>>
    tpu.wait_indirect_dma semaphore(%arg21 : memref<!tpu.dma_semaphore, #tpu.memory_space<semaphore_mem>>) src(%arg11 : memref<128x16xf32, #tpu.memory_space<vmem>>) dst(%dma_wait3A_214 : memref<10112x16xf32, #tpu.memory_space<vmem_shared>>)
    %dma_wait3A_215 = arith.constant 0 : i32
    %dma_wait3A_216 = arith.constant 0 : i32
    %dma_wait3A_217 = tpu.memref_slice %arg8[%dma_wait3A_215, %dma_wait3A_216] : memref<79x128xi32, #tpu.memory_space<vmem>> -> memref<1x128xi32, #tpu.memory_space<vmem>>
    %dma_wait3A_218 = tpu.memref_squeeze %dma_wait3A_217 : memref<1x128xi32, #tpu.memory_space<vmem>> -> memref<128xi32, #tpu.memory_space<vmem>>
    %dma_wait3A_219 = arith.constant 0 : i32
    %dma_wait3A_220 = arith.constant 0 : i32
    %dma_wait3A_221 = tpu.memref_slice %arg14[%dma_wait3A_219, %dma_wait3A_220] : memref<10112x16xf32, #tpu.memory_space<vmem_shared>> -> memref<10112x16xf32, #tpu.memory_space<vmem_shared>>
    tpu.wait_indirect_dma semaphore(%arg22 : memref<!tpu.dma_semaphore, #tpu.memory_space<semaphore_mem>>) src(%arg12 : memref<128x16xf32, #tpu.memory_space<vmem>>) dst(%dma_wait3A_221 : memref<10112x16xf32, #tpu.memory_space<vmem_shared>>)
    %barrier3A_222 = arith.constant 0 : index
    tpu.barrier barrier_id(%barrier3A_222)
    %mul3A_223 = arith.constant 632 : i32
    %mul3A_224 = arith.muli %arg1, %mul3A_223 : i32
    %add3A_225 = arith.constant 10112 : i32
    %add3A_226 = arith.addi %add3A_225, %mul3A_224 : i32
    "tpu.region"() ({
      %run_scoped3A = tpu.sem_alloc : memref<!tpu.dma_semaphore, #tpu.memory_space<semaphore_mem>>
      %dma_start3A_341 = arith.constant 0 : i32
      %dma_start3A_342 = tpu.memref_slice %arg6[%arg0, %add3A_226, %dma_start3A_341] : memref<2x30336x16xf32, #tpu.memory_space<hbm>> -> memref<1x632x16xf32, #tpu.memory_space<hbm>>
      %dma_start3A_343 = tpu.memref_squeeze %dma_start3A_342 : memref<1x632x16xf32, #tpu.memory_space<hbm>> -> memref<632x16xf32, #tpu.memory_space<hbm>>
      %dma_start3A_344 = arith.constant 0 : i32
      %dma_start3A_345 = tpu.memref_slice %arg14[%mul3A_2, %dma_start3A_344] : memref<10112x16xf32, #tpu.memory_space<vmem_shared>> -> memref<632x16xf32, #tpu.memory_space<vmem_shared>>
      tpu.enqueue_dma source(%dma_start3A_345 : memref<632x16xf32, #tpu.memory_space<vmem_shared>>) target(%dma_start3A_343 : memref<632x16xf32, #tpu.memory_space<hbm>>) target_semaphore(%run_scoped3A : memref<!tpu.dma_semaphore, #tpu.memory_space<semaphore_mem>>)
      %dma_wait3A_346 = arith.constant 0 : i32
      %dma_wait3A_347 = tpu.memref_slice %arg6[%arg0, %add3A_226, %dma_wait3A_346] : memref<2x30336x16xf32, #tpu.memory_space<hbm>> -> memref<1x632x16xf32, #tpu.memory_space<hbm>>
      %dma_wait3A_348 = tpu.memref_squeeze %dma_wait3A_347 : memref<1x632x16xf32, #tpu.memory_space<hbm>> -> memref<632x16xf32, #tpu.memory_space<hbm>>
      %dma_wait3A_349 = arith.constant 0 : i32
      %dma_wait3A_350 = tpu.memref_slice %arg14[%mul3A_2, %dma_wait3A_349] : memref<10112x16xf32, #tpu.memory_space<vmem_shared>> -> memref<632x16xf32, #tpu.memory_space<vmem_shared>>
      tpu.wait_dma2 semaphore(%run_scoped3A : memref<!tpu.dma_semaphore, #tpu.memory_space<semaphore_mem>>) src(%dma_wait3A_350 : memref<632x16xf32, #tpu.memory_space<vmem_shared>>) dst(%dma_wait3A_348 : memref<632x16xf32, #tpu.memory_space<hbm>>)
      tpu.yield
    }) : () -> ()
    %mul3A_227 = arith.constant 632 : i32
    %mul3A_228 = arith.muli %arg1, %mul3A_227 : i32
    %add3A_229 = arith.constant 20224 : i32
    %add3A_230 = arith.addi %add3A_229, %mul3A_228 : i32
    "tpu.region"() ({
      %run_scoped3A = tpu.sem_alloc : memref<!tpu.dma_semaphore, #tpu.memory_space<semaphore_mem>>
      %dma_start3A_341 = arith.constant 0 : i32
      %dma_start3A_342 = tpu.memref_slice %arg13[%mul3A_2, %dma_start3A_341] : memref<10112x16xf32, #tpu.memory_space<vmem_shared>> -> memref<632x16xf32, #tpu.memory_space<vmem_shared>>
      %dma_start3A_343 = arith.constant 0 : i32
      %dma_start3A_344 = tpu.memref_slice %arg2[%add3A_230, %dma_start3A_343] : memref<30336x16xf32, #tpu.memory_space<hbm>> -> memref<632x16xf32, #tpu.memory_space<hbm>>
      tpu.enqueue_dma source(%dma_start3A_344 : memref<632x16xf32, #tpu.memory_space<hbm>>) target(%dma_start3A_342 : memref<632x16xf32, #tpu.memory_space<vmem_shared>>) target_semaphore(%run_scoped3A : memref<!tpu.dma_semaphore, #tpu.memory_space<semaphore_mem>>)
      %dma_wait3A_345 = arith.constant 0 : i32
      %dma_wait3A_346 = tpu.memref_slice %arg13[%mul3A_2, %dma_wait3A_345] : memref<10112x16xf32, #tpu.memory_space<vmem_shared>> -> memref<632x16xf32, #tpu.memory_space<vmem_shared>>
      %dma_wait3A_347 = arith.constant 0 : i32
      %dma_wait3A_348 = tpu.memref_slice %arg2[%add3A_230, %dma_wait3A_347] : memref<30336x16xf32, #tpu.memory_space<hbm>> -> memref<632x16xf32, #tpu.memory_space<hbm>>
      tpu.wait_dma2 semaphore(%run_scoped3A : memref<!tpu.dma_semaphore, #tpu.memory_space<semaphore_mem>>) src(%dma_wait3A_348 : memref<632x16xf32, #tpu.memory_space<hbm>>) dst(%dma_wait3A_346 : memref<632x16xf32, #tpu.memory_space<vmem_shared>>)
      tpu.yield
    }) : () -> ()
    "tpu.region"() ({
      %run_scoped3A = tpu.sem_alloc : memref<!tpu.dma_semaphore, #tpu.memory_space<semaphore_mem>>
      %dma_start3A_341 = arith.constant 0 : i32
      %dma_start3A_342 = tpu.memref_slice %arg14[%mul3A_2, %dma_start3A_341] : memref<10112x16xf32, #tpu.memory_space<vmem_shared>> -> memref<632x16xf32, #tpu.memory_space<vmem_shared>>
      tpu.enqueue_dma source(%arg5 : memref<632x16xf32, #tpu.memory_space<hbm>>) target(%dma_start3A_342 : memref<632x16xf32, #tpu.memory_space<vmem_shared>>) target_semaphore(%run_scoped3A : memref<!tpu.dma_semaphore, #tpu.memory_space<semaphore_mem>>)
      %dma_wait3A_343 = arith.constant 0 : i32
      %dma_wait3A_344 = tpu.memref_slice %arg14[%mul3A_2, %dma_wait3A_343] : memref<10112x16xf32, #tpu.memory_space<vmem_shared>> -> memref<632x16xf32, #tpu.memory_space<vmem_shared>>
      tpu.wait_dma2 semaphore(%run_scoped3A : memref<!tpu.dma_semaphore, #tpu.memory_space<semaphore_mem>>) src(%arg5 : memref<632x16xf32, #tpu.memory_space<hbm>>) dst(%dma_wait3A_344 : memref<632x16xf32, #tpu.memory_space<vmem_shared>>)
      tpu.yield
    }) : () -> ()
    %barrier3A_231 = arith.constant 0 : index
    tpu.barrier barrier_id(%barrier3A_231)
    %dma_start3A_232 = arith.constant 0 : i32
    %dma_start3A_233 = arith.constant 0 : i32
    %dma_start3A_234 = tpu.memref_slice %arg7[%dma_start3A_232, %dma_start3A_233] : memref<79x128xi32, #tpu.memory_space<vmem>> -> memref<1x128xi32, #tpu.memory_space<vmem>>
    %dma_start3A_235 = tpu.memref_squeeze %dma_start3A_234 : memref<1x128xi32, #tpu.memory_space<vmem>> -> memref<128xi32, #tpu.memory_space<vmem>>
    %dma_start3A_236 = arith.constant 0 : i32
    %dma_start3A_237 = arith.constant 0 : i32
    %dma_start3A_238 = tpu.memref_slice %arg13[%dma_start3A_236, %dma_start3A_237] : memref<10112x16xf32, #tpu.memory_space<vmem_shared>> -> memref<10112x16xf32, #tpu.memory_space<vmem_shared>>
    tpu.enqueue_indirect_dma source(%dma_start3A_238 : memref<10112x16xf32, #tpu.memory_space<vmem_shared>>) target(%arg9 : memref<128x16xf32, #tpu.memory_space<vmem>>) offsets(%dma_start3A_235 : memref<128xi32, #tpu.memory_space<vmem>>) semaphore(%arg15 : memref<!tpu.dma_semaphore, #tpu.memory_space<semaphore_mem>>)
    %dma_start3A_239 = arith.constant 1 : i32
    %dma_start3A_240 = arith.constant 0 : i32
    %dma_start3A_241 = tpu.memref_slice %arg7[%dma_start3A_239, %dma_start3A_240] : memref<79x128xi32, #tpu.memory_space<vmem>> -> memref<1x128xi32, #tpu.memory_space<vmem>>
    %dma_start3A_242 = tpu.memref_squeeze %dma_start3A_241 : memref<1x128xi32, #tpu.memory_space<vmem>> -> memref<128xi32, #tpu.memory_space<vmem>>
    %dma_start3A_243 = arith.constant 0 : i32
    %dma_start3A_244 = arith.constant 0 : i32
    %dma_start3A_245 = tpu.memref_slice %arg13[%dma_start3A_243, %dma_start3A_244] : memref<10112x16xf32, #tpu.memory_space<vmem_shared>> -> memref<10112x16xf32, #tpu.memory_space<vmem_shared>>
    tpu.enqueue_indirect_dma source(%dma_start3A_245 : memref<10112x16xf32, #tpu.memory_space<vmem_shared>>) target(%arg10 : memref<128x16xf32, #tpu.memory_space<vmem>>) offsets(%dma_start3A_242 : memref<128xi32, #tpu.memory_space<vmem>>) semaphore(%arg16 : memref<!tpu.dma_semaphore, #tpu.memory_space<semaphore_mem>>)
    %dma_wait3A_246 = arith.constant 0 : i32
    %dma_wait3A_247 = arith.constant 0 : i32
    %dma_wait3A_248 = tpu.memref_slice %arg7[%dma_wait3A_246, %dma_wait3A_247] : memref<79x128xi32, #tpu.memory_space<vmem>> -> memref<1x128xi32, #tpu.memory_space<vmem>>
    %dma_wait3A_249 = tpu.memref_squeeze %dma_wait3A_248 : memref<1x128xi32, #tpu.memory_space<vmem>> -> memref<128xi32, #tpu.memory_space<vmem>>
    %dma_wait3A_250 = arith.constant 0 : i32
    %dma_wait3A_251 = arith.constant 0 : i32
    %dma_wait3A_252 = tpu.memref_slice %arg13[%dma_wait3A_250, %dma_wait3A_251] : memref<10112x16xf32, #tpu.memory_space<vmem_shared>> -> memref<10112x16xf32, #tpu.memory_space<vmem_shared>>
    tpu.wait_indirect_dma semaphore(%arg15 : memref<!tpu.dma_semaphore, #tpu.memory_space<semaphore_mem>>) src(%dma_wait3A_252 : memref<10112x16xf32, #tpu.memory_space<vmem_shared>>) dst(%arg9 : memref<128x16xf32, #tpu.memory_space<vmem>>)
    %dma_start3A_253 = arith.constant 0 : i32
    %dma_start3A_254 = arith.constant 0 : i32
    %dma_start3A_255 = tpu.memref_slice %arg8[%dma_start3A_253, %dma_start3A_254] : memref<79x128xi32, #tpu.memory_space<vmem>> -> memref<1x128xi32, #tpu.memory_space<vmem>>
    %dma_start3A_256 = tpu.memref_squeeze %dma_start3A_255 : memref<1x128xi32, #tpu.memory_space<vmem>> -> memref<128xi32, #tpu.memory_space<vmem>>
    %dma_start3A_257 = arith.constant 0 : i32
    %dma_start3A_258 = arith.constant 0 : i32
    %dma_start3A_259 = tpu.memref_slice %arg14[%dma_start3A_257, %dma_start3A_258] : memref<10112x16xf32, #tpu.memory_space<vmem_shared>> -> memref<10112x16xf32, #tpu.memory_space<vmem_shared>>
    tpu.enqueue_indirect_dma source(%arg9 : memref<128x16xf32, #tpu.memory_space<vmem>>) target(%dma_start3A_259 : memref<10112x16xf32, #tpu.memory_space<vmem_shared>>) offsets(%dma_start3A_256 : memref<128xi32, #tpu.memory_space<vmem>>) semaphore(%arg19 : memref<!tpu.dma_semaphore, #tpu.memory_space<semaphore_mem>>) {add = true}
    %dma_start3A_260 = arith.constant 2 : i32
    %dma_start3A_261 = arith.constant 0 : i32
    %dma_start3A_262 = tpu.memref_slice %arg7[%dma_start3A_260, %dma_start3A_261] : memref<79x128xi32, #tpu.memory_space<vmem>> -> memref<1x128xi32, #tpu.memory_space<vmem>>
    %dma_start3A_263 = tpu.memref_squeeze %dma_start3A_262 : memref<1x128xi32, #tpu.memory_space<vmem>> -> memref<128xi32, #tpu.memory_space<vmem>>
    %dma_start3A_264 = arith.constant 0 : i32
    %dma_start3A_265 = arith.constant 0 : i32
    %dma_start3A_266 = tpu.memref_slice %arg13[%dma_start3A_264, %dma_start3A_265] : memref<10112x16xf32, #tpu.memory_space<vmem_shared>> -> memref<10112x16xf32, #tpu.memory_space<vmem_shared>>
    tpu.enqueue_indirect_dma source(%dma_start3A_266 : memref<10112x16xf32, #tpu.memory_space<vmem_shared>>) target(%arg11 : memref<128x16xf32, #tpu.memory_space<vmem>>) offsets(%dma_start3A_263 : memref<128xi32, #tpu.memory_space<vmem>>) semaphore(%arg17 : memref<!tpu.dma_semaphore, #tpu.memory_space<semaphore_mem>>)
    %dma_wait3A_267 = arith.constant 0 : i32
    %dma_wait3A_268 = arith.constant 0 : i32
    %dma_wait3A_269 = tpu.memref_slice %arg7[%dma_wait3A_267, %dma_wait3A_268] : memref<79x128xi32, #tpu.memory_space<vmem>> -> memref<1x128xi32, #tpu.memory_space<vmem>>
    %dma_wait3A_270 = tpu.memref_squeeze %dma_wait3A_269 : memref<1x128xi32, #tpu.memory_space<vmem>> -> memref<128xi32, #tpu.memory_space<vmem>>
    %dma_wait3A_271 = arith.constant 0 : i32
    %dma_wait3A_272 = arith.constant 0 : i32
    %dma_wait3A_273 = tpu.memref_slice %arg13[%dma_wait3A_271, %dma_wait3A_272] : memref<10112x16xf32, #tpu.memory_space<vmem_shared>> -> memref<10112x16xf32, #tpu.memory_space<vmem_shared>>
    tpu.wait_indirect_dma semaphore(%arg16 : memref<!tpu.dma_semaphore, #tpu.memory_space<semaphore_mem>>) src(%dma_wait3A_273 : memref<10112x16xf32, #tpu.memory_space<vmem_shared>>) dst(%arg10 : memref<128x16xf32, #tpu.memory_space<vmem>>)
    %dma_start3A_274 = arith.constant 1 : i32
    %dma_start3A_275 = arith.constant 0 : i32
    %dma_start3A_276 = tpu.memref_slice %arg8[%dma_start3A_274, %dma_start3A_275] : memref<79x128xi32, #tpu.memory_space<vmem>> -> memref<1x128xi32, #tpu.memory_space<vmem>>
    %dma_start3A_277 = tpu.memref_squeeze %dma_start3A_276 : memref<1x128xi32, #tpu.memory_space<vmem>> -> memref<128xi32, #tpu.memory_space<vmem>>
    %dma_start3A_278 = arith.constant 0 : i32
    %dma_start3A_279 = arith.constant 0 : i32
    %dma_start3A_280 = tpu.memref_slice %arg14[%dma_start3A_278, %dma_start3A_279] : memref<10112x16xf32, #tpu.memory_space<vmem_shared>> -> memref<10112x16xf32, #tpu.memory_space<vmem_shared>>
    tpu.enqueue_indirect_dma source(%arg10 : memref<128x16xf32, #tpu.memory_space<vmem>>) target(%dma_start3A_280 : memref<10112x16xf32, #tpu.memory_space<vmem_shared>>) offsets(%dma_start3A_277 : memref<128xi32, #tpu.memory_space<vmem>>) semaphore(%arg20 : memref<!tpu.dma_semaphore, #tpu.memory_space<semaphore_mem>>) {add = true}
    %dma_start3A_281 = arith.constant 3 : i32
    %dma_start3A_282 = arith.constant 0 : i32
    %dma_start3A_283 = tpu.memref_slice %arg7[%dma_start3A_281, %dma_start3A_282] : memref<79x128xi32, #tpu.memory_space<vmem>> -> memref<1x128xi32, #tpu.memory_space<vmem>>
    %dma_start3A_284 = tpu.memref_squeeze %dma_start3A_283 : memref<1x128xi32, #tpu.memory_space<vmem>> -> memref<128xi32, #tpu.memory_space<vmem>>
    %dma_start3A_285 = arith.constant 0 : i32
    %dma_start3A_286 = arith.constant 0 : i32
    %dma_start3A_287 = tpu.memref_slice %arg13[%dma_start3A_285, %dma_start3A_286] : memref<10112x16xf32, #tpu.memory_space<vmem_shared>> -> memref<10112x16xf32, #tpu.memory_space<vmem_shared>>
    tpu.enqueue_indirect_dma source(%dma_start3A_287 : memref<10112x16xf32, #tpu.memory_space<vmem_shared>>) target(%arg12 : memref<128x16xf32, #tpu.memory_space<vmem>>) offsets(%dma_start3A_284 : memref<128xi32, #tpu.memory_space<vmem>>) semaphore(%arg18 : memref<!tpu.dma_semaphore, #tpu.memory_space<semaphore_mem>>)
    %scan3A_288 = arith.constant 0 : i32
    %scan3A_289 = arith.constant 0 : i32
    %scan3A_290 = arith.constant 19 : i32
    %scan3A_291 = arith.addi %scan3A_289, %scan3A_290 : i32
    %scan3A_292 = arith.constant 1 : i32
    scf.for %scan3A_341 = %scan3A_289 to %scan3A_291 step %scan3A_292  : i32 {
      %mul3A_342 = arith.constant 4 : i32
      %mul3A_343 = arith.muli %scan3A_341, %mul3A_342 : i32
      %add3A_344 = arith.constant 2 : i32
      %add3A_345 = arith.addi %mul3A_343, %add3A_344 : i32
      %add3A_346 = arith.constant 0 : i32
      %add3A_347 = arith.addi %add3A_345, %add3A_346 : i32
      %add3A_348 = arith.constant 2 : i32
      %add3A_349 = arith.addi %add3A_347, %add3A_348 : i32
      %lt3A = arith.constant 79 : i32
      %lt3A_350 = arith.cmpi slt, %add3A_349, %lt3A : i32
      %convert_element_type3A = arith.extui %lt3A_350 : i1 to i32
      %cond3A = arith.constant 0 : i32
      %cond3A_351 = arith.cmpi ne, %convert_element_type3A, %cond3A : i32
      scf.if %cond3A_351 {
        %dma_wait3A_443 = arith.constant 0 : i32
        %dma_wait3A_444 = arith.constant 0 : i32
        %dma_wait3A_445 = tpu.memref_slice %arg8[%dma_wait3A_443, %dma_wait3A_444] : memref<79x128xi32, #tpu.memory_space<vmem>> -> memref<1x128xi32, #tpu.memory_space<vmem>>
        %dma_wait3A_446 = tpu.memref_squeeze %dma_wait3A_445 : memref<1x128xi32, #tpu.memory_space<vmem>> -> memref<128xi32, #tpu.memory_space<vmem>>
        %dma_wait3A_447 = arith.constant 0 : i32
        %dma_wait3A_448 = arith.constant 0 : i32
        %dma_wait3A_449 = tpu.memref_slice %arg14[%dma_wait3A_447, %dma_wait3A_448] : memref<10112x16xf32, #tpu.memory_space<vmem_shared>> -> memref<10112x16xf32, #tpu.memory_space<vmem_shared>>
        tpu.wait_indirect_dma semaphore(%arg19 : memref<!tpu.dma_semaphore, #tpu.memory_space<semaphore_mem>>) src(%arg9 : memref<128x16xf32, #tpu.memory_space<vmem>>) dst(%dma_wait3A_449 : memref<10112x16xf32, #tpu.memory_space<vmem_shared>>)
        %add3A_450 = arith.constant 2 : i32
        %add3A_451 = arith.addi %add3A_347, %add3A_450 : i32
        %dma_start3A_452 = arith.constant 0 : i32
        %dma_start3A_453 = tpu.memref_slice %arg7[%add3A_451, %dma_start3A_452] : memref<79x128xi32, #tpu.memory_space<vmem>> -> memref<1x128xi32, #tpu.memory_space<vmem>>
        %dma_start3A_454 = tpu.memref_squeeze %dma_start3A_453 : memref<1x128xi32, #tpu.memory_space<vmem>> -> memref<128xi32, #tpu.memory_space<vmem>>
        %dma_start3A_455 = arith.constant 0 : i32
        %dma_start3A_456 = arith.constant 0 : i32
        %dma_start3A_457 = tpu.memref_slice %arg13[%dma_start3A_455, %dma_start3A_456] : memref<10112x16xf32, #tpu.memory_space<vmem_shared>> -> memref<10112x16xf32, #tpu.memory_space<vmem_shared>>
        tpu.enqueue_indirect_dma source(%dma_start3A_457 : memref<10112x16xf32, #tpu.memory_space<vmem_shared>>) target(%arg9 : memref<128x16xf32, #tpu.memory_space<vmem>>) offsets(%dma_start3A_454 : memref<128xi32, #tpu.memory_space<vmem>>) semaphore(%arg15 : memref<!tpu.dma_semaphore, #tpu.memory_space<semaphore_mem>>)
      } else {
      }
      %dma_wait3A_352 = arith.constant 0 : i32
      %dma_wait3A_353 = arith.constant 0 : i32
      %dma_wait3A_354 = tpu.memref_slice %arg7[%dma_wait3A_352, %dma_wait3A_353] : memref<79x128xi32, #tpu.memory_space<vmem>> -> memref<1x128xi32, #tpu.memory_space<vmem>>
      %dma_wait3A_355 = tpu.memref_squeeze %dma_wait3A_354 : memref<1x128xi32, #tpu.memory_space<vmem>> -> memref<128xi32, #tpu.memory_space<vmem>>
      %dma_wait3A_356 = arith.constant 0 : i32
      %dma_wait3A_357 = arith.constant 0 : i32
      %dma_wait3A_358 = tpu.memref_slice %arg13[%dma_wait3A_356, %dma_wait3A_357] : memref<10112x16xf32, #tpu.memory_space<vmem_shared>> -> memref<10112x16xf32, #tpu.memory_space<vmem_shared>>
      tpu.wait_indirect_dma semaphore(%arg17 : memref<!tpu.dma_semaphore, #tpu.memory_space<semaphore_mem>>) src(%dma_wait3A_358 : memref<10112x16xf32, #tpu.memory_space<vmem_shared>>) dst(%arg11 : memref<128x16xf32, #tpu.memory_space<vmem>>)
      %dma_start3A_359 = arith.constant 0 : i32
      %dma_start3A_360 = tpu.memref_slice %arg8[%add3A_347, %dma_start3A_359] : memref<79x128xi32, #tpu.memory_space<vmem>> -> memref<1x128xi32, #tpu.memory_space<vmem>>
      %dma_start3A_361 = tpu.memref_squeeze %dma_start3A_360 : memref<1x128xi32, #tpu.memory_space<vmem>> -> memref<128xi32, #tpu.memory_space<vmem>>
      %dma_start3A_362 = arith.constant 0 : i32
      %dma_start3A_363 = arith.constant 0 : i32
      %dma_start3A_364 = tpu.memref_slice %arg14[%dma_start3A_362, %dma_start3A_363] : memref<10112x16xf32, #tpu.memory_space<vmem_shared>> -> memref<10112x16xf32, #tpu.memory_space<vmem_shared>>
      tpu.enqueue_indirect_dma source(%arg11 : memref<128x16xf32, #tpu.memory_space<vmem>>) target(%dma_start3A_364 : memref<10112x16xf32, #tpu.memory_space<vmem_shared>>) offsets(%dma_start3A_361 : memref<128xi32, #tpu.memory_space<vmem>>) semaphore(%arg21 : memref<!tpu.dma_semaphore, #tpu.memory_space<semaphore_mem>>) {add = true}
      %mul3A_365 = arith.constant 4 : i32
      %mul3A_366 = arith.muli %scan3A_341, %mul3A_365 : i32
      %add3A_367 = arith.constant 2 : i32
      %add3A_368 = arith.addi %mul3A_366, %add3A_367 : i32
      %add3A_369 = arith.constant 1 : i32
      %add3A_370 = arith.addi %add3A_368, %add3A_369 : i32
      %add3A_371 = arith.constant 2 : i32
      %add3A_372 = arith.addi %add3A_370, %add3A_371 : i32
      %lt3A_373 = arith.constant 79 : i32
      %lt3A_374 = arith.cmpi slt, %add3A_372, %lt3A_373 : i32
      %convert_element_type3A_375 = arith.extui %lt3A_374 : i1 to i32
      %cond3A_376 = arith.constant 0 : i32
      %cond3A_377 = arith.cmpi ne, %convert_element_type3A_375, %cond3A_376 : i32
      scf.if %cond3A_377 {
        %dma_wait3A_443 = arith.constant 0 : i32
        %dma_wait3A_444 = arith.constant 0 : i32
        %dma_wait3A_445 = tpu.memref_slice %arg8[%dma_wait3A_443, %dma_wait3A_444] : memref<79x128xi32, #tpu.memory_space<vmem>> -> memref<1x128xi32, #tpu.memory_space<vmem>>
        %dma_wait3A_446 = tpu.memref_squeeze %dma_wait3A_445 : memref<1x128xi32, #tpu.memory_space<vmem>> -> memref<128xi32, #tpu.memory_space<vmem>>
        %dma_wait3A_447 = arith.constant 0 : i32
        %dma_wait3A_448 = arith.constant 0 : i32
        %dma_wait3A_449 = tpu.memref_slice %arg14[%dma_wait3A_447, %dma_wait3A_448] : memref<10112x16xf32, #tpu.memory_space<vmem_shared>> -> memref<10112x16xf32, #tpu.memory_space<vmem_shared>>
        tpu.wait_indirect_dma semaphore(%arg20 : memref<!tpu.dma_semaphore, #tpu.memory_space<semaphore_mem>>) src(%arg10 : memref<128x16xf32, #tpu.memory_space<vmem>>) dst(%dma_wait3A_449 : memref<10112x16xf32, #tpu.memory_space<vmem_shared>>)
        %add3A_450 = arith.constant 2 : i32
        %add3A_451 = arith.addi %add3A_370, %add3A_450 : i32
        %dma_start3A_452 = arith.constant 0 : i32
        %dma_start3A_453 = tpu.memref_slice %arg7[%add3A_451, %dma_start3A_452] : memref<79x128xi32, #tpu.memory_space<vmem>> -> memref<1x128xi32, #tpu.memory_space<vmem>>
        %dma_start3A_454 = tpu.memref_squeeze %dma_start3A_453 : memref<1x128xi32, #tpu.memory_space<vmem>> -> memref<128xi32, #tpu.memory_space<vmem>>
        %dma_start3A_455 = arith.constant 0 : i32
        %dma_start3A_456 = arith.constant 0 : i32
        %dma_start3A_457 = tpu.memref_slice %arg13[%dma_start3A_455, %dma_start3A_456] : memref<10112x16xf32, #tpu.memory_space<vmem_shared>> -> memref<10112x16xf32, #tpu.memory_space<vmem_shared>>
        tpu.enqueue_indirect_dma source(%dma_start3A_457 : memref<10112x16xf32, #tpu.memory_space<vmem_shared>>) target(%arg10 : memref<128x16xf32, #tpu.memory_space<vmem>>) offsets(%dma_start3A_454 : memref<128xi32, #tpu.memory_space<vmem>>) semaphore(%arg16 : memref<!tpu.dma_semaphore, #tpu.memory_space<semaphore_mem>>)
      } else {
      }
      %dma_wait3A_378 = arith.constant 0 : i32
      %dma_wait3A_379 = arith.constant 0 : i32
      %dma_wait3A_380 = tpu.memref_slice %arg7[%dma_wait3A_378, %dma_wait3A_379] : memref<79x128xi32, #tpu.memory_space<vmem>> -> memref<1x128xi32, #tpu.memory_space<vmem>>
      %dma_wait3A_381 = tpu.memref_squeeze %dma_wait3A_380 : memref<1x128xi32, #tpu.memory_space<vmem>> -> memref<128xi32, #tpu.memory_space<vmem>>
      %dma_wait3A_382 = arith.constant 0 : i32
      %dma_wait3A_383 = arith.constant 0 : i32
      %dma_wait3A_384 = tpu.memref_slice %arg13[%dma_wait3A_382, %dma_wait3A_383] : memref<10112x16xf32, #tpu.memory_space<vmem_shared>> -> memref<10112x16xf32, #tpu.memory_space<vmem_shared>>
      tpu.wait_indirect_dma semaphore(%arg18 : memref<!tpu.dma_semaphore, #tpu.memory_space<semaphore_mem>>) src(%dma_wait3A_384 : memref<10112x16xf32, #tpu.memory_space<vmem_shared>>) dst(%arg12 : memref<128x16xf32, #tpu.memory_space<vmem>>)
      %dma_start3A_385 = arith.constant 0 : i32
      %dma_start3A_386 = tpu.memref_slice %arg8[%add3A_370, %dma_start3A_385] : memref<79x128xi32, #tpu.memory_space<vmem>> -> memref<1x128xi32, #tpu.memory_space<vmem>>
      %dma_start3A_387 = tpu.memref_squeeze %dma_start3A_386 : memref<1x128xi32, #tpu.memory_space<vmem>> -> memref<128xi32, #tpu.memory_space<vmem>>
      %dma_start3A_388 = arith.constant 0 : i32
      %dma_start3A_389 = arith.constant 0 : i32
      %dma_start3A_390 = tpu.memref_slice %arg14[%dma_start3A_388, %dma_start3A_389] : memref<10112x16xf32, #tpu.memory_space<vmem_shared>> -> memref<10112x16xf32, #tpu.memory_space<vmem_shared>>
      tpu.enqueue_indirect_dma source(%arg12 : memref<128x16xf32, #tpu.memory_space<vmem>>) target(%dma_start3A_390 : memref<10112x16xf32, #tpu.memory_space<vmem_shared>>) offsets(%dma_start3A_387 : memref<128xi32, #tpu.memory_space<vmem>>) semaphore(%arg22 : memref<!tpu.dma_semaphore, #tpu.memory_space<semaphore_mem>>) {add = true}
      %mul3A_391 = arith.constant 4 : i32
      %mul3A_392 = arith.muli %scan3A_341, %mul3A_391 : i32
      %add3A_393 = arith.constant 2 : i32
      %add3A_394 = arith.addi %mul3A_392, %add3A_393 : i32
      %add3A_395 = arith.constant 2 : i32
      %add3A_396 = arith.addi %add3A_394, %add3A_395 : i32
      %add3A_397 = arith.constant 2 : i32
      %add3A_398 = arith.addi %add3A_396, %add3A_397 : i32
      %lt3A_399 = arith.constant 79 : i32
      %lt3A_400 = arith.cmpi slt, %add3A_398, %lt3A_399 : i32
      %convert_element_type3A_401 = arith.extui %lt3A_400 : i1 to i32
      %cond3A_402 = arith.constant 0 : i32
      %cond3A_403 = arith.cmpi ne, %convert_element_type3A_401, %cond3A_402 : i32
      scf.if %cond3A_403 {
        %dma_wait3A_443 = arith.constant 0 : i32
        %dma_wait3A_444 = arith.constant 0 : i32
        %dma_wait3A_445 = tpu.memref_slice %arg8[%dma_wait3A_443, %dma_wait3A_444] : memref<79x128xi32, #tpu.memory_space<vmem>> -> memref<1x128xi32, #tpu.memory_space<vmem>>
        %dma_wait3A_446 = tpu.memref_squeeze %dma_wait3A_445 : memref<1x128xi32, #tpu.memory_space<vmem>> -> memref<128xi32, #tpu.memory_space<vmem>>
        %dma_wait3A_447 = arith.constant 0 : i32
        %dma_wait3A_448 = arith.constant 0 : i32
        %dma_wait3A_449 = tpu.memref_slice %arg14[%dma_wait3A_447, %dma_wait3A_448] : memref<10112x16xf32, #tpu.memory_space<vmem_shared>> -> memref<10112x16xf32, #tpu.memory_space<vmem_shared>>
        tpu.wait_indirect_dma semaphore(%arg21 : memref<!tpu.dma_semaphore, #tpu.memory_space<semaphore_mem>>) src(%arg11 : memref<128x16xf32, #tpu.memory_space<vmem>>) dst(%dma_wait3A_449 : memref<10112x16xf32, #tpu.memory_space<vmem_shared>>)
        %add3A_450 = arith.constant 2 : i32
        %add3A_451 = arith.addi %add3A_396, %add3A_450 : i32
        %dma_start3A_452 = arith.constant 0 : i32
        %dma_start3A_453 = tpu.memref_slice %arg7[%add3A_451, %dma_start3A_452] : memref<79x128xi32, #tpu.memory_space<vmem>> -> memref<1x128xi32, #tpu.memory_space<vmem>>
        %dma_start3A_454 = tpu.memref_squeeze %dma_start3A_453 : memref<1x128xi32, #tpu.memory_space<vmem>> -> memref<128xi32, #tpu.memory_space<vmem>>
        %dma_start3A_455 = arith.constant 0 : i32
        %dma_start3A_456 = arith.constant 0 : i32
        %dma_start3A_457 = tpu.memref_slice %arg13[%dma_start3A_455, %dma_start3A_456] : memref<10112x16xf32, #tpu.memory_space<vmem_shared>> -> memref<10112x16xf32, #tpu.memory_space<vmem_shared>>
        tpu.enqueue_indirect_dma source(%dma_start3A_457 : memref<10112x16xf32, #tpu.memory_space<vmem_shared>>) target(%arg11 : memref<128x16xf32, #tpu.memory_space<vmem>>) offsets(%dma_start3A_454 : memref<128xi32, #tpu.memory_space<vmem>>) semaphore(%arg17 : memref<!tpu.dma_semaphore, #tpu.memory_space<semaphore_mem>>)
      } else {
      }
      %dma_wait3A_404 = arith.constant 0 : i32
      %dma_wait3A_405 = arith.constant 0 : i32
      %dma_wait3A_406 = tpu.memref_slice %arg7[%dma_wait3A_404, %dma_wait3A_405] : memref<79x128xi32, #tpu.memory_space<vmem>> -> memref<1x128xi32, #tpu.memory_space<vmem>>
      %dma_wait3A_407 = tpu.memref_squeeze %dma_wait3A_406 : memref<1x128xi32, #tpu.memory_space<vmem>> -> memref<128xi32, #tpu.memory_space<vmem>>
      %dma_wait3A_408 = arith.constant 0 : i32
      %dma_wait3A_409 = arith.constant 0 : i32
      %dma_wait3A_410 = tpu.memref_slice %arg13[%dma_wait3A_408, %dma_wait3A_409] : memref<10112x16xf32, #tpu.memory_space<vmem_shared>> -> memref<10112x16xf32, #tpu.memory_space<vmem_shared>>
      tpu.wait_indirect_dma semaphore(%arg15 : memref<!tpu.dma_semaphore, #tpu.memory_space<semaphore_mem>>) src(%dma_wait3A_410 : memref<10112x16xf32, #tpu.memory_space<vmem_shared>>) dst(%arg9 : memref<128x16xf32, #tpu.memory_space<vmem>>)
      %dma_start3A_411 = arith.constant 0 : i32
      %dma_start3A_412 = tpu.memref_slice %arg8[%add3A_396, %dma_start3A_411] : memref<79x128xi32, #tpu.memory_space<vmem>> -> memref<1x128xi32, #tpu.memory_space<vmem>>
      %dma_start3A_413 = tpu.memref_squeeze %dma_start3A_412 : memref<1x128xi32, #tpu.memory_space<vmem>> -> memref<128xi32, #tpu.memory_space<vmem>>
      %dma_start3A_414 = arith.constant 0 : i32
      %dma_start3A_415 = arith.constant 0 : i32
      %dma_start3A_416 = tpu.memref_slice %arg14[%dma_start3A_414, %dma_start3A_415] : memref<10112x16xf32, #tpu.memory_space<vmem_shared>> -> memref<10112x16xf32, #tpu.memory_space<vmem_shared>>
      tpu.enqueue_indirect_dma source(%arg9 : memref<128x16xf32, #tpu.memory_space<vmem>>) target(%dma_start3A_416 : memref<10112x16xf32, #tpu.memory_space<vmem_shared>>) offsets(%dma_start3A_413 : memref<128xi32, #tpu.memory_space<vmem>>) semaphore(%arg19 : memref<!tpu.dma_semaphore, #tpu.memory_space<semaphore_mem>>) {add = true}
      %mul3A_417 = arith.constant 4 : i32
      %mul3A_418 = arith.muli %scan3A_341, %mul3A_417 : i32
      %add3A_419 = arith.constant 2 : i32
      %add3A_420 = arith.addi %mul3A_418, %add3A_419 : i32
      %add3A_421 = arith.constant 3 : i32
      %add3A_422 = arith.addi %add3A_420, %add3A_421 : i32
      %add3A_423 = arith.constant 2 : i32
      %add3A_424 = arith.addi %add3A_422, %add3A_423 : i32
      %lt3A_425 = arith.constant 79 : i32
      %lt3A_426 = arith.cmpi slt, %add3A_424, %lt3A_425 : i32
      %convert_element_type3A_427 = arith.extui %lt3A_426 : i1 to i32
      %cond3A_428 = arith.constant 0 : i32
      %cond3A_429 = arith.cmpi ne, %convert_element_type3A_427, %cond3A_428 : i32
      scf.if %cond3A_429 {
        %dma_wait3A_443 = arith.constant 0 : i32
        %dma_wait3A_444 = arith.constant 0 : i32
        %dma_wait3A_445 = tpu.memref_slice %arg8[%dma_wait3A_443, %dma_wait3A_444] : memref<79x128xi32, #tpu.memory_space<vmem>> -> memref<1x128xi32, #tpu.memory_space<vmem>>
        %dma_wait3A_446 = tpu.memref_squeeze %dma_wait3A_445 : memref<1x128xi32, #tpu.memory_space<vmem>> -> memref<128xi32, #tpu.memory_space<vmem>>
        %dma_wait3A_447 = arith.constant 0 : i32
        %dma_wait3A_448 = arith.constant 0 : i32
        %dma_wait3A_449 = tpu.memref_slice %arg14[%dma_wait3A_447, %dma_wait3A_448] : memref<10112x16xf32, #tpu.memory_space<vmem_shared>> -> memref<10112x16xf32, #tpu.memory_space<vmem_shared>>
        tpu.wait_indirect_dma semaphore(%arg22 : memref<!tpu.dma_semaphore, #tpu.memory_space<semaphore_mem>>) src(%arg12 : memref<128x16xf32, #tpu.memory_space<vmem>>) dst(%dma_wait3A_449 : memref<10112x16xf32, #tpu.memory_space<vmem_shared>>)
        %add3A_450 = arith.constant 2 : i32
        %add3A_451 = arith.addi %add3A_422, %add3A_450 : i32
        %dma_start3A_452 = arith.constant 0 : i32
        %dma_start3A_453 = tpu.memref_slice %arg7[%add3A_451, %dma_start3A_452] : memref<79x128xi32, #tpu.memory_space<vmem>> -> memref<1x128xi32, #tpu.memory_space<vmem>>
        %dma_start3A_454 = tpu.memref_squeeze %dma_start3A_453 : memref<1x128xi32, #tpu.memory_space<vmem>> -> memref<128xi32, #tpu.memory_space<vmem>>
        %dma_start3A_455 = arith.constant 0 : i32
        %dma_start3A_456 = arith.constant 0 : i32
        %dma_start3A_457 = tpu.memref_slice %arg13[%dma_start3A_455, %dma_start3A_456] : memref<10112x16xf32, #tpu.memory_space<vmem_shared>> -> memref<10112x16xf32, #tpu.memory_space<vmem_shared>>
        tpu.enqueue_indirect_dma source(%dma_start3A_457 : memref<10112x16xf32, #tpu.memory_space<vmem_shared>>) target(%arg12 : memref<128x16xf32, #tpu.memory_space<vmem>>) offsets(%dma_start3A_454 : memref<128xi32, #tpu.memory_space<vmem>>) semaphore(%arg18 : memref<!tpu.dma_semaphore, #tpu.memory_space<semaphore_mem>>)
      } else {
      }
      %dma_wait3A_430 = arith.constant 0 : i32
      %dma_wait3A_431 = arith.constant 0 : i32
      %dma_wait3A_432 = tpu.memref_slice %arg7[%dma_wait3A_430, %dma_wait3A_431] : memref<79x128xi32, #tpu.memory_space<vmem>> -> memref<1x128xi32, #tpu.memory_space<vmem>>
      %dma_wait3A_433 = tpu.memref_squeeze %dma_wait3A_432 : memref<1x128xi32, #tpu.memory_space<vmem>> -> memref<128xi32, #tpu.memory_space<vmem>>
      %dma_wait3A_434 = arith.constant 0 : i32
      %dma_wait3A_435 = arith.constant 0 : i32
      %dma_wait3A_436 = tpu.memref_slice %arg13[%dma_wait3A_434, %dma_wait3A_435] : memref<10112x16xf32, #tpu.memory_space<vmem_shared>> -> memref<10112x16xf32, #tpu.memory_space<vmem_shared>>
      tpu.wait_indirect_dma semaphore(%arg16 : memref<!tpu.dma_semaphore, #tpu.memory_space<semaphore_mem>>) src(%dma_wait3A_436 : memref<10112x16xf32, #tpu.memory_space<vmem_shared>>) dst(%arg10 : memref<128x16xf32, #tpu.memory_space<vmem>>)
      %dma_start3A_437 = arith.constant 0 : i32
      %dma_start3A_438 = tpu.memref_slice %arg8[%add3A_422, %dma_start3A_437] : memref<79x128xi32, #tpu.memory_space<vmem>> -> memref<1x128xi32, #tpu.memory_space<vmem>>
      %dma_start3A_439 = tpu.memref_squeeze %dma_start3A_438 : memref<1x128xi32, #tpu.memory_space<vmem>> -> memref<128xi32, #tpu.memory_space<vmem>>
      %dma_start3A_440 = arith.constant 0 : i32
      %dma_start3A_441 = arith.constant 0 : i32
      %dma_start3A_442 = tpu.memref_slice %arg14[%dma_start3A_440, %dma_start3A_441] : memref<10112x16xf32, #tpu.memory_space<vmem_shared>> -> memref<10112x16xf32, #tpu.memory_space<vmem_shared>>
      tpu.enqueue_indirect_dma source(%arg10 : memref<128x16xf32, #tpu.memory_space<vmem>>) target(%dma_start3A_442 : memref<10112x16xf32, #tpu.memory_space<vmem_shared>>) offsets(%dma_start3A_439 : memref<128xi32, #tpu.memory_space<vmem>>) semaphore(%arg20 : memref<!tpu.dma_semaphore, #tpu.memory_space<semaphore_mem>>) {add = true}
    }
    %scan3A_293 = arith.constant 19 : i32
    %dma_wait3A_294 = arith.constant 0 : i32
    %dma_wait3A_295 = arith.constant 0 : i32
    %dma_wait3A_296 = tpu.memref_slice %arg7[%dma_wait3A_294, %dma_wait3A_295] : memref<79x128xi32, #tpu.memory_space<vmem>> -> memref<1x128xi32, #tpu.memory_space<vmem>>
    %dma_wait3A_297 = tpu.memref_squeeze %dma_wait3A_296 : memref<1x128xi32, #tpu.memory_space<vmem>> -> memref<128xi32, #tpu.memory_space<vmem>>
    %dma_wait3A_298 = arith.constant 0 : i32
    %dma_wait3A_299 = arith.constant 0 : i32
    %dma_wait3A_300 = tpu.memref_slice %arg13[%dma_wait3A_298, %dma_wait3A_299] : memref<10112x16xf32, #tpu.memory_space<vmem_shared>> -> memref<10112x16xf32, #tpu.memory_space<vmem_shared>>
    tpu.wait_indirect_dma semaphore(%arg17 : memref<!tpu.dma_semaphore, #tpu.memory_space<semaphore_mem>>) src(%dma_wait3A_300 : memref<10112x16xf32, #tpu.memory_space<vmem_shared>>) dst(%arg11 : memref<128x16xf32, #tpu.memory_space<vmem>>)
    %dma_start3A_301 = arith.constant 78 : i32
    %dma_start3A_302 = arith.constant 0 : i32
    %dma_start3A_303 = tpu.memref_slice %arg8[%dma_start3A_301, %dma_start3A_302] : memref<79x128xi32, #tpu.memory_space<vmem>> -> memref<1x128xi32, #tpu.memory_space<vmem>>
    %dma_start3A_304 = tpu.memref_squeeze %dma_start3A_303 : memref<1x128xi32, #tpu.memory_space<vmem>> -> memref<128xi32, #tpu.memory_space<vmem>>
    %dma_start3A_305 = arith.constant 0 : i32
    %dma_start3A_306 = arith.constant 0 : i32
    %dma_start3A_307 = tpu.memref_slice %arg14[%dma_start3A_305, %dma_start3A_306] : memref<10112x16xf32, #tpu.memory_space<vmem_shared>> -> memref<10112x16xf32, #tpu.memory_space<vmem_shared>>
    tpu.enqueue_indirect_dma source(%arg11 : memref<128x16xf32, #tpu.memory_space<vmem>>) target(%dma_start3A_307 : memref<10112x16xf32, #tpu.memory_space<vmem_shared>>) offsets(%dma_start3A_304 : memref<128xi32, #tpu.memory_space<vmem>>) semaphore(%arg21 : memref<!tpu.dma_semaphore, #tpu.memory_space<semaphore_mem>>) {add = true}
    %dma_wait3A_308 = arith.constant 0 : i32
    %dma_wait3A_309 = arith.constant 0 : i32
    %dma_wait3A_310 = tpu.memref_slice %arg8[%dma_wait3A_308, %dma_wait3A_309] : memref<79x128xi32, #tpu.memory_space<vmem>> -> memref<1x128xi32, #tpu.memory_space<vmem>>
    %dma_wait3A_311 = tpu.memref_squeeze %dma_wait3A_310 : memref<1x128xi32, #tpu.memory_space<vmem>> -> memref<128xi32, #tpu.memory_space<vmem>>
    %dma_wait3A_312 = arith.constant 0 : i32
    %dma_wait3A_313 = arith.constant 0 : i32
    %dma_wait3A_314 = tpu.memref_slice %arg14[%dma_wait3A_312, %dma_wait3A_313] : memref<10112x16xf32, #tpu.memory_space<vmem_shared>> -> memref<10112x16xf32, #tpu.memory_space<vmem_shared>>
    tpu.wait_indirect_dma semaphore(%arg19 : memref<!tpu.dma_semaphore, #tpu.memory_space<semaphore_mem>>) src(%arg9 : memref<128x16xf32, #tpu.memory_space<vmem>>) dst(%dma_wait3A_314 : memref<10112x16xf32, #tpu.memory_space<vmem_shared>>)
    %dma_wait3A_315 = arith.constant 0 : i32
    %dma_wait3A_316 = arith.constant 0 : i32
    %dma_wait3A_317 = tpu.memref_slice %arg8[%dma_wait3A_315, %dma_wait3A_316] : memref<79x128xi32, #tpu.memory_space<vmem>> -> memref<1x128xi32, #tpu.memory_space<vmem>>
    %dma_wait3A_318 = tpu.memref_squeeze %dma_wait3A_317 : memref<1x128xi32, #tpu.memory_space<vmem>> -> memref<128xi32, #tpu.memory_space<vmem>>
    %dma_wait3A_319 = arith.constant 0 : i32
    %dma_wait3A_320 = arith.constant 0 : i32
    %dma_wait3A_321 = tpu.memref_slice %arg14[%dma_wait3A_319, %dma_wait3A_320] : memref<10112x16xf32, #tpu.memory_space<vmem_shared>> -> memref<10112x16xf32, #tpu.memory_space<vmem_shared>>
    tpu.wait_indirect_dma semaphore(%arg20 : memref<!tpu.dma_semaphore, #tpu.memory_space<semaphore_mem>>) src(%arg10 : memref<128x16xf32, #tpu.memory_space<vmem>>) dst(%dma_wait3A_321 : memref<10112x16xf32, #tpu.memory_space<vmem_shared>>)
    %dma_wait3A_322 = arith.constant 0 : i32
    %dma_wait3A_323 = arith.constant 0 : i32
    %dma_wait3A_324 = tpu.memref_slice %arg8[%dma_wait3A_322, %dma_wait3A_323] : memref<79x128xi32, #tpu.memory_space<vmem>> -> memref<1x128xi32, #tpu.memory_space<vmem>>
    %dma_wait3A_325 = tpu.memref_squeeze %dma_wait3A_324 : memref<1x128xi32, #tpu.memory_space<vmem>> -> memref<128xi32, #tpu.memory_space<vmem>>
    %dma_wait3A_326 = arith.constant 0 : i32
    %dma_wait3A_327 = arith.constant 0 : i32
    %dma_wait3A_328 = tpu.memref_slice %arg14[%dma_wait3A_326, %dma_wait3A_327] : memref<10112x16xf32, #tpu.memory_space<vmem_shared>> -> memref<10112x16xf32, #tpu.memory_space<vmem_shared>>
    tpu.wait_indirect_dma semaphore(%arg21 : memref<!tpu.dma_semaphore, #tpu.memory_space<semaphore_mem>>) src(%arg11 : memref<128x16xf32, #tpu.memory_space<vmem>>) dst(%dma_wait3A_328 : memref<10112x16xf32, #tpu.memory_space<vmem_shared>>)
    %dma_wait3A_329 = arith.constant 0 : i32
    %dma_wait3A_330 = arith.constant 0 : i32
    %dma_wait3A_331 = tpu.memref_slice %arg8[%dma_wait3A_329, %dma_wait3A_330] : memref<79x128xi32, #tpu.memory_space<vmem>> -> memref<1x128xi32, #tpu.memory_space<vmem>>
    %dma_wait3A_332 = tpu.memref_squeeze %dma_wait3A_331 : memref<1x128xi32, #tpu.memory_space<vmem>> -> memref<128xi32, #tpu.memory_space<vmem>>
    %dma_wait3A_333 = arith.constant 0 : i32
    %dma_wait3A_334 = arith.constant 0 : i32
    %dma_wait3A_335 = tpu.memref_slice %arg14[%dma_wait3A_333, %dma_wait3A_334] : memref<10112x16xf32, #tpu.memory_space<vmem_shared>> -> memref<10112x16xf32, #tpu.memory_space<vmem_shared>>
    tpu.wait_indirect_dma semaphore(%arg22 : memref<!tpu.dma_semaphore, #tpu.memory_space<semaphore_mem>>) src(%arg12 : memref<128x16xf32, #tpu.memory_space<vmem>>) dst(%dma_wait3A_335 : memref<10112x16xf32, #tpu.memory_space<vmem_shared>>)
    %barrier3A_336 = arith.constant 0 : index
    tpu.barrier barrier_id(%barrier3A_336)
    %mul3A_337 = arith.constant 632 : i32
    %mul3A_338 = arith.muli %arg1, %mul3A_337 : i32
    %add3A_339 = arith.constant 20224 : i32
    %add3A_340 = arith.addi %add3A_339, %mul3A_338 : i32
    "tpu.region"() ({
      %run_scoped3A = tpu.sem_alloc : memref<!tpu.dma_semaphore, #tpu.memory_space<semaphore_mem>>
      %dma_start3A_341 = arith.constant 0 : i32
      %dma_start3A_342 = tpu.memref_slice %arg6[%arg0, %add3A_340, %dma_start3A_341] : memref<2x30336x16xf32, #tpu.memory_space<hbm>> -> memref<1x632x16xf32, #tpu.memory_space<hbm>>
      %dma_start3A_343 = tpu.memref_squeeze %dma_start3A_342 : memref<1x632x16xf32, #tpu.memory_space<hbm>> -> memref<632x16xf32, #tpu.memory_space<hbm>>
      %dma_start3A_344 = arith.constant 0 : i32
      %dma_start3A_345 = tpu.memref_slice %arg14[%mul3A_2, %dma_start3A_344] : memref<10112x16xf32, #tpu.memory_space<vmem_shared>> -> memref<632x16xf32, #tpu.memory_space<vmem_shared>>
      tpu.enqueue_dma source(%dma_start3A_345 : memref<632x16xf32, #tpu.memory_space<vmem_shared>>) target(%dma_start3A_343 : memref<632x16xf32, #tpu.memory_space<hbm>>) target_semaphore(%run_scoped3A : memref<!tpu.dma_semaphore, #tpu.memory_space<semaphore_mem>>)
      %dma_wait3A_346 = arith.constant 0 : i32
      %dma_wait3A_347 = tpu.memref_slice %arg6[%arg0, %add3A_340, %dma_wait3A_346] : memref<2x30336x16xf32, #tpu.memory_space<hbm>> -> memref<1x632x16xf32, #tpu.memory_space<hbm>>
      %dma_wait3A_348 = tpu.memref_squeeze %dma_wait3A_347 : memref<1x632x16xf32, #tpu.memory_space<hbm>> -> memref<632x16xf32, #tpu.memory_space<hbm>>
      %dma_wait3A_349 = arith.constant 0 : i32
      %dma_wait3A_350 = tpu.memref_slice %arg14[%mul3A_2, %dma_wait3A_349] : memref<10112x16xf32, #tpu.memory_space<vmem_shared>> -> memref<632x16xf32, #tpu.memory_space<vmem_shared>>
      tpu.wait_dma2 semaphore(%run_scoped3A : memref<!tpu.dma_semaphore, #tpu.memory_space<semaphore_mem>>) src(%dma_wait3A_350 : memref<632x16xf32, #tpu.memory_space<vmem_shared>>) dst(%dma_wait3A_348 : memref<632x16xf32, #tpu.memory_space<hbm>>)
      tpu.yield
    }) : () -> ()
    return
  }
}

#map = affine_map<(d0, d1) -> (0, 0, 0)>
#map1 = affine_map<(d0, d1) -> (0, 0)>
module attributes {stable_mosaic.version = 14 : i64} {
  func.func @_deg_kernel(%arg0: i32, %arg1: i32, %arg2: memref<32x79x128xi32, #tpu.memory_space<hbm>>, %arg3: memref<128x16xf32, #tpu.memory_space<hbm>>, %arg4: memref<632x16xf32, #tpu.memory_space<hbm>>, %arg5: memref<2x10112x16xf32, #tpu.memory_space<hbm>>, %arg6: memref<79x128xi32, #tpu.memory_space<vmem>>, %arg7: memref<128x16xf32, #tpu.memory_space<vmem>>, %arg8: memref<10112x16xf32, #tpu.memory_space<vmem_shared>>, %arg9: memref<!tpu.dma_semaphore, #tpu.memory_space<semaphore_mem>>) attributes {dimension_semantics = [#tpu.dimension_semantics<core_parallel>, #tpu.dimension_semantics<subcore_parallel>], iteration_bounds = array<i64: 2, 16>, scalar_prefetch = 0 : i64, scratch_operands = 4 : i64, tpu.core_type = #tpu.core_type<sc_vector_subcore>, window_params = [{transform_indices = #map}, {transform_indices = #map1}, {transform_indices = #map1}, {transform_indices = #map}]} {
    %mul3A = arith.constant 2 : i32
    %mul3A_0 = arith.muli %arg1, %mul3A : i32
    %add3A = arith.addi %mul3A_0, %arg0 : i32
    "tpu.region"() ({
      %run_scoped3A = tpu.sem_alloc : memref<!tpu.dma_semaphore, #tpu.memory_space<semaphore_mem>>
      %dma_start3A = arith.constant 0 : i32
      %dma_start3A_15 = arith.constant 0 : i32
      %dma_start3A_16 = tpu.memref_slice %arg2[%add3A, %dma_start3A, %dma_start3A_15] : memref<32x79x128xi32, #tpu.memory_space<hbm>> -> memref<1x79x128xi32, #tpu.memory_space<hbm>>
      %dma_start3A_17 = tpu.memref_squeeze %dma_start3A_16 : memref<1x79x128xi32, #tpu.memory_space<hbm>> -> memref<79x128xi32, #tpu.memory_space<hbm>>
      %dma_start3A_18 = arith.constant 0 : i32
      %dma_start3A_19 = arith.constant 0 : i32
      %dma_start3A_20 = tpu.memref_slice %arg2[%add3A, %dma_start3A_18, %dma_start3A_19] : memref<32x79x128xi32, #tpu.memory_space<hbm>> -> memref<1x79x128xi32, #tpu.memory_space<hbm>>
      %dma_start3A_21 = tpu.memref_squeeze %dma_start3A_20 : memref<1x79x128xi32, #tpu.memory_space<hbm>> -> memref<79x128xi32, #tpu.memory_space<hbm>>
      tpu.enqueue_dma source(%dma_start3A_21 : memref<79x128xi32, #tpu.memory_space<hbm>>) target(%arg6 : memref<79x128xi32, #tpu.memory_space<vmem>>) target_semaphore(%run_scoped3A : memref<!tpu.dma_semaphore, #tpu.memory_space<semaphore_mem>>)
      %dma_wait3A = arith.constant 0 : i32
      %dma_wait3A_22 = arith.constant 0 : i32
      %dma_wait3A_23 = tpu.memref_slice %arg2[%add3A, %dma_wait3A, %dma_wait3A_22] : memref<32x79x128xi32, #tpu.memory_space<hbm>> -> memref<1x79x128xi32, #tpu.memory_space<hbm>>
      %dma_wait3A_24 = tpu.memref_squeeze %dma_wait3A_23 : memref<1x79x128xi32, #tpu.memory_space<hbm>> -> memref<79x128xi32, #tpu.memory_space<hbm>>
      %dma_wait3A_25 = arith.constant 0 : i32
      %dma_wait3A_26 = arith.constant 0 : i32
      %dma_wait3A_27 = tpu.memref_slice %arg2[%add3A, %dma_wait3A_25, %dma_wait3A_26] : memref<32x79x128xi32, #tpu.memory_space<hbm>> -> memref<1x79x128xi32, #tpu.memory_space<hbm>>
      %dma_wait3A_28 = tpu.memref_squeeze %dma_wait3A_27 : memref<1x79x128xi32, #tpu.memory_space<hbm>> -> memref<79x128xi32, #tpu.memory_space<hbm>>
      tpu.wait_dma2 semaphore(%run_scoped3A : memref<!tpu.dma_semaphore, #tpu.memory_space<semaphore_mem>>) src(%dma_wait3A_28 : memref<79x128xi32, #tpu.memory_space<hbm>>) dst(%arg6 : memref<79x128xi32, #tpu.memory_space<vmem>>)
      tpu.yield
    }) : () -> ()
    "tpu.region"() ({
      %run_scoped3A = tpu.sem_alloc : memref<!tpu.dma_semaphore, #tpu.memory_space<semaphore_mem>>
      tpu.enqueue_dma source(%arg3 : memref<128x16xf32, #tpu.memory_space<hbm>>) target(%arg7 : memref<128x16xf32, #tpu.memory_space<vmem>>) target_semaphore(%run_scoped3A : memref<!tpu.dma_semaphore, #tpu.memory_space<semaphore_mem>>)
      tpu.wait_dma2 semaphore(%run_scoped3A : memref<!tpu.dma_semaphore, #tpu.memory_space<semaphore_mem>>) src(%arg3 : memref<128x16xf32, #tpu.memory_space<hbm>>) dst(%arg7 : memref<128x16xf32, #tpu.memory_space<vmem>>)
      tpu.yield
    }) : () -> ()
    %mul3A_1 = arith.constant 632 : i32
    %mul3A_2 = arith.muli %arg1, %mul3A_1 : i32
    "tpu.region"() ({
      %run_scoped3A = tpu.sem_alloc : memref<!tpu.dma_semaphore, #tpu.memory_space<semaphore_mem>>
      %dma_start3A = arith.constant 0 : i32
      %dma_start3A_15 = tpu.memref_slice %arg8[%mul3A_2, %dma_start3A] : memref<10112x16xf32, #tpu.memory_space<vmem_shared>> -> memref<632x16xf32, #tpu.memory_space<vmem_shared>>
      tpu.enqueue_dma source(%arg4 : memref<632x16xf32, #tpu.memory_space<hbm>>) target(%dma_start3A_15 : memref<632x16xf32, #tpu.memory_space<vmem_shared>>) target_semaphore(%run_scoped3A : memref<!tpu.dma_semaphore, #tpu.memory_space<semaphore_mem>>)
      %dma_wait3A = arith.constant 0 : i32
      %dma_wait3A_16 = tpu.memref_slice %arg8[%mul3A_2, %dma_wait3A] : memref<10112x16xf32, #tpu.memory_space<vmem_shared>> -> memref<632x16xf32, #tpu.memory_space<vmem_shared>>
      tpu.wait_dma2 semaphore(%run_scoped3A : memref<!tpu.dma_semaphore, #tpu.memory_space<semaphore_mem>>) src(%arg4 : memref<632x16xf32, #tpu.memory_space<hbm>>) dst(%dma_wait3A_16 : memref<632x16xf32, #tpu.memory_space<vmem_shared>>)
      tpu.yield
    }) : () -> ()
    %barrier3A = arith.constant 0 : index
    tpu.barrier barrier_id(%barrier3A)
    %scan3A = arith.constant 0 : i32
    %scan3A_3 = arith.constant 0 : i32
    %scan3A_4 = arith.constant 79 : i32
    %scan3A_5 = arith.addi %scan3A_3, %scan3A_4 : i32
    %scan3A_6 = arith.constant 1 : i32
    scf.for %scan3A_15 = %scan3A_3 to %scan3A_5 step %scan3A_6  : i32 {
      %dma_start3A = arith.constant 0 : i32
      %dma_start3A_16 = tpu.memref_slice %arg6[%scan3A_15, %dma_start3A] : memref<79x128xi32, #tpu.memory_space<vmem>> -> memref<1x128xi32, #tpu.memory_space<vmem>>
      %dma_start3A_17 = tpu.memref_squeeze %dma_start3A_16 : memref<1x128xi32, #tpu.memory_space<vmem>> -> memref<128xi32, #tpu.memory_space<vmem>>
      %dma_start3A_18 = arith.constant 0 : i32
      %dma_start3A_19 = arith.constant 0 : i32
      %dma_start3A_20 = tpu.memref_slice %arg8[%dma_start3A_18, %dma_start3A_19] : memref<10112x16xf32, #tpu.memory_space<vmem_shared>> -> memref<10112x16xf32, #tpu.memory_space<vmem_shared>>
      tpu.enqueue_indirect_dma source(%arg7 : memref<128x16xf32, #tpu.memory_space<vmem>>) target(%dma_start3A_20 : memref<10112x16xf32, #tpu.memory_space<vmem_shared>>) offsets(%dma_start3A_17 : memref<128xi32, #tpu.memory_space<vmem>>) semaphore(%arg9 : memref<!tpu.dma_semaphore, #tpu.memory_space<semaphore_mem>>) {add = true}
    }
    %scan3A_7 = arith.constant 79 : i32
    %scan3A_8 = arith.constant 0 : i32
    %scan3A_9 = arith.constant 0 : i32
    %scan3A_10 = arith.constant 79 : i32
    %scan3A_11 = arith.addi %scan3A_9, %scan3A_10 : i32
    %scan3A_12 = arith.constant 1 : i32
    scf.for %scan3A_15 = %scan3A_9 to %scan3A_11 step %scan3A_12  : i32 {
      %dma_wait3A = arith.constant 0 : i32
      %dma_wait3A_16 = arith.constant 0 : i32
      %dma_wait3A_17 = tpu.memref_slice %arg6[%dma_wait3A, %dma_wait3A_16] : memref<79x128xi32, #tpu.memory_space<vmem>> -> memref<1x128xi32, #tpu.memory_space<vmem>>
      %dma_wait3A_18 = tpu.memref_squeeze %dma_wait3A_17 : memref<1x128xi32, #tpu.memory_space<vmem>> -> memref<128xi32, #tpu.memory_space<vmem>>
      %dma_wait3A_19 = arith.constant 0 : i32
      %dma_wait3A_20 = arith.constant 0 : i32
      %dma_wait3A_21 = tpu.memref_slice %arg8[%dma_wait3A_19, %dma_wait3A_20] : memref<10112x16xf32, #tpu.memory_space<vmem_shared>> -> memref<10112x16xf32, #tpu.memory_space<vmem_shared>>
      tpu.wait_indirect_dma semaphore(%arg9 : memref<!tpu.dma_semaphore, #tpu.memory_space<semaphore_mem>>) src(%arg7 : memref<128x16xf32, #tpu.memory_space<vmem>>) dst(%dma_wait3A_21 : memref<10112x16xf32, #tpu.memory_space<vmem_shared>>)
    }
    %scan3A_13 = arith.constant 79 : i32
    %barrier3A_14 = arith.constant 0 : index
    tpu.barrier barrier_id(%barrier3A_14)
    "tpu.region"() ({
      %run_scoped3A = tpu.sem_alloc : memref<!tpu.dma_semaphore, #tpu.memory_space<semaphore_mem>>
      %dma_start3A = arith.constant 0 : i32
      %dma_start3A_15 = tpu.memref_slice %arg5[%arg0, %mul3A_2, %dma_start3A] : memref<2x10112x16xf32, #tpu.memory_space<hbm>> -> memref<1x632x16xf32, #tpu.memory_space<hbm>>
      %dma_start3A_16 = tpu.memref_squeeze %dma_start3A_15 : memref<1x632x16xf32, #tpu.memory_space<hbm>> -> memref<632x16xf32, #tpu.memory_space<hbm>>
      %dma_start3A_17 = arith.constant 0 : i32
      %dma_start3A_18 = tpu.memref_slice %arg8[%mul3A_2, %dma_start3A_17] : memref<10112x16xf32, #tpu.memory_space<vmem_shared>> -> memref<632x16xf32, #tpu.memory_space<vmem_shared>>
      tpu.enqueue_dma source(%dma_start3A_18 : memref<632x16xf32, #tpu.memory_space<vmem_shared>>) target(%dma_start3A_16 : memref<632x16xf32, #tpu.memory_space<hbm>>) target_semaphore(%run_scoped3A : memref<!tpu.dma_semaphore, #tpu.memory_space<semaphore_mem>>)
      %dma_wait3A = arith.constant 0 : i32
      %dma_wait3A_19 = tpu.memref_slice %arg5[%arg0, %mul3A_2, %dma_wait3A] : memref<2x10112x16xf32, #tpu.memory_space<hbm>> -> memref<1x632x16xf32, #tpu.memory_space<hbm>>
      %dma_wait3A_20 = tpu.memref_squeeze %dma_wait3A_19 : memref<1x632x16xf32, #tpu.memory_space<hbm>> -> memref<632x16xf32, #tpu.memory_space<hbm>>
      %dma_wait3A_21 = arith.constant 0 : i32
      %dma_wait3A_22 = tpu.memref_slice %arg8[%mul3A_2, %dma_wait3A_21] : memref<10112x16xf32, #tpu.memory_space<vmem_shared>> -> memref<632x16xf32, #tpu.memory_space<vmem_shared>>
      tpu.wait_dma2 semaphore(%run_scoped3A : memref<!tpu.dma_semaphore, #tpu.memory_space<semaphore_mem>>) src(%dma_wait3A_22 : memref<632x16xf32, #tpu.memory_space<vmem_shared>>) dst(%dma_wait3A_20 : memref<632x16xf32, #tpu.memory_space<hbm>>)
      tpu.yield
    }) : () -> ()
    return
  }
}

#map = affine_map<(d0, d1) -> (0, 0)>
#map1 = affine_map<(d0, d1) -> (0, 0, 0)>
module attributes {stable_mosaic.version = 14 : i64} {
  func.func @agg(%arg0: i32, %arg1: i32, %arg2: memref<10112x16xf32, #tpu.memory_space<hbm>>, %arg3: memref<32x79x128xi32, #tpu.memory_space<hbm>>, %arg4: memref<32x79x128xi32, #tpu.memory_space<hbm>>, %arg5: memref<632x16xf32, #tpu.memory_space<hbm>>, %arg6: memref<2x10112x16xf32, #tpu.memory_space<hbm>>, %arg7: memref<79x128xi32, #tpu.memory_space<vmem>>, %arg8: memref<79x128xi32, #tpu.memory_space<vmem>>, %arg9: memref<128x16xf32, #tpu.memory_space<vmem>>, %arg10: memref<128x16xf32, #tpu.memory_space<vmem>>, %arg11: memref<128x16xf32, #tpu.memory_space<vmem>>, %arg12: memref<128x16xf32, #tpu.memory_space<vmem>>, %arg13: memref<10112x16xf32, #tpu.memory_space<vmem_shared>>, %arg14: memref<10112x16xf32, #tpu.memory_space<vmem_shared>>, %arg15: memref<!tpu.dma_semaphore, #tpu.memory_space<semaphore_mem>>, %arg16: memref<!tpu.dma_semaphore, #tpu.memory_space<semaphore_mem>>, %arg17: memref<!tpu.dma_semaphore, #tpu.memory_space<semaphore_mem>>, %arg18: memref<!tpu.dma_semaphore, #tpu.memory_space<semaphore_mem>>, %arg19: memref<!tpu.dma_semaphore, #tpu.memory_space<semaphore_mem>>, %arg20: memref<!tpu.dma_semaphore, #tpu.memory_space<semaphore_mem>>, %arg21: memref<!tpu.dma_semaphore, #tpu.memory_space<semaphore_mem>>, %arg22: memref<!tpu.dma_semaphore, #tpu.memory_space<semaphore_mem>>) attributes {dimension_semantics = [#tpu.dimension_semantics<core_parallel>, #tpu.dimension_semantics<subcore_parallel>], iteration_bounds = array<i64: 2, 16>, scalar_prefetch = 0 : i64, scratch_operands = 16 : i64, tpu.core_type = #tpu.core_type<sc_vector_subcore>, window_params = [{transform_indices = #map}, {transform_indices = #map1}, {transform_indices = #map1}, {transform_indices = #map}, {transform_indices = #map1}]} {
    %mul3A = arith.constant 2 : i32
    %mul3A_0 = arith.muli %arg1, %mul3A : i32
    %add3A = arith.addi %mul3A_0, %arg0 : i32
    "tpu.region"() ({
      %run_scoped3A = tpu.sem_alloc : memref<!tpu.dma_semaphore, #tpu.memory_space<semaphore_mem>>
      %dma_start3A_113 = arith.constant 0 : i32
      %dma_start3A_114 = arith.constant 0 : i32
      %dma_start3A_115 = tpu.memref_slice %arg3[%add3A, %dma_start3A_113, %dma_start3A_114] : memref<32x79x128xi32, #tpu.memory_space<hbm>> -> memref<1x79x128xi32, #tpu.memory_space<hbm>>
      %dma_start3A_116 = tpu.memref_squeeze %dma_start3A_115 : memref<1x79x128xi32, #tpu.memory_space<hbm>> -> memref<79x128xi32, #tpu.memory_space<hbm>>
      %dma_start3A_117 = arith.constant 0 : i32
      %dma_start3A_118 = arith.constant 0 : i32
      %dma_start3A_119 = tpu.memref_slice %arg3[%add3A, %dma_start3A_117, %dma_start3A_118] : memref<32x79x128xi32, #tpu.memory_space<hbm>> -> memref<1x79x128xi32, #tpu.memory_space<hbm>>
      %dma_start3A_120 = tpu.memref_squeeze %dma_start3A_119 : memref<1x79x128xi32, #tpu.memory_space<hbm>> -> memref<79x128xi32, #tpu.memory_space<hbm>>
      tpu.enqueue_dma source(%dma_start3A_120 : memref<79x128xi32, #tpu.memory_space<hbm>>) target(%arg7 : memref<79x128xi32, #tpu.memory_space<vmem>>) target_semaphore(%run_scoped3A : memref<!tpu.dma_semaphore, #tpu.memory_space<semaphore_mem>>)
      %dma_wait3A_121 = arith.constant 0 : i32
      %dma_wait3A_122 = arith.constant 0 : i32
      %dma_wait3A_123 = tpu.memref_slice %arg3[%add3A, %dma_wait3A_121, %dma_wait3A_122] : memref<32x79x128xi32, #tpu.memory_space<hbm>> -> memref<1x79x128xi32, #tpu.memory_space<hbm>>
      %dma_wait3A_124 = tpu.memref_squeeze %dma_wait3A_123 : memref<1x79x128xi32, #tpu.memory_space<hbm>> -> memref<79x128xi32, #tpu.memory_space<hbm>>
      %dma_wait3A_125 = arith.constant 0 : i32
      %dma_wait3A_126 = arith.constant 0 : i32
      %dma_wait3A_127 = tpu.memref_slice %arg3[%add3A, %dma_wait3A_125, %dma_wait3A_126] : memref<32x79x128xi32, #tpu.memory_space<hbm>> -> memref<1x79x128xi32, #tpu.memory_space<hbm>>
      %dma_wait3A_128 = tpu.memref_squeeze %dma_wait3A_127 : memref<1x79x128xi32, #tpu.memory_space<hbm>> -> memref<79x128xi32, #tpu.memory_space<hbm>>
      tpu.wait_dma2 semaphore(%run_scoped3A : memref<!tpu.dma_semaphore, #tpu.memory_space<semaphore_mem>>) src(%dma_wait3A_128 : memref<79x128xi32, #tpu.memory_space<hbm>>) dst(%arg7 : memref<79x128xi32, #tpu.memory_space<vmem>>)
      tpu.yield
    }) : () -> ()
    "tpu.region"() ({
      %run_scoped3A = tpu.sem_alloc : memref<!tpu.dma_semaphore, #tpu.memory_space<semaphore_mem>>
      %dma_start3A_113 = arith.constant 0 : i32
      %dma_start3A_114 = arith.constant 0 : i32
      %dma_start3A_115 = tpu.memref_slice %arg4[%add3A, %dma_start3A_113, %dma_start3A_114] : memref<32x79x128xi32, #tpu.memory_space<hbm>> -> memref<1x79x128xi32, #tpu.memory_space<hbm>>
      %dma_start3A_116 = tpu.memref_squeeze %dma_start3A_115 : memref<1x79x128xi32, #tpu.memory_space<hbm>> -> memref<79x128xi32, #tpu.memory_space<hbm>>
      %dma_start3A_117 = arith.constant 0 : i32
      %dma_start3A_118 = arith.constant 0 : i32
      %dma_start3A_119 = tpu.memref_slice %arg4[%add3A, %dma_start3A_117, %dma_start3A_118] : memref<32x79x128xi32, #tpu.memory_space<hbm>> -> memref<1x79x128xi32, #tpu.memory_space<hbm>>
      %dma_start3A_120 = tpu.memref_squeeze %dma_start3A_119 : memref<1x79x128xi32, #tpu.memory_space<hbm>> -> memref<79x128xi32, #tpu.memory_space<hbm>>
      tpu.enqueue_dma source(%dma_start3A_120 : memref<79x128xi32, #tpu.memory_space<hbm>>) target(%arg8 : memref<79x128xi32, #tpu.memory_space<vmem>>) target_semaphore(%run_scoped3A : memref<!tpu.dma_semaphore, #tpu.memory_space<semaphore_mem>>)
      %dma_wait3A_121 = arith.constant 0 : i32
      %dma_wait3A_122 = arith.constant 0 : i32
      %dma_wait3A_123 = tpu.memref_slice %arg4[%add3A, %dma_wait3A_121, %dma_wait3A_122] : memref<32x79x128xi32, #tpu.memory_space<hbm>> -> memref<1x79x128xi32, #tpu.memory_space<hbm>>
      %dma_wait3A_124 = tpu.memref_squeeze %dma_wait3A_123 : memref<1x79x128xi32, #tpu.memory_space<hbm>> -> memref<79x128xi32, #tpu.memory_space<hbm>>
      %dma_wait3A_125 = arith.constant 0 : i32
      %dma_wait3A_126 = arith.constant 0 : i32
      %dma_wait3A_127 = tpu.memref_slice %arg4[%add3A, %dma_wait3A_125, %dma_wait3A_126] : memref<32x79x128xi32, #tpu.memory_space<hbm>> -> memref<1x79x128xi32, #tpu.memory_space<hbm>>
      %dma_wait3A_128 = tpu.memref_squeeze %dma_wait3A_127 : memref<1x79x128xi32, #tpu.memory_space<hbm>> -> memref<79x128xi32, #tpu.memory_space<hbm>>
      tpu.wait_dma2 semaphore(%run_scoped3A : memref<!tpu.dma_semaphore, #tpu.memory_space<semaphore_mem>>) src(%dma_wait3A_128 : memref<79x128xi32, #tpu.memory_space<hbm>>) dst(%arg8 : memref<79x128xi32, #tpu.memory_space<vmem>>)
      tpu.yield
    }) : () -> ()
    %mul3A_1 = arith.constant 632 : i32
    %mul3A_2 = arith.muli %arg1, %mul3A_1 : i32
    %mul3A_3 = arith.constant 632 : i32
    %mul3A_4 = arith.muli %arg1, %mul3A_3 : i32
    %add3A_5 = arith.constant 0 : i32
    %add3A_6 = arith.addi %add3A_5, %mul3A_4 : i32
    "tpu.region"() ({
      %run_scoped3A = tpu.sem_alloc : memref<!tpu.dma_semaphore, #tpu.memory_space<semaphore_mem>>
      %dma_start3A_113 = arith.constant 0 : i32
      %dma_start3A_114 = tpu.memref_slice %arg13[%mul3A_2, %dma_start3A_113] : memref<10112x16xf32, #tpu.memory_space<vmem_shared>> -> memref<632x16xf32, #tpu.memory_space<vmem_shared>>
      %dma_start3A_115 = arith.constant 0 : i32
      %dma_start3A_116 = tpu.memref_slice %arg2[%add3A_6, %dma_start3A_115] : memref<10112x16xf32, #tpu.memory_space<hbm>> -> memref<632x16xf32, #tpu.memory_space<hbm>>
      tpu.enqueue_dma source(%dma_start3A_116 : memref<632x16xf32, #tpu.memory_space<hbm>>) target(%dma_start3A_114 : memref<632x16xf32, #tpu.memory_space<vmem_shared>>) target_semaphore(%run_scoped3A : memref<!tpu.dma_semaphore, #tpu.memory_space<semaphore_mem>>)
      %dma_wait3A_117 = arith.constant 0 : i32
      %dma_wait3A_118 = tpu.memref_slice %arg13[%mul3A_2, %dma_wait3A_117] : memref<10112x16xf32, #tpu.memory_space<vmem_shared>> -> memref<632x16xf32, #tpu.memory_space<vmem_shared>>
      %dma_wait3A_119 = arith.constant 0 : i32
      %dma_wait3A_120 = tpu.memref_slice %arg2[%add3A_6, %dma_wait3A_119] : memref<10112x16xf32, #tpu.memory_space<hbm>> -> memref<632x16xf32, #tpu.memory_space<hbm>>
      tpu.wait_dma2 semaphore(%run_scoped3A : memref<!tpu.dma_semaphore, #tpu.memory_space<semaphore_mem>>) src(%dma_wait3A_120 : memref<632x16xf32, #tpu.memory_space<hbm>>) dst(%dma_wait3A_118 : memref<632x16xf32, #tpu.memory_space<vmem_shared>>)
      tpu.yield
    }) : () -> ()
    "tpu.region"() ({
      %run_scoped3A = tpu.sem_alloc : memref<!tpu.dma_semaphore, #tpu.memory_space<semaphore_mem>>
      %dma_start3A_113 = arith.constant 0 : i32
      %dma_start3A_114 = tpu.memref_slice %arg14[%mul3A_2, %dma_start3A_113] : memref<10112x16xf32, #tpu.memory_space<vmem_shared>> -> memref<632x16xf32, #tpu.memory_space<vmem_shared>>
      tpu.enqueue_dma source(%arg5 : memref<632x16xf32, #tpu.memory_space<hbm>>) target(%dma_start3A_114 : memref<632x16xf32, #tpu.memory_space<vmem_shared>>) target_semaphore(%run_scoped3A : memref<!tpu.dma_semaphore, #tpu.memory_space<semaphore_mem>>)
      %dma_wait3A_115 = arith.constant 0 : i32
      %dma_wait3A_116 = tpu.memref_slice %arg14[%mul3A_2, %dma_wait3A_115] : memref<10112x16xf32, #tpu.memory_space<vmem_shared>> -> memref<632x16xf32, #tpu.memory_space<vmem_shared>>
      tpu.wait_dma2 semaphore(%run_scoped3A : memref<!tpu.dma_semaphore, #tpu.memory_space<semaphore_mem>>) src(%arg5 : memref<632x16xf32, #tpu.memory_space<hbm>>) dst(%dma_wait3A_116 : memref<632x16xf32, #tpu.memory_space<vmem_shared>>)
      tpu.yield
    }) : () -> ()
    %barrier3A = arith.constant 0 : index
    tpu.barrier barrier_id(%barrier3A)
    %dma_start3A = arith.constant 0 : i32
    %dma_start3A_7 = arith.constant 0 : i32
    %dma_start3A_8 = tpu.memref_slice %arg7[%dma_start3A, %dma_start3A_7] : memref<79x128xi32, #tpu.memory_space<vmem>> -> memref<1x128xi32, #tpu.memory_space<vmem>>
    %dma_start3A_9 = tpu.memref_squeeze %dma_start3A_8 : memref<1x128xi32, #tpu.memory_space<vmem>> -> memref<128xi32, #tpu.memory_space<vmem>>
    %dma_start3A_10 = arith.constant 0 : i32
    %dma_start3A_11 = arith.constant 0 : i32
    %dma_start3A_12 = tpu.memref_slice %arg13[%dma_start3A_10, %dma_start3A_11] : memref<10112x16xf32, #tpu.memory_space<vmem_shared>> -> memref<10112x16xf32, #tpu.memory_space<vmem_shared>>
    tpu.enqueue_indirect_dma source(%dma_start3A_12 : memref<10112x16xf32, #tpu.memory_space<vmem_shared>>) target(%arg9 : memref<128x16xf32, #tpu.memory_space<vmem>>) offsets(%dma_start3A_9 : memref<128xi32, #tpu.memory_space<vmem>>) semaphore(%arg15 : memref<!tpu.dma_semaphore, #tpu.memory_space<semaphore_mem>>)
    %dma_start3A_13 = arith.constant 1 : i32
    %dma_start3A_14 = arith.constant 0 : i32
    %dma_start3A_15 = tpu.memref_slice %arg7[%dma_start3A_13, %dma_start3A_14] : memref<79x128xi32, #tpu.memory_space<vmem>> -> memref<1x128xi32, #tpu.memory_space<vmem>>
    %dma_start3A_16 = tpu.memref_squeeze %dma_start3A_15 : memref<1x128xi32, #tpu.memory_space<vmem>> -> memref<128xi32, #tpu.memory_space<vmem>>
    %dma_start3A_17 = arith.constant 0 : i32
    %dma_start3A_18 = arith.constant 0 : i32
    %dma_start3A_19 = tpu.memref_slice %arg13[%dma_start3A_17, %dma_start3A_18] : memref<10112x16xf32, #tpu.memory_space<vmem_shared>> -> memref<10112x16xf32, #tpu.memory_space<vmem_shared>>
    tpu.enqueue_indirect_dma source(%dma_start3A_19 : memref<10112x16xf32, #tpu.memory_space<vmem_shared>>) target(%arg10 : memref<128x16xf32, #tpu.memory_space<vmem>>) offsets(%dma_start3A_16 : memref<128xi32, #tpu.memory_space<vmem>>) semaphore(%arg16 : memref<!tpu.dma_semaphore, #tpu.memory_space<semaphore_mem>>)
    %dma_wait3A = arith.constant 0 : i32
    %dma_wait3A_20 = arith.constant 0 : i32
    %dma_wait3A_21 = tpu.memref_slice %arg7[%dma_wait3A, %dma_wait3A_20] : memref<79x128xi32, #tpu.memory_space<vmem>> -> memref<1x128xi32, #tpu.memory_space<vmem>>
    %dma_wait3A_22 = tpu.memref_squeeze %dma_wait3A_21 : memref<1x128xi32, #tpu.memory_space<vmem>> -> memref<128xi32, #tpu.memory_space<vmem>>
    %dma_wait3A_23 = arith.constant 0 : i32
    %dma_wait3A_24 = arith.constant 0 : i32
    %dma_wait3A_25 = tpu.memref_slice %arg13[%dma_wait3A_23, %dma_wait3A_24] : memref<10112x16xf32, #tpu.memory_space<vmem_shared>> -> memref<10112x16xf32, #tpu.memory_space<vmem_shared>>
    tpu.wait_indirect_dma semaphore(%arg15 : memref<!tpu.dma_semaphore, #tpu.memory_space<semaphore_mem>>) src(%dma_wait3A_25 : memref<10112x16xf32, #tpu.memory_space<vmem_shared>>) dst(%arg9 : memref<128x16xf32, #tpu.memory_space<vmem>>)
    %dma_start3A_26 = arith.constant 0 : i32
    %dma_start3A_27 = arith.constant 0 : i32
    %dma_start3A_28 = tpu.memref_slice %arg8[%dma_start3A_26, %dma_start3A_27] : memref<79x128xi32, #tpu.memory_space<vmem>> -> memref<1x128xi32, #tpu.memory_space<vmem>>
    %dma_start3A_29 = tpu.memref_squeeze %dma_start3A_28 : memref<1x128xi32, #tpu.memory_space<vmem>> -> memref<128xi32, #tpu.memory_space<vmem>>
    %dma_start3A_30 = arith.constant 0 : i32
    %dma_start3A_31 = arith.constant 0 : i32
    %dma_start3A_32 = tpu.memref_slice %arg14[%dma_start3A_30, %dma_start3A_31] : memref<10112x16xf32, #tpu.memory_space<vmem_shared>> -> memref<10112x16xf32, #tpu.memory_space<vmem_shared>>
    tpu.enqueue_indirect_dma source(%arg9 : memref<128x16xf32, #tpu.memory_space<vmem>>) target(%dma_start3A_32 : memref<10112x16xf32, #tpu.memory_space<vmem_shared>>) offsets(%dma_start3A_29 : memref<128xi32, #tpu.memory_space<vmem>>) semaphore(%arg19 : memref<!tpu.dma_semaphore, #tpu.memory_space<semaphore_mem>>) {add = true}
    %dma_start3A_33 = arith.constant 2 : i32
    %dma_start3A_34 = arith.constant 0 : i32
    %dma_start3A_35 = tpu.memref_slice %arg7[%dma_start3A_33, %dma_start3A_34] : memref<79x128xi32, #tpu.memory_space<vmem>> -> memref<1x128xi32, #tpu.memory_space<vmem>>
    %dma_start3A_36 = tpu.memref_squeeze %dma_start3A_35 : memref<1x128xi32, #tpu.memory_space<vmem>> -> memref<128xi32, #tpu.memory_space<vmem>>
    %dma_start3A_37 = arith.constant 0 : i32
    %dma_start3A_38 = arith.constant 0 : i32
    %dma_start3A_39 = tpu.memref_slice %arg13[%dma_start3A_37, %dma_start3A_38] : memref<10112x16xf32, #tpu.memory_space<vmem_shared>> -> memref<10112x16xf32, #tpu.memory_space<vmem_shared>>
    tpu.enqueue_indirect_dma source(%dma_start3A_39 : memref<10112x16xf32, #tpu.memory_space<vmem_shared>>) target(%arg11 : memref<128x16xf32, #tpu.memory_space<vmem>>) offsets(%dma_start3A_36 : memref<128xi32, #tpu.memory_space<vmem>>) semaphore(%arg17 : memref<!tpu.dma_semaphore, #tpu.memory_space<semaphore_mem>>)
    %dma_wait3A_40 = arith.constant 0 : i32
    %dma_wait3A_41 = arith.constant 0 : i32
    %dma_wait3A_42 = tpu.memref_slice %arg7[%dma_wait3A_40, %dma_wait3A_41] : memref<79x128xi32, #tpu.memory_space<vmem>> -> memref<1x128xi32, #tpu.memory_space<vmem>>
    %dma_wait3A_43 = tpu.memref_squeeze %dma_wait3A_42 : memref<1x128xi32, #tpu.memory_space<vmem>> -> memref<128xi32, #tpu.memory_space<vmem>>
    %dma_wait3A_44 = arith.constant 0 : i32
    %dma_wait3A_45 = arith.constant 0 : i32
    %dma_wait3A_46 = tpu.memref_slice %arg13[%dma_wait3A_44, %dma_wait3A_45] : memref<10112x16xf32, #tpu.memory_space<vmem_shared>> -> memref<10112x16xf32, #tpu.memory_space<vmem_shared>>
    tpu.wait_indirect_dma semaphore(%arg16 : memref<!tpu.dma_semaphore, #tpu.memory_space<semaphore_mem>>) src(%dma_wait3A_46 : memref<10112x16xf32, #tpu.memory_space<vmem_shared>>) dst(%arg10 : memref<128x16xf32, #tpu.memory_space<vmem>>)
    %dma_start3A_47 = arith.constant 1 : i32
    %dma_start3A_48 = arith.constant 0 : i32
    %dma_start3A_49 = tpu.memref_slice %arg8[%dma_start3A_47, %dma_start3A_48] : memref<79x128xi32, #tpu.memory_space<vmem>> -> memref<1x128xi32, #tpu.memory_space<vmem>>
    %dma_start3A_50 = tpu.memref_squeeze %dma_start3A_49 : memref<1x128xi32, #tpu.memory_space<vmem>> -> memref<128xi32, #tpu.memory_space<vmem>>
    %dma_start3A_51 = arith.constant 0 : i32
    %dma_start3A_52 = arith.constant 0 : i32
    %dma_start3A_53 = tpu.memref_slice %arg14[%dma_start3A_51, %dma_start3A_52] : memref<10112x16xf32, #tpu.memory_space<vmem_shared>> -> memref<10112x16xf32, #tpu.memory_space<vmem_shared>>
    tpu.enqueue_indirect_dma source(%arg10 : memref<128x16xf32, #tpu.memory_space<vmem>>) target(%dma_start3A_53 : memref<10112x16xf32, #tpu.memory_space<vmem_shared>>) offsets(%dma_start3A_50 : memref<128xi32, #tpu.memory_space<vmem>>) semaphore(%arg20 : memref<!tpu.dma_semaphore, #tpu.memory_space<semaphore_mem>>) {add = true}
    %dma_start3A_54 = arith.constant 3 : i32
    %dma_start3A_55 = arith.constant 0 : i32
    %dma_start3A_56 = tpu.memref_slice %arg7[%dma_start3A_54, %dma_start3A_55] : memref<79x128xi32, #tpu.memory_space<vmem>> -> memref<1x128xi32, #tpu.memory_space<vmem>>
    %dma_start3A_57 = tpu.memref_squeeze %dma_start3A_56 : memref<1x128xi32, #tpu.memory_space<vmem>> -> memref<128xi32, #tpu.memory_space<vmem>>
    %dma_start3A_58 = arith.constant 0 : i32
    %dma_start3A_59 = arith.constant 0 : i32
    %dma_start3A_60 = tpu.memref_slice %arg13[%dma_start3A_58, %dma_start3A_59] : memref<10112x16xf32, #tpu.memory_space<vmem_shared>> -> memref<10112x16xf32, #tpu.memory_space<vmem_shared>>
    tpu.enqueue_indirect_dma source(%dma_start3A_60 : memref<10112x16xf32, #tpu.memory_space<vmem_shared>>) target(%arg12 : memref<128x16xf32, #tpu.memory_space<vmem>>) offsets(%dma_start3A_57 : memref<128xi32, #tpu.memory_space<vmem>>) semaphore(%arg18 : memref<!tpu.dma_semaphore, #tpu.memory_space<semaphore_mem>>)
    %scan3A = arith.constant 0 : i32
    %scan3A_61 = arith.constant 0 : i32
    %scan3A_62 = arith.constant 19 : i32
    %scan3A_63 = arith.addi %scan3A_61, %scan3A_62 : i32
    %scan3A_64 = arith.constant 1 : i32
    scf.for %scan3A_113 = %scan3A_61 to %scan3A_63 step %scan3A_64  : i32 {
      %mul3A_114 = arith.constant 4 : i32
      %mul3A_115 = arith.muli %scan3A_113, %mul3A_114 : i32
      %add3A_116 = arith.constant 2 : i32
      %add3A_117 = arith.addi %mul3A_115, %add3A_116 : i32
      %add3A_118 = arith.constant 0 : i32
      %add3A_119 = arith.addi %add3A_117, %add3A_118 : i32
      %add3A_120 = arith.constant 2 : i32
      %add3A_121 = arith.addi %add3A_119, %add3A_120 : i32
      %lt3A = arith.constant 79 : i32
      %lt3A_122 = arith.cmpi slt, %add3A_121, %lt3A : i32
      %convert_element_type3A = arith.extui %lt3A_122 : i1 to i32
      %cond3A = arith.constant 0 : i32
      %cond3A_123 = arith.cmpi ne, %convert_element_type3A, %cond3A : i32
      scf.if %cond3A_123 {
        %dma_wait3A_215 = arith.constant 0 : i32
        %dma_wait3A_216 = arith.constant 0 : i32
        %dma_wait3A_217 = tpu.memref_slice %arg8[%dma_wait3A_215, %dma_wait3A_216] : memref<79x128xi32, #tpu.memory_space<vmem>> -> memref<1x128xi32, #tpu.memory_space<vmem>>
        %dma_wait3A_218 = tpu.memref_squeeze %dma_wait3A_217 : memref<1x128xi32, #tpu.memory_space<vmem>> -> memref<128xi32, #tpu.memory_space<vmem>>
        %dma_wait3A_219 = arith.constant 0 : i32
        %dma_wait3A_220 = arith.constant 0 : i32
        %dma_wait3A_221 = tpu.memref_slice %arg14[%dma_wait3A_219, %dma_wait3A_220] : memref<10112x16xf32, #tpu.memory_space<vmem_shared>> -> memref<10112x16xf32, #tpu.memory_space<vmem_shared>>
        tpu.wait_indirect_dma semaphore(%arg19 : memref<!tpu.dma_semaphore, #tpu.memory_space<semaphore_mem>>) src(%arg9 : memref<128x16xf32, #tpu.memory_space<vmem>>) dst(%dma_wait3A_221 : memref<10112x16xf32, #tpu.memory_space<vmem_shared>>)
        %add3A_222 = arith.constant 2 : i32
        %add3A_223 = arith.addi %add3A_119, %add3A_222 : i32
        %dma_start3A_224 = arith.constant 0 : i32
        %dma_start3A_225 = tpu.memref_slice %arg7[%add3A_223, %dma_start3A_224] : memref<79x128xi32, #tpu.memory_space<vmem>> -> memref<1x128xi32, #tpu.memory_space<vmem>>
        %dma_start3A_226 = tpu.memref_squeeze %dma_start3A_225 : memref<1x128xi32, #tpu.memory_space<vmem>> -> memref<128xi32, #tpu.memory_space<vmem>>
        %dma_start3A_227 = arith.constant 0 : i32
        %dma_start3A_228 = arith.constant 0 : i32
        %dma_start3A_229 = tpu.memref_slice %arg13[%dma_start3A_227, %dma_start3A_228] : memref<10112x16xf32, #tpu.memory_space<vmem_shared>> -> memref<10112x16xf32, #tpu.memory_space<vmem_shared>>
        tpu.enqueue_indirect_dma source(%dma_start3A_229 : memref<10112x16xf32, #tpu.memory_space<vmem_shared>>) target(%arg9 : memref<128x16xf32, #tpu.memory_space<vmem>>) offsets(%dma_start3A_226 : memref<128xi32, #tpu.memory_space<vmem>>) semaphore(%arg15 : memref<!tpu.dma_semaphore, #tpu.memory_space<semaphore_mem>>)
      } else {
      }
      %dma_wait3A_124 = arith.constant 0 : i32
      %dma_wait3A_125 = arith.constant 0 : i32
      %dma_wait3A_126 = tpu.memref_slice %arg7[%dma_wait3A_124, %dma_wait3A_125] : memref<79x128xi32, #tpu.memory_space<vmem>> -> memref<1x128xi32, #tpu.memory_space<vmem>>
      %dma_wait3A_127 = tpu.memref_squeeze %dma_wait3A_126 : memref<1x128xi32, #tpu.memory_space<vmem>> -> memref<128xi32, #tpu.memory_space<vmem>>
      %dma_wait3A_128 = arith.constant 0 : i32
      %dma_wait3A_129 = arith.constant 0 : i32
      %dma_wait3A_130 = tpu.memref_slice %arg13[%dma_wait3A_128, %dma_wait3A_129] : memref<10112x16xf32, #tpu.memory_space<vmem_shared>> -> memref<10112x16xf32, #tpu.memory_space<vmem_shared>>
      tpu.wait_indirect_dma semaphore(%arg17 : memref<!tpu.dma_semaphore, #tpu.memory_space<semaphore_mem>>) src(%dma_wait3A_130 : memref<10112x16xf32, #tpu.memory_space<vmem_shared>>) dst(%arg11 : memref<128x16xf32, #tpu.memory_space<vmem>>)
      %dma_start3A_131 = arith.constant 0 : i32
      %dma_start3A_132 = tpu.memref_slice %arg8[%add3A_119, %dma_start3A_131] : memref<79x128xi32, #tpu.memory_space<vmem>> -> memref<1x128xi32, #tpu.memory_space<vmem>>
      %dma_start3A_133 = tpu.memref_squeeze %dma_start3A_132 : memref<1x128xi32, #tpu.memory_space<vmem>> -> memref<128xi32, #tpu.memory_space<vmem>>
      %dma_start3A_134 = arith.constant 0 : i32
      %dma_start3A_135 = arith.constant 0 : i32
      %dma_start3A_136 = tpu.memref_slice %arg14[%dma_start3A_134, %dma_start3A_135] : memref<10112x16xf32, #tpu.memory_space<vmem_shared>> -> memref<10112x16xf32, #tpu.memory_space<vmem_shared>>
      tpu.enqueue_indirect_dma source(%arg11 : memref<128x16xf32, #tpu.memory_space<vmem>>) target(%dma_start3A_136 : memref<10112x16xf32, #tpu.memory_space<vmem_shared>>) offsets(%dma_start3A_133 : memref<128xi32, #tpu.memory_space<vmem>>) semaphore(%arg21 : memref<!tpu.dma_semaphore, #tpu.memory_space<semaphore_mem>>) {add = true}
      %mul3A_137 = arith.constant 4 : i32
      %mul3A_138 = arith.muli %scan3A_113, %mul3A_137 : i32
      %add3A_139 = arith.constant 2 : i32
      %add3A_140 = arith.addi %mul3A_138, %add3A_139 : i32
      %add3A_141 = arith.constant 1 : i32
      %add3A_142 = arith.addi %add3A_140, %add3A_141 : i32
      %add3A_143 = arith.constant 2 : i32
      %add3A_144 = arith.addi %add3A_142, %add3A_143 : i32
      %lt3A_145 = arith.constant 79 : i32
      %lt3A_146 = arith.cmpi slt, %add3A_144, %lt3A_145 : i32
      %convert_element_type3A_147 = arith.extui %lt3A_146 : i1 to i32
      %cond3A_148 = arith.constant 0 : i32
      %cond3A_149 = arith.cmpi ne, %convert_element_type3A_147, %cond3A_148 : i32
      scf.if %cond3A_149 {
        %dma_wait3A_215 = arith.constant 0 : i32
        %dma_wait3A_216 = arith.constant 0 : i32
        %dma_wait3A_217 = tpu.memref_slice %arg8[%dma_wait3A_215, %dma_wait3A_216] : memref<79x128xi32, #tpu.memory_space<vmem>> -> memref<1x128xi32, #tpu.memory_space<vmem>>
        %dma_wait3A_218 = tpu.memref_squeeze %dma_wait3A_217 : memref<1x128xi32, #tpu.memory_space<vmem>> -> memref<128xi32, #tpu.memory_space<vmem>>
        %dma_wait3A_219 = arith.constant 0 : i32
        %dma_wait3A_220 = arith.constant 0 : i32
        %dma_wait3A_221 = tpu.memref_slice %arg14[%dma_wait3A_219, %dma_wait3A_220] : memref<10112x16xf32, #tpu.memory_space<vmem_shared>> -> memref<10112x16xf32, #tpu.memory_space<vmem_shared>>
        tpu.wait_indirect_dma semaphore(%arg20 : memref<!tpu.dma_semaphore, #tpu.memory_space<semaphore_mem>>) src(%arg10 : memref<128x16xf32, #tpu.memory_space<vmem>>) dst(%dma_wait3A_221 : memref<10112x16xf32, #tpu.memory_space<vmem_shared>>)
        %add3A_222 = arith.constant 2 : i32
        %add3A_223 = arith.addi %add3A_142, %add3A_222 : i32
        %dma_start3A_224 = arith.constant 0 : i32
        %dma_start3A_225 = tpu.memref_slice %arg7[%add3A_223, %dma_start3A_224] : memref<79x128xi32, #tpu.memory_space<vmem>> -> memref<1x128xi32, #tpu.memory_space<vmem>>
        %dma_start3A_226 = tpu.memref_squeeze %dma_start3A_225 : memref<1x128xi32, #tpu.memory_space<vmem>> -> memref<128xi32, #tpu.memory_space<vmem>>
        %dma_start3A_227 = arith.constant 0 : i32
        %dma_start3A_228 = arith.constant 0 : i32
        %dma_start3A_229 = tpu.memref_slice %arg13[%dma_start3A_227, %dma_start3A_228] : memref<10112x16xf32, #tpu.memory_space<vmem_shared>> -> memref<10112x16xf32, #tpu.memory_space<vmem_shared>>
        tpu.enqueue_indirect_dma source(%dma_start3A_229 : memref<10112x16xf32, #tpu.memory_space<vmem_shared>>) target(%arg10 : memref<128x16xf32, #tpu.memory_space<vmem>>) offsets(%dma_start3A_226 : memref<128xi32, #tpu.memory_space<vmem>>) semaphore(%arg16 : memref<!tpu.dma_semaphore, #tpu.memory_space<semaphore_mem>>)
      } else {
      }
      %dma_wait3A_150 = arith.constant 0 : i32
      %dma_wait3A_151 = arith.constant 0 : i32
      %dma_wait3A_152 = tpu.memref_slice %arg7[%dma_wait3A_150, %dma_wait3A_151] : memref<79x128xi32, #tpu.memory_space<vmem>> -> memref<1x128xi32, #tpu.memory_space<vmem>>
      %dma_wait3A_153 = tpu.memref_squeeze %dma_wait3A_152 : memref<1x128xi32, #tpu.memory_space<vmem>> -> memref<128xi32, #tpu.memory_space<vmem>>
      %dma_wait3A_154 = arith.constant 0 : i32
      %dma_wait3A_155 = arith.constant 0 : i32
      %dma_wait3A_156 = tpu.memref_slice %arg13[%dma_wait3A_154, %dma_wait3A_155] : memref<10112x16xf32, #tpu.memory_space<vmem_shared>> -> memref<10112x16xf32, #tpu.memory_space<vmem_shared>>
      tpu.wait_indirect_dma semaphore(%arg18 : memref<!tpu.dma_semaphore, #tpu.memory_space<semaphore_mem>>) src(%dma_wait3A_156 : memref<10112x16xf32, #tpu.memory_space<vmem_shared>>) dst(%arg12 : memref<128x16xf32, #tpu.memory_space<vmem>>)
      %dma_start3A_157 = arith.constant 0 : i32
      %dma_start3A_158 = tpu.memref_slice %arg8[%add3A_142, %dma_start3A_157] : memref<79x128xi32, #tpu.memory_space<vmem>> -> memref<1x128xi32, #tpu.memory_space<vmem>>
      %dma_start3A_159 = tpu.memref_squeeze %dma_start3A_158 : memref<1x128xi32, #tpu.memory_space<vmem>> -> memref<128xi32, #tpu.memory_space<vmem>>
      %dma_start3A_160 = arith.constant 0 : i32
      %dma_start3A_161 = arith.constant 0 : i32
      %dma_start3A_162 = tpu.memref_slice %arg14[%dma_start3A_160, %dma_start3A_161] : memref<10112x16xf32, #tpu.memory_space<vmem_shared>> -> memref<10112x16xf32, #tpu.memory_space<vmem_shared>>
      tpu.enqueue_indirect_dma source(%arg12 : memref<128x16xf32, #tpu.memory_space<vmem>>) target(%dma_start3A_162 : memref<10112x16xf32, #tpu.memory_space<vmem_shared>>) offsets(%dma_start3A_159 : memref<128xi32, #tpu.memory_space<vmem>>) semaphore(%arg22 : memref<!tpu.dma_semaphore, #tpu.memory_space<semaphore_mem>>) {add = true}
      %mul3A_163 = arith.constant 4 : i32
      %mul3A_164 = arith.muli %scan3A_113, %mul3A_163 : i32
      %add3A_165 = arith.constant 2 : i32
      %add3A_166 = arith.addi %mul3A_164, %add3A_165 : i32
      %add3A_167 = arith.constant 2 : i32
      %add3A_168 = arith.addi %add3A_166, %add3A_167 : i32
      %add3A_169 = arith.constant 2 : i32
      %add3A_170 = arith.addi %add3A_168, %add3A_169 : i32
      %lt3A_171 = arith.constant 79 : i32
      %lt3A_172 = arith.cmpi slt, %add3A_170, %lt3A_171 : i32
      %convert_element_type3A_173 = arith.extui %lt3A_172 : i1 to i32
      %cond3A_174 = arith.constant 0 : i32
      %cond3A_175 = arith.cmpi ne, %convert_element_type3A_173, %cond3A_174 : i32
      scf.if %cond3A_175 {
        %dma_wait3A_215 = arith.constant 0 : i32
        %dma_wait3A_216 = arith.constant 0 : i32
        %dma_wait3A_217 = tpu.memref_slice %arg8[%dma_wait3A_215, %dma_wait3A_216] : memref<79x128xi32, #tpu.memory_space<vmem>> -> memref<1x128xi32, #tpu.memory_space<vmem>>
        %dma_wait3A_218 = tpu.memref_squeeze %dma_wait3A_217 : memref<1x128xi32, #tpu.memory_space<vmem>> -> memref<128xi32, #tpu.memory_space<vmem>>
        %dma_wait3A_219 = arith.constant 0 : i32
        %dma_wait3A_220 = arith.constant 0 : i32
        %dma_wait3A_221 = tpu.memref_slice %arg14[%dma_wait3A_219, %dma_wait3A_220] : memref<10112x16xf32, #tpu.memory_space<vmem_shared>> -> memref<10112x16xf32, #tpu.memory_space<vmem_shared>>
        tpu.wait_indirect_dma semaphore(%arg21 : memref<!tpu.dma_semaphore, #tpu.memory_space<semaphore_mem>>) src(%arg11 : memref<128x16xf32, #tpu.memory_space<vmem>>) dst(%dma_wait3A_221 : memref<10112x16xf32, #tpu.memory_space<vmem_shared>>)
        %add3A_222 = arith.constant 2 : i32
        %add3A_223 = arith.addi %add3A_168, %add3A_222 : i32
        %dma_start3A_224 = arith.constant 0 : i32
        %dma_start3A_225 = tpu.memref_slice %arg7[%add3A_223, %dma_start3A_224] : memref<79x128xi32, #tpu.memory_space<vmem>> -> memref<1x128xi32, #tpu.memory_space<vmem>>
        %dma_start3A_226 = tpu.memref_squeeze %dma_start3A_225 : memref<1x128xi32, #tpu.memory_space<vmem>> -> memref<128xi32, #tpu.memory_space<vmem>>
        %dma_start3A_227 = arith.constant 0 : i32
        %dma_start3A_228 = arith.constant 0 : i32
        %dma_start3A_229 = tpu.memref_slice %arg13[%dma_start3A_227, %dma_start3A_228] : memref<10112x16xf32, #tpu.memory_space<vmem_shared>> -> memref<10112x16xf32, #tpu.memory_space<vmem_shared>>
        tpu.enqueue_indirect_dma source(%dma_start3A_229 : memref<10112x16xf32, #tpu.memory_space<vmem_shared>>) target(%arg11 : memref<128x16xf32, #tpu.memory_space<vmem>>) offsets(%dma_start3A_226 : memref<128xi32, #tpu.memory_space<vmem>>) semaphore(%arg17 : memref<!tpu.dma_semaphore, #tpu.memory_space<semaphore_mem>>)
      } else {
      }
      %dma_wait3A_176 = arith.constant 0 : i32
      %dma_wait3A_177 = arith.constant 0 : i32
      %dma_wait3A_178 = tpu.memref_slice %arg7[%dma_wait3A_176, %dma_wait3A_177] : memref<79x128xi32, #tpu.memory_space<vmem>> -> memref<1x128xi32, #tpu.memory_space<vmem>>
      %dma_wait3A_179 = tpu.memref_squeeze %dma_wait3A_178 : memref<1x128xi32, #tpu.memory_space<vmem>> -> memref<128xi32, #tpu.memory_space<vmem>>
      %dma_wait3A_180 = arith.constant 0 : i32
      %dma_wait3A_181 = arith.constant 0 : i32
      %dma_wait3A_182 = tpu.memref_slice %arg13[%dma_wait3A_180, %dma_wait3A_181] : memref<10112x16xf32, #tpu.memory_space<vmem_shared>> -> memref<10112x16xf32, #tpu.memory_space<vmem_shared>>
      tpu.wait_indirect_dma semaphore(%arg15 : memref<!tpu.dma_semaphore, #tpu.memory_space<semaphore_mem>>) src(%dma_wait3A_182 : memref<10112x16xf32, #tpu.memory_space<vmem_shared>>) dst(%arg9 : memref<128x16xf32, #tpu.memory_space<vmem>>)
      %dma_start3A_183 = arith.constant 0 : i32
      %dma_start3A_184 = tpu.memref_slice %arg8[%add3A_168, %dma_start3A_183] : memref<79x128xi32, #tpu.memory_space<vmem>> -> memref<1x128xi32, #tpu.memory_space<vmem>>
      %dma_start3A_185 = tpu.memref_squeeze %dma_start3A_184 : memref<1x128xi32, #tpu.memory_space<vmem>> -> memref<128xi32, #tpu.memory_space<vmem>>
      %dma_start3A_186 = arith.constant 0 : i32
      %dma_start3A_187 = arith.constant 0 : i32
      %dma_start3A_188 = tpu.memref_slice %arg14[%dma_start3A_186, %dma_start3A_187] : memref<10112x16xf32, #tpu.memory_space<vmem_shared>> -> memref<10112x16xf32, #tpu.memory_space<vmem_shared>>
      tpu.enqueue_indirect_dma source(%arg9 : memref<128x16xf32, #tpu.memory_space<vmem>>) target(%dma_start3A_188 : memref<10112x16xf32, #tpu.memory_space<vmem_shared>>) offsets(%dma_start3A_185 : memref<128xi32, #tpu.memory_space<vmem>>) semaphore(%arg19 : memref<!tpu.dma_semaphore, #tpu.memory_space<semaphore_mem>>) {add = true}
      %mul3A_189 = arith.constant 4 : i32
      %mul3A_190 = arith.muli %scan3A_113, %mul3A_189 : i32
      %add3A_191 = arith.constant 2 : i32
      %add3A_192 = arith.addi %mul3A_190, %add3A_191 : i32
      %add3A_193 = arith.constant 3 : i32
      %add3A_194 = arith.addi %add3A_192, %add3A_193 : i32
      %add3A_195 = arith.constant 2 : i32
      %add3A_196 = arith.addi %add3A_194, %add3A_195 : i32
      %lt3A_197 = arith.constant 79 : i32
      %lt3A_198 = arith.cmpi slt, %add3A_196, %lt3A_197 : i32
      %convert_element_type3A_199 = arith.extui %lt3A_198 : i1 to i32
      %cond3A_200 = arith.constant 0 : i32
      %cond3A_201 = arith.cmpi ne, %convert_element_type3A_199, %cond3A_200 : i32
      scf.if %cond3A_201 {
        %dma_wait3A_215 = arith.constant 0 : i32
        %dma_wait3A_216 = arith.constant 0 : i32
        %dma_wait3A_217 = tpu.memref_slice %arg8[%dma_wait3A_215, %dma_wait3A_216] : memref<79x128xi32, #tpu.memory_space<vmem>> -> memref<1x128xi32, #tpu.memory_space<vmem>>
        %dma_wait3A_218 = tpu.memref_squeeze %dma_wait3A_217 : memref<1x128xi32, #tpu.memory_space<vmem>> -> memref<128xi32, #tpu.memory_space<vmem>>
        %dma_wait3A_219 = arith.constant 0 : i32
        %dma_wait3A_220 = arith.constant 0 : i32
        %dma_wait3A_221 = tpu.memref_slice %arg14[%dma_wait3A_219, %dma_wait3A_220] : memref<10112x16xf32, #tpu.memory_space<vmem_shared>> -> memref<10112x16xf32, #tpu.memory_space<vmem_shared>>
        tpu.wait_indirect_dma semaphore(%arg22 : memref<!tpu.dma_semaphore, #tpu.memory_space<semaphore_mem>>) src(%arg12 : memref<128x16xf32, #tpu.memory_space<vmem>>) dst(%dma_wait3A_221 : memref<10112x16xf32, #tpu.memory_space<vmem_shared>>)
        %add3A_222 = arith.constant 2 : i32
        %add3A_223 = arith.addi %add3A_194, %add3A_222 : i32
        %dma_start3A_224 = arith.constant 0 : i32
        %dma_start3A_225 = tpu.memref_slice %arg7[%add3A_223, %dma_start3A_224] : memref<79x128xi32, #tpu.memory_space<vmem>> -> memref<1x128xi32, #tpu.memory_space<vmem>>
        %dma_start3A_226 = tpu.memref_squeeze %dma_start3A_225 : memref<1x128xi32, #tpu.memory_space<vmem>> -> memref<128xi32, #tpu.memory_space<vmem>>
        %dma_start3A_227 = arith.constant 0 : i32
        %dma_start3A_228 = arith.constant 0 : i32
        %dma_start3A_229 = tpu.memref_slice %arg13[%dma_start3A_227, %dma_start3A_228] : memref<10112x16xf32, #tpu.memory_space<vmem_shared>> -> memref<10112x16xf32, #tpu.memory_space<vmem_shared>>
        tpu.enqueue_indirect_dma source(%dma_start3A_229 : memref<10112x16xf32, #tpu.memory_space<vmem_shared>>) target(%arg12 : memref<128x16xf32, #tpu.memory_space<vmem>>) offsets(%dma_start3A_226 : memref<128xi32, #tpu.memory_space<vmem>>) semaphore(%arg18 : memref<!tpu.dma_semaphore, #tpu.memory_space<semaphore_mem>>)
      } else {
      }
      %dma_wait3A_202 = arith.constant 0 : i32
      %dma_wait3A_203 = arith.constant 0 : i32
      %dma_wait3A_204 = tpu.memref_slice %arg7[%dma_wait3A_202, %dma_wait3A_203] : memref<79x128xi32, #tpu.memory_space<vmem>> -> memref<1x128xi32, #tpu.memory_space<vmem>>
      %dma_wait3A_205 = tpu.memref_squeeze %dma_wait3A_204 : memref<1x128xi32, #tpu.memory_space<vmem>> -> memref<128xi32, #tpu.memory_space<vmem>>
      %dma_wait3A_206 = arith.constant 0 : i32
      %dma_wait3A_207 = arith.constant 0 : i32
      %dma_wait3A_208 = tpu.memref_slice %arg13[%dma_wait3A_206, %dma_wait3A_207] : memref<10112x16xf32, #tpu.memory_space<vmem_shared>> -> memref<10112x16xf32, #tpu.memory_space<vmem_shared>>
      tpu.wait_indirect_dma semaphore(%arg16 : memref<!tpu.dma_semaphore, #tpu.memory_space<semaphore_mem>>) src(%dma_wait3A_208 : memref<10112x16xf32, #tpu.memory_space<vmem_shared>>) dst(%arg10 : memref<128x16xf32, #tpu.memory_space<vmem>>)
      %dma_start3A_209 = arith.constant 0 : i32
      %dma_start3A_210 = tpu.memref_slice %arg8[%add3A_194, %dma_start3A_209] : memref<79x128xi32, #tpu.memory_space<vmem>> -> memref<1x128xi32, #tpu.memory_space<vmem>>
      %dma_start3A_211 = tpu.memref_squeeze %dma_start3A_210 : memref<1x128xi32, #tpu.memory_space<vmem>> -> memref<128xi32, #tpu.memory_space<vmem>>
      %dma_start3A_212 = arith.constant 0 : i32
      %dma_start3A_213 = arith.constant 0 : i32
      %dma_start3A_214 = tpu.memref_slice %arg14[%dma_start3A_212, %dma_start3A_213] : memref<10112x16xf32, #tpu.memory_space<vmem_shared>> -> memref<10112x16xf32, #tpu.memory_space<vmem_shared>>
      tpu.enqueue_indirect_dma source(%arg10 : memref<128x16xf32, #tpu.memory_space<vmem>>) target(%dma_start3A_214 : memref<10112x16xf32, #tpu.memory_space<vmem_shared>>) offsets(%dma_start3A_211 : memref<128xi32, #tpu.memory_space<vmem>>) semaphore(%arg20 : memref<!tpu.dma_semaphore, #tpu.memory_space<semaphore_mem>>) {add = true}
    }
    %scan3A_65 = arith.constant 19 : i32
    %dma_wait3A_66 = arith.constant 0 : i32
    %dma_wait3A_67 = arith.constant 0 : i32
    %dma_wait3A_68 = tpu.memref_slice %arg7[%dma_wait3A_66, %dma_wait3A_67] : memref<79x128xi32, #tpu.memory_space<vmem>> -> memref<1x128xi32, #tpu.memory_space<vmem>>
    %dma_wait3A_69 = tpu.memref_squeeze %dma_wait3A_68 : memref<1x128xi32, #tpu.memory_space<vmem>> -> memref<128xi32, #tpu.memory_space<vmem>>
    %dma_wait3A_70 = arith.constant 0 : i32
    %dma_wait3A_71 = arith.constant 0 : i32
    %dma_wait3A_72 = tpu.memref_slice %arg13[%dma_wait3A_70, %dma_wait3A_71] : memref<10112x16xf32, #tpu.memory_space<vmem_shared>> -> memref<10112x16xf32, #tpu.memory_space<vmem_shared>>
    tpu.wait_indirect_dma semaphore(%arg17 : memref<!tpu.dma_semaphore, #tpu.memory_space<semaphore_mem>>) src(%dma_wait3A_72 : memref<10112x16xf32, #tpu.memory_space<vmem_shared>>) dst(%arg11 : memref<128x16xf32, #tpu.memory_space<vmem>>)
    %dma_start3A_73 = arith.constant 78 : i32
    %dma_start3A_74 = arith.constant 0 : i32
    %dma_start3A_75 = tpu.memref_slice %arg8[%dma_start3A_73, %dma_start3A_74] : memref<79x128xi32, #tpu.memory_space<vmem>> -> memref<1x128xi32, #tpu.memory_space<vmem>>
    %dma_start3A_76 = tpu.memref_squeeze %dma_start3A_75 : memref<1x128xi32, #tpu.memory_space<vmem>> -> memref<128xi32, #tpu.memory_space<vmem>>
    %dma_start3A_77 = arith.constant 0 : i32
    %dma_start3A_78 = arith.constant 0 : i32
    %dma_start3A_79 = tpu.memref_slice %arg14[%dma_start3A_77, %dma_start3A_78] : memref<10112x16xf32, #tpu.memory_space<vmem_shared>> -> memref<10112x16xf32, #tpu.memory_space<vmem_shared>>
    tpu.enqueue_indirect_dma source(%arg11 : memref<128x16xf32, #tpu.memory_space<vmem>>) target(%dma_start3A_79 : memref<10112x16xf32, #tpu.memory_space<vmem_shared>>) offsets(%dma_start3A_76 : memref<128xi32, #tpu.memory_space<vmem>>) semaphore(%arg21 : memref<!tpu.dma_semaphore, #tpu.memory_space<semaphore_mem>>) {add = true}
    %dma_wait3A_80 = arith.constant 0 : i32
    %dma_wait3A_81 = arith.constant 0 : i32
    %dma_wait3A_82 = tpu.memref_slice %arg8[%dma_wait3A_80, %dma_wait3A_81] : memref<79x128xi32, #tpu.memory_space<vmem>> -> memref<1x128xi32, #tpu.memory_space<vmem>>
    %dma_wait3A_83 = tpu.memref_squeeze %dma_wait3A_82 : memref<1x128xi32, #tpu.memory_space<vmem>> -> memref<128xi32, #tpu.memory_space<vmem>>
    %dma_wait3A_84 = arith.constant 0 : i32
    %dma_wait3A_85 = arith.constant 0 : i32
    %dma_wait3A_86 = tpu.memref_slice %arg14[%dma_wait3A_84, %dma_wait3A_85] : memref<10112x16xf32, #tpu.memory_space<vmem_shared>> -> memref<10112x16xf32, #tpu.memory_space<vmem_shared>>
    tpu.wait_indirect_dma semaphore(%arg19 : memref<!tpu.dma_semaphore, #tpu.memory_space<semaphore_mem>>) src(%arg9 : memref<128x16xf32, #tpu.memory_space<vmem>>) dst(%dma_wait3A_86 : memref<10112x16xf32, #tpu.memory_space<vmem_shared>>)
    %dma_wait3A_87 = arith.constant 0 : i32
    %dma_wait3A_88 = arith.constant 0 : i32
    %dma_wait3A_89 = tpu.memref_slice %arg8[%dma_wait3A_87, %dma_wait3A_88] : memref<79x128xi32, #tpu.memory_space<vmem>> -> memref<1x128xi32, #tpu.memory_space<vmem>>
    %dma_wait3A_90 = tpu.memref_squeeze %dma_wait3A_89 : memref<1x128xi32, #tpu.memory_space<vmem>> -> memref<128xi32, #tpu.memory_space<vmem>>
    %dma_wait3A_91 = arith.constant 0 : i32
    %dma_wait3A_92 = arith.constant 0 : i32
    %dma_wait3A_93 = tpu.memref_slice %arg14[%dma_wait3A_91, %dma_wait3A_92] : memref<10112x16xf32, #tpu.memory_space<vmem_shared>> -> memref<10112x16xf32, #tpu.memory_space<vmem_shared>>
    tpu.wait_indirect_dma semaphore(%arg20 : memref<!tpu.dma_semaphore, #tpu.memory_space<semaphore_mem>>) src(%arg10 : memref<128x16xf32, #tpu.memory_space<vmem>>) dst(%dma_wait3A_93 : memref<10112x16xf32, #tpu.memory_space<vmem_shared>>)
    %dma_wait3A_94 = arith.constant 0 : i32
    %dma_wait3A_95 = arith.constant 0 : i32
    %dma_wait3A_96 = tpu.memref_slice %arg8[%dma_wait3A_94, %dma_wait3A_95] : memref<79x128xi32, #tpu.memory_space<vmem>> -> memref<1x128xi32, #tpu.memory_space<vmem>>
    %dma_wait3A_97 = tpu.memref_squeeze %dma_wait3A_96 : memref<1x128xi32, #tpu.memory_space<vmem>> -> memref<128xi32, #tpu.memory_space<vmem>>
    %dma_wait3A_98 = arith.constant 0 : i32
    %dma_wait3A_99 = arith.constant 0 : i32
    %dma_wait3A_100 = tpu.memref_slice %arg14[%dma_wait3A_98, %dma_wait3A_99] : memref<10112x16xf32, #tpu.memory_space<vmem_shared>> -> memref<10112x16xf32, #tpu.memory_space<vmem_shared>>
    tpu.wait_indirect_dma semaphore(%arg21 : memref<!tpu.dma_semaphore, #tpu.memory_space<semaphore_mem>>) src(%arg11 : memref<128x16xf32, #tpu.memory_space<vmem>>) dst(%dma_wait3A_100 : memref<10112x16xf32, #tpu.memory_space<vmem_shared>>)
    %dma_wait3A_101 = arith.constant 0 : i32
    %dma_wait3A_102 = arith.constant 0 : i32
    %dma_wait3A_103 = tpu.memref_slice %arg8[%dma_wait3A_101, %dma_wait3A_102] : memref<79x128xi32, #tpu.memory_space<vmem>> -> memref<1x128xi32, #tpu.memory_space<vmem>>
    %dma_wait3A_104 = tpu.memref_squeeze %dma_wait3A_103 : memref<1x128xi32, #tpu.memory_space<vmem>> -> memref<128xi32, #tpu.memory_space<vmem>>
    %dma_wait3A_105 = arith.constant 0 : i32
    %dma_wait3A_106 = arith.constant 0 : i32
    %dma_wait3A_107 = tpu.memref_slice %arg14[%dma_wait3A_105, %dma_wait3A_106] : memref<10112x16xf32, #tpu.memory_space<vmem_shared>> -> memref<10112x16xf32, #tpu.memory_space<vmem_shared>>
    tpu.wait_indirect_dma semaphore(%arg22 : memref<!tpu.dma_semaphore, #tpu.memory_space<semaphore_mem>>) src(%arg12 : memref<128x16xf32, #tpu.memory_space<vmem>>) dst(%dma_wait3A_107 : memref<10112x16xf32, #tpu.memory_space<vmem_shared>>)
    %barrier3A_108 = arith.constant 0 : index
    tpu.barrier barrier_id(%barrier3A_108)
    %mul3A_109 = arith.constant 632 : i32
    %mul3A_110 = arith.muli %arg1, %mul3A_109 : i32
    %add3A_111 = arith.constant 0 : i32
    %add3A_112 = arith.addi %add3A_111, %mul3A_110 : i32
    "tpu.region"() ({
      %run_scoped3A = tpu.sem_alloc : memref<!tpu.dma_semaphore, #tpu.memory_space<semaphore_mem>>
      %dma_start3A_113 = arith.constant 0 : i32
      %dma_start3A_114 = tpu.memref_slice %arg6[%arg0, %add3A_112, %dma_start3A_113] : memref<2x10112x16xf32, #tpu.memory_space<hbm>> -> memref<1x632x16xf32, #tpu.memory_space<hbm>>
      %dma_start3A_115 = tpu.memref_squeeze %dma_start3A_114 : memref<1x632x16xf32, #tpu.memory_space<hbm>> -> memref<632x16xf32, #tpu.memory_space<hbm>>
      %dma_start3A_116 = arith.constant 0 : i32
      %dma_start3A_117 = tpu.memref_slice %arg14[%mul3A_2, %dma_start3A_116] : memref<10112x16xf32, #tpu.memory_space<vmem_shared>> -> memref<632x16xf32, #tpu.memory_space<vmem_shared>>
      tpu.enqueue_dma source(%dma_start3A_117 : memref<632x16xf32, #tpu.memory_space<vmem_shared>>) target(%dma_start3A_115 : memref<632x16xf32, #tpu.memory_space<hbm>>) target_semaphore(%run_scoped3A : memref<!tpu.dma_semaphore, #tpu.memory_space<semaphore_mem>>)
      %dma_wait3A_118 = arith.constant 0 : i32
      %dma_wait3A_119 = tpu.memref_slice %arg6[%arg0, %add3A_112, %dma_wait3A_118] : memref<2x10112x16xf32, #tpu.memory_space<hbm>> -> memref<1x632x16xf32, #tpu.memory_space<hbm>>
      %dma_wait3A_120 = tpu.memref_squeeze %dma_wait3A_119 : memref<1x632x16xf32, #tpu.memory_space<hbm>> -> memref<632x16xf32, #tpu.memory_space<hbm>>
      %dma_wait3A_121 = arith.constant 0 : i32
      %dma_wait3A_122 = tpu.memref_slice %arg14[%mul3A_2, %dma_wait3A_121] : memref<10112x16xf32, #tpu.memory_space<vmem_shared>> -> memref<632x16xf32, #tpu.memory_space<vmem_shared>>
      tpu.wait_dma2 semaphore(%run_scoped3A : memref<!tpu.dma_semaphore, #tpu.memory_space<semaphore_mem>>) src(%dma_wait3A_122 : memref<632x16xf32, #tpu.memory_space<vmem_shared>>) dst(%dma_wait3A_120 : memref<632x16xf32, #tpu.memory_space<hbm>>)
      tpu.yield
    }) : () -> ()
    return
  }
}

module attributes {stable_mosaic.version = 14 : i64} {
  func.func @_tc0_body(%arg0: memref<10112x128xf32, #tpu.memory_space<vmem>>, %arg1: memref<128x16xf32, #tpu.memory_space<vmem>>, %arg2: memref<10112x16xf32, #tpu.memory_space<vmem>>) attributes {dimension_semantics = [], scalar_prefetch = 0 : i64, scratch_operands = 0 : i64, tpu.core_type = #tpu.core_type<tc>} {
    %get3A = arith.constant 0 : index
    %get3A_0 = arith.constant 0 : index
    %get3A_1 = vector.load %arg0[%get3A, %get3A_0] : memref<10112x128xf32, #tpu.memory_space<vmem>>, vector<10112x128xf32>
    %get3A_2 = arith.constant 0 : index
    %get3A_3 = arith.constant 0 : index
    %get3A_4 = vector.load %arg1[%get3A_2, %get3A_3] : memref<128x16xf32, #tpu.memory_space<vmem>>, vector<128x16xf32>
    %dot_general3A = arith.constant dense<0.000000e+00> : vector<10112x16xf32>
    %dot_general3A_5 = tpu.matmul %get3A_1, %get3A_4, %dot_general3A {dimension_numbers = #tpu.dot_dimension_numbers<[1], [0], [0], [1], [0, 0, 1, 1], [], []>, transpose_lhs_hint = false} : vector<10112x128xf32>, vector<128x16xf32>, vector<10112x16xf32> -> vector<10112x16xf32>
    %swap3A = arith.constant 0 : index
    %swap3A_6 = arith.constant 0 : index
    %swap3A_7 = vector.load %arg2[%swap3A, %swap3A_6] : memref<10112x16xf32, #tpu.memory_space<vmem>>, vector<10112x16xf32>
    tpu.vector_store %arg2[%swap3A, %swap3A_6], %dot_general3A_5 {strides = array<i32>} : memref<10112x16xf32, #tpu.memory_space<vmem>>, vector<10112x16xf32>,
    return
  }
}

module attributes {stable_mosaic.version = 14 : i64} {
  func.func @_tc1_body(%arg0: memref<10112x16xf32, #tpu.memory_space<vmem>>, %arg1: memref<2x10112x16xf32, #tpu.memory_space<vmem>>, %arg2: memref<10112x16xf32, #tpu.memory_space<vmem>>, %arg3: memref<10112x1xf32, #tpu.memory_space<vmem>>) attributes {dimension_semantics = [], scalar_prefetch = 0 : i64, scratch_operands = 0 : i64, tpu.core_type = #tpu.core_type<tc>} {
    %get3A = arith.constant 0 : index
    %get3A_0 = arith.constant 0 : index
    %get3A_1 = arith.constant 0 : index
    %get3A_2 = vector.load %arg1[%get3A, %get3A_0, %get3A_1] : memref<2x10112x16xf32, #tpu.memory_space<vmem>>, vector<1x10112x1xf32>
    %get3A_3 = vector.shape_cast %get3A_2 : vector<1x10112x1xf32> to vector<10112xf32>
    %get3A_4 = arith.constant 1 : index
    %get3A_5 = arith.constant 0 : index
    %get3A_6 = arith.constant 0 : index
    %get3A_7 = vector.load %arg1[%get3A_4, %get3A_5, %get3A_6] : memref<2x10112x16xf32, #tpu.memory_space<vmem>>, vector<1x10112x1xf32>
    %get3A_8 = vector.shape_cast %get3A_7 : vector<1x10112x1xf32> to vector<10112xf32>
    %add3A = arith.addf %get3A_3, %get3A_8 : vector<10112xf32>
    %add3A_9 = arith.constant 1.000000e+00 : f32
    %add3A_10 = vector.broadcast %add3A_9 : f32 to vector<10112xf32>
    %add3A_11 = arith.addf %add3A, %add3A_10 : vector<10112xf32>
    %rsqrt3A = math.rsqrt %add3A_11 : vector<10112xf32>
    %get3A_12 = arith.constant 0 : index
    %get3A_13 = arith.constant 0 : index
    %get3A_14 = vector.load %arg0[%get3A_12, %get3A_13] : memref<10112x16xf32, #tpu.memory_space<vmem>>, vector<10112x16xf32>
    %broadcast_in_dim3A = vector.shape_cast %rsqrt3A : vector<10112xf32> to vector<10112x1xf32>
    %mul3A = vector.broadcast %broadcast_in_dim3A : vector<10112x1xf32> to vector<10112x16xf32>
    %mul3A_15 = arith.mulf %get3A_14, %mul3A : vector<10112x16xf32>
    %swap3A = arith.constant 0 : index
    %swap3A_16 = arith.constant 0 : index
    %swap3A_17 = vector.load %arg2[%swap3A, %swap3A_16] : memref<10112x16xf32, #tpu.memory_space<vmem>>, vector<10112x16xf32>
    tpu.vector_store %arg2[%swap3A, %swap3A_16], %mul3A_15 {strides = array<i32>} : memref<10112x16xf32, #tpu.memory_space<vmem>>, vector<10112x16xf32>,
    %broadcast_in_dim3A_18 = vector.shape_cast %rsqrt3A : vector<10112xf32> to vector<10112x1xf32>
    %swap3A_19 = arith.constant 0 : index
    %swap3A_20 = arith.constant 0 : index
    %swap3A_21 = vector.load %arg3[%swap3A_19, %swap3A_20] : memref<10112x1xf32, #tpu.memory_space<vmem>>, vector<10112x1xf32>
    tpu.vector_store %arg3[%swap3A_19, %swap3A_20], %broadcast_in_dim3A_18 {strides = array<i32>} : memref<10112x1xf32, #tpu.memory_space<vmem>>, vector<10112x1xf32>,
    return
  }
}

module attributes {stable_mosaic.version = 14 : i64} {
  func.func @_tc2_body(%arg0: memref<2x10112x16xf32, #tpu.memory_space<vmem>>, %arg1: memref<10112x16xf32, #tpu.memory_space<vmem>>, %arg2: memref<10112x1xf32, #tpu.memory_space<vmem>>, %arg3: memref<16x48xf32, #tpu.memory_space<vmem>>, %arg4: memref<1x16xf32, #tpu.memory_space<vmem>>, %arg5: memref<3x10112x16xf32, #tpu.memory_space<vmem>>) attributes {dimension_semantics = [], scalar_prefetch = 0 : i64, scratch_operands = 0 : i64, tpu.core_type = #tpu.core_type<tc>} {
    %get3A = arith.constant 0 : index
    %get3A_0 = arith.constant 0 : index
    %get3A_1 = arith.constant 0 : index
    %get3A_2 = vector.load %arg0[%get3A, %get3A_0, %get3A_1] : memref<2x10112x16xf32, #tpu.memory_space<vmem>>, vector<1x10112x16xf32>
    %get3A_3 = vector.shape_cast %get3A_2 : vector<1x10112x16xf32> to vector<10112x16xf32>
    %get3A_4 = arith.constant 1 : index
    %get3A_5 = arith.constant 0 : index
    %get3A_6 = arith.constant 0 : index
    %get3A_7 = vector.load %arg0[%get3A_4, %get3A_5, %get3A_6] : memref<2x10112x16xf32, #tpu.memory_space<vmem>>, vector<1x10112x16xf32>
    %get3A_8 = vector.shape_cast %get3A_7 : vector<1x10112x16xf32> to vector<10112x16xf32>
    %add3A = arith.addf %get3A_3, %get3A_8 : vector<10112x16xf32>
    %get3A_9 = arith.constant 0 : index
    %get3A_10 = arith.constant 0 : index
    %get3A_11 = vector.load %arg2[%get3A_9, %get3A_10] : memref<10112x1xf32, #tpu.memory_space<vmem>>, vector<10112x1xf32>
    %get3A_12 = arith.constant 0 : index
    %get3A_13 = arith.constant 0 : index
    %get3A_14 = vector.load %arg1[%get3A_12, %get3A_13] : memref<10112x16xf32, #tpu.memory_space<vmem>>, vector<10112x16xf32>
    %add3A_15 = arith.addf %add3A, %get3A_14 : vector<10112x16xf32>
    %mul3A = vector.broadcast %get3A_11 : vector<10112x1xf32> to vector<10112x16xf32>
    %mul3A_16 = arith.mulf %mul3A, %add3A_15 : vector<10112x16xf32>
    %get3A_17 = arith.constant 0 : index
    %get3A_18 = arith.constant 0 : index
    %get3A_19 = vector.load %arg4[%get3A_17, %get3A_18] : memref<1x16xf32, #tpu.memory_space<vmem>>, vector<1x16xf32>
    %add3A_20 = vector.broadcast %get3A_19 : vector<1x16xf32> to vector<10112x16xf32>
    %add3A_21 = arith.addf %mul3A_16, %add3A_20 : vector<10112x16xf32>
    %max3A = arith.constant 0.000000e+00 : f32
    %max3A_22 = vector.broadcast %max3A : f32 to vector<10112x16xf32>
    %max3A_23 = arith.maximumf %add3A_21, %max3A_22 : vector<10112x16xf32>
    %get3A_24 = arith.constant 0 : index
    %get3A_25 = arith.constant 0 : index
    %get3A_26 = vector.load %arg3[%get3A_24, %get3A_25] : memref<16x48xf32, #tpu.memory_space<vmem>>, vector<16x48xf32>
    %dot_general3A = arith.constant dense<0.000000e+00> : vector<10112x48xf32>
    %dot_general3A_27 = tpu.matmul %max3A_23, %get3A_26, %dot_general3A {dimension_numbers = #tpu.dot_dimension_numbers<[1], [0], [0], [1], [0, 0, 1, 1], [], []>, transpose_lhs_hint = false} : vector<10112x16xf32>, vector<16x48xf32>, vector<10112x48xf32> -> vector<10112x48xf32>
    %mul3A_28 = vector.broadcast %get3A_11 : vector<10112x1xf32> to vector<10112x48xf32>
    %mul3A_29 = arith.mulf %dot_general3A_27, %mul3A_28 : vector<10112x48xf32>
    %iota3A = tpu.iota {dimensions = array<i32: 0>} : vector<10112x1xi32>
    %lt3A = arith.constant 10000 : i32
    %lt3A_30 = vector.broadcast %lt3A : i32 to vector<10112x1xi32>
    %lt3A_31 = arith.cmpi slt, %iota3A, %lt3A_30 : vector<10112x1xi32>
    %jit3A = arith.constant 0.000000e+00 : f32
    %broadcast_in_dim3A = vector.shape_cast %lt3A_31 : vector<10112x1xi1> to vector<10112x1xi1>
    %broadcast_in_dim3A_32 = vector.broadcast %broadcast_in_dim3A : vector<10112x1xi1> to vector<10112x48xi1>
    %broadcast_in_dim3A_33 = vector.broadcast %jit3A : f32 to vector<10112x48xf32>
    %select_n3A = arith.select %broadcast_in_dim3A_32, %mul3A_29, %broadcast_in_dim3A_33 : vector<10112x48xi1>, vector<10112x48xf32>
    %slice3A = vector.extract_strided_slice %select_n3A {offsets = [0, 0], sizes = [10112, 16], strides = [1, 1]} : vector<10112x48xf32> to vector<10112x16xf32>
    %swap3A = arith.constant 0 : index
    %swap3A_34 = arith.constant 0 : index
    %swap3A_35 = arith.constant 0 : index
    %swap3A_36 = vector.load %arg5[%swap3A, %swap3A_34, %swap3A_35] : memref<3x10112x16xf32, #tpu.memory_space<vmem>>, vector<1x10112x16xf32>
    %swap3A_37 = vector.shape_cast %swap3A_36 : vector<1x10112x16xf32> to vector<10112x16xf32>
    %swap3A_38 = vector.shape_cast %slice3A : vector<10112x16xf32> to vector<1x10112x16xf32>
    tpu.vector_store %arg5[%swap3A, %swap3A_34, %swap3A_35], %swap3A_38 {strides = array<i32>} : memref<3x10112x16xf32, #tpu.memory_space<vmem>>, vector<1x10112x16xf32>,
    %slice3A_39 = vector.extract_strided_slice %select_n3A {offsets = [0, 16], sizes = [10112, 16], strides = [1, 1]} : vector<10112x48xf32> to vector<10112x16xf32>
    %swap3A_40 = arith.constant 1 : index
    %swap3A_41 = arith.constant 0 : index
    %swap3A_42 = arith.constant 0 : index
    %swap3A_43 = vector.load %arg5[%swap3A_40, %swap3A_41, %swap3A_42] : memref<3x10112x16xf32, #tpu.memory_space<vmem>>, vector<1x10112x16xf32>
    %swap3A_44 = vector.shape_cast %swap3A_43 : vector<1x10112x16xf32> to vector<10112x16xf32>
    %swap3A_45 = vector.shape_cast %slice3A_39 : vector<10112x16xf32> to vector<1x10112x16xf32>
    tpu.vector_store %arg5[%swap3A_40, %swap3A_41, %swap3A_42], %swap3A_45 {strides = array<i32>} : memref<3x10112x16xf32, #tpu.memory_space<vmem>>, vector<1x10112x16xf32>,
    %slice3A_46 = vector.extract_strided_slice %select_n3A {offsets = [0, 32], sizes = [10112, 16], strides = [1, 1]} : vector<10112x48xf32> to vector<10112x16xf32>
    %swap3A_47 = arith.constant 2 : index
    %swap3A_48 = arith.constant 0 : index
    %swap3A_49 = arith.constant 0 : index
    %swap3A_50 = vector.load %arg5[%swap3A_47, %swap3A_48, %swap3A_49] : memref<3x10112x16xf32, #tpu.memory_space<vmem>>, vector<1x10112x16xf32>
    %swap3A_51 = vector.shape_cast %swap3A_50 : vector<1x10112x16xf32> to vector<10112x16xf32>
    %swap3A_52 = vector.shape_cast %slice3A_46 : vector<10112x16xf32> to vector<1x10112x16xf32>
    tpu.vector_store %arg5[%swap3A_47, %swap3A_48, %swap3A_49], %swap3A_52 {strides = array<i32>} : memref<3x10112x16xf32, #tpu.memory_space<vmem>>, vector<1x10112x16xf32>,
    return
  }
}

module attributes {stable_mosaic.version = 14 : i64} {
  func.func @_tc3_body(%arg0: i32, %arg1: memref<2x3x1264x16xf32, #tpu.memory_space<vmem>>, %arg2: memref<3x1264x16xf32, #tpu.memory_space<vmem>>, %arg3: memref<1264x1xf32, #tpu.memory_space<vmem>>, %arg4: memref<1x40xf32, #tpu.memory_space<vmem>>, %arg5: memref<1264x40xf32, #tpu.memory_space<vmem>>) attributes {dimension_semantics = [#tpu.dimension_semantics<arbitrary>], iteration_bounds = array<i64: 8>, scalar_prefetch = 0 : i64, scratch_operands = 0 : i64, tpu.core_type = #tpu.core_type<tc>, window_params = [{transform_indices = @transform_0, window_bounds = array<i64: 2, 3, 1264, 16>}, {transform_indices = @transform_1, window_bounds = array<i64: 3, 1264, 16>}, {transform_indices = @transform_2, window_bounds = array<i64: 1264, 1>}, {pipeline_mode = #tpu.pipeline_mode<synchronous>, transform_indices = @transform_3, window_bounds = array<i64: 1, 40>}, {transform_indices = @transform_4, window_bounds = array<i64: 1264, 40>}]} {
    %get3A = arith.constant 0 : index
    %get3A_0 = arith.constant 0 : index
    %get3A_1 = vector.load %arg3[%get3A, %get3A_0] : memref<1264x1xf32, #tpu.memory_space<vmem>>, vector<1264x1xf32>
    %get3A_2 = arith.constant 0 : index
    %get3A_3 = arith.constant 0 : index
    %get3A_4 = arith.constant 0 : index
    %get3A_5 = arith.constant 0 : index
    %get3A_6 = vector.load %arg1[%get3A_2, %get3A_3, %get3A_4, %get3A_5] : memref<2x3x1264x16xf32, #tpu.memory_space<vmem>>, vector<1x1x1264x16xf32>
    %get3A_7 = vector.shape_cast %get3A_6 : vector<1x1x1264x16xf32> to vector<1264x16xf32>
    %get3A_8 = arith.constant 1 : index
    %get3A_9 = arith.constant 0 : index
    %get3A_10 = arith.constant 0 : index
    %get3A_11 = arith.constant 0 : index
    %get3A_12 = vector.load %arg1[%get3A_8, %get3A_9, %get3A_10, %get3A_11] : memref<2x3x1264x16xf32, #tpu.memory_space<vmem>>, vector<1x1x1264x16xf32>
    %get3A_13 = vector.shape_cast %get3A_12 : vector<1x1x1264x16xf32> to vector<1264x16xf32>
    %add3A = arith.addf %get3A_7, %get3A_13 : vector<1264x16xf32>
    %get3A_14 = arith.constant 0 : index
    %get3A_15 = arith.constant 0 : index
    %get3A_16 = arith.constant 0 : index
    %get3A_17 = vector.load %arg2[%get3A_14, %get3A_15, %get3A_16] : memref<3x1264x16xf32, #tpu.memory_space<vmem>>, vector<1x1264x16xf32>
    %get3A_18 = vector.shape_cast %get3A_17 : vector<1x1264x16xf32> to vector<1264x16xf32>
    %add3A_19 = arith.addf %add3A, %get3A_18 : vector<1264x16xf32>
    %mul3A = vector.broadcast %get3A_1 : vector<1264x1xf32> to vector<1264x16xf32>
    %mul3A_20 = arith.mulf %mul3A, %add3A_19 : vector<1264x16xf32>
    %get3A_21 = arith.constant 0 : index
    %get3A_22 = arith.constant 1 : index
    %get3A_23 = arith.constant 0 : index
    %get3A_24 = arith.constant 0 : index
    %get3A_25 = vector.load %arg1[%get3A_21, %get3A_22, %get3A_23, %get3A_24] : memref<2x3x1264x16xf32, #tpu.memory_space<vmem>>, vector<1x1x1264x16xf32>
    %get3A_26 = vector.shape_cast %get3A_25 : vector<1x1x1264x16xf32> to vector<1264x16xf32>
    %get3A_27 = arith.constant 1 : index
    %get3A_28 = arith.constant 1 : index
    %get3A_29 = arith.constant 0 : index
    %get3A_30 = arith.constant 0 : index
    %get3A_31 = vector.load %arg1[%get3A_27, %get3A_28, %get3A_29, %get3A_30] : memref<2x3x1264x16xf32, #tpu.memory_space<vmem>>, vector<1x1x1264x16xf32>
    %get3A_32 = vector.shape_cast %get3A_31 : vector<1x1x1264x16xf32> to vector<1264x16xf32>
    %add3A_33 = arith.addf %get3A_26, %get3A_32 : vector<1264x16xf32>
    %get3A_34 = arith.constant 1 : index
    %get3A_35 = arith.constant 0 : index
    %get3A_36 = arith.constant 0 : index
    %get3A_37 = vector.load %arg2[%get3A_34, %get3A_35, %get3A_36] : memref<3x1264x16xf32, #tpu.memory_space<vmem>>, vector<1x1264x16xf32>
    %get3A_38 = vector.shape_cast %get3A_37 : vector<1x1264x16xf32> to vector<1264x16xf32>
    %add3A_39 = arith.addf %add3A_33, %get3A_38 : vector<1264x16xf32>
    %mul3A_40 = vector.broadcast %get3A_1 : vector<1264x1xf32> to vector<1264x16xf32>
    %mul3A_41 = arith.mulf %mul3A_40, %add3A_39 : vector<1264x16xf32>
    %get3A_42 = arith.constant 0 : index
    %get3A_43 = arith.constant 2 : index
    %get3A_44 = arith.constant 0 : index
    %get3A_45 = arith.constant 0 : index
    %get3A_46 = vector.load %arg1[%get3A_42, %get3A_43, %get3A_44, %get3A_45] : memref<2x3x1264x16xf32, #tpu.memory_space<vmem>>, vector<1x1x1264x16xf32>
    %get3A_47 = vector.shape_cast %get3A_46 : vector<1x1x1264x16xf32> to vector<1264x16xf32>
    %get3A_48 = arith.constant 1 : index
    %get3A_49 = arith.constant 2 : index
    %get3A_50 = arith.constant 0 : index
    %get3A_51 = arith.constant 0 : index
    %get3A_52 = vector.load %arg1[%get3A_48, %get3A_49, %get3A_50, %get3A_51] : memref<2x3x1264x16xf32, #tpu.memory_space<vmem>>, vector<1x1x1264x16xf32>
    %get3A_53 = vector.shape_cast %get3A_52 : vector<1x1x1264x16xf32> to vector<1264x16xf32>
    %add3A_54 = arith.addf %get3A_47, %get3A_53 : vector<1264x16xf32>
    %get3A_55 = arith.constant 2 : index
    %get3A_56 = arith.constant 0 : index
    %get3A_57 = arith.constant 0 : index
    %get3A_58 = vector.load %arg2[%get3A_55, %get3A_56, %get3A_57] : memref<3x1264x16xf32, #tpu.memory_space<vmem>>, vector<1x1264x16xf32>
    %get3A_59 = vector.shape_cast %get3A_58 : vector<1x1264x16xf32> to vector<1264x16xf32>
    %add3A_60 = arith.addf %add3A_54, %get3A_59 : vector<1264x16xf32>
    %mul3A_61 = vector.broadcast %get3A_1 : vector<1264x1xf32> to vector<1264x16xf32>
    %mul3A_62 = arith.mulf %mul3A_61, %add3A_60 : vector<1264x16xf32>
    %concatenate3A = tpu.concatenate %mul3A_20, %mul3A_41, %mul3A_62 in 1 : vector<1264x16xf32>, vector<1264x16xf32>, vector<1264x16xf32> -> vector<1264x48xf32>
    %slice3A = vector.extract_strided_slice %concatenate3A {offsets = [0, 0], sizes = [1264, 40], strides = [1, 1]} : vector<1264x48xf32> to vector<1264x40xf32>
    %get3A_63 = arith.constant 0 : index
    %get3A_64 = arith.constant 0 : index
    %get3A_65 = vector.load %arg4[%get3A_63, %get3A_64] : memref<1x40xf32, #tpu.memory_space<vmem>>, vector<1x40xf32>
    %add3A_66 = vector.broadcast %get3A_65 : vector<1x40xf32> to vector<1264x40xf32>
    %add3A_67 = arith.addf %slice3A, %add3A_66 : vector<1264x40xf32>
    %reduce_max3A = arith.constant dense<0xFF800000> : vector<1264xf32>
    %reduce_max3A_68 = vector.multi_reduction <maximumf>, %add3A_67, %reduce_max3A [1] : vector<1264x40xf32> to vector<1264xf32>
    %broadcast_in_dim3A = vector.shape_cast %reduce_max3A_68 : vector<1264xf32> to vector<1264x1xf32>
    %sub3A = vector.broadcast %broadcast_in_dim3A : vector<1264x1xf32> to vector<1264x40xf32>
    %sub3A_69 = arith.subf %add3A_67, %sub3A : vector<1264x40xf32>
    %exp3A = math.exp %sub3A_69 : vector<1264x40xf32>
    %reduce_sum3A = arith.constant dense<0.000000e+00> : vector<1264xf32>
    %reduce_sum3A_70 = vector.multi_reduction <add>, %exp3A, %reduce_sum3A [1] : vector<1264x40xf32> to vector<1264xf32>
    %broadcast_in_dim3A_71 = vector.shape_cast %reduce_sum3A_70 : vector<1264xf32> to vector<1264x1xf32>
    %sub3A_72 = vector.broadcast %broadcast_in_dim3A : vector<1264x1xf32> to vector<1264x40xf32>
    %sub3A_73 = arith.subf %add3A_67, %sub3A_72 : vector<1264x40xf32>
    %log3A = math.log %broadcast_in_dim3A_71 : vector<1264x1xf32>
    %sub3A_74 = vector.broadcast %log3A : vector<1264x1xf32> to vector<1264x40xf32>
    %sub3A_75 = arith.subf %sub3A_73, %sub3A_74 : vector<1264x40xf32>
    %swap3A = arith.constant 0 : index
    %swap3A_76 = arith.constant 0 : index
    %swap3A_77 = vector.load %arg5[%swap3A, %swap3A_76] : memref<1264x40xf32, #tpu.memory_space<vmem>>, vector<1264x40xf32>
    tpu.vector_store %arg5[%swap3A, %swap3A_76], %sub3A_75 {strides = array<i32>} : memref<1264x40xf32, #tpu.memory_space<vmem>>, vector<1264x40xf32>,
    return
  }
  func.func @transform_0(%arg0: i32) -> (i32, i32, i32, i32) {
    %c0_i32 = arith.constant 0 : i32
    %c0_i32_0 = arith.constant 0 : i32
    %c0_i32_1 = arith.constant 0 : i32
    %c0_i32_2 = arith.constant 0 : i32
    return %c0_i32, %c0_i32_0, %arg0, %c0_i32_1 : i32, i32, i32, i32
  }
  func.func @transform_1(%arg0: i32) -> (i32, i32, i32) {
    %c0_i32 = arith.constant 0 : i32
    %c0_i32_0 = arith.constant 0 : i32
    %c0_i32_1 = arith.constant 0 : i32
    return %c0_i32, %arg0, %c0_i32_0 : i32, i32, i32
  }
  func.func @transform_2(%arg0: i32) -> (i32, i32) {
    %c0_i32 = arith.constant 0 : i32
    %c0_i32_0 = arith.constant 0 : i32
    return %arg0, %c0_i32 : i32, i32
  }
  func.func @transform_3(%arg0: i32) -> (i32, i32) {
    %c0_i32 = arith.constant 0 : i32
    %c0_i32_0 = arith.constant 0 : i32
    %c0_i32_1 = arith.constant 0 : i32
    return %c0_i32, %c0_i32_0 : i32, i32
  }
  func.func @transform_4(%arg0: i32) -> (i32, i32) {
    %c0_i32 = arith.constant 0 : i32
    %c0_i32_0 = arith.constant 0 : i32
    return %arg0, %c0_i32 : i32, i32
  }
}

</mosaic_0001>

<sc_bundles>
// kernel: kernel.12.cloned.1.call-start
scs
__scs_entry_jumppad:
0x0: {  	(pc) =	sbr.rel $0x88, $3  }
0x1: {  	(tag) =	ssettag $0x0;
	lr =	simm.s32 $0x1  }
0x2: {  	[smem:$0x3F9B] =	sst lr;
	_ =	strace $0xD0000000  }
0x3: {  	_ = 	snop  }
0x4: {  	_ = 	snop  }
0x5: {  	_ = 	snop  }
0x6: {  	_ = 	snop  }
0x7: {  	_ = 	snop  }
__scs_overlays_trampoline_lowered:
0x8: {  	[smem:$0x3FAA] =	sst s0  }
0x9: {  	[smem:$0x3FAB] =	sst s1  }
0xa: {  	[smem:$0x3FAC] =	sst s2  }
0xb: {  	[smem:$0x3FAD] =	sst s3  }
0xc: {  	[smem:$0x3FAE] =	sst s4  }
0xd: {  	[smem:$0x3FAF] =	sst s5  }
0xe: {  	[smem:$0x3FB0] =	sst s6  }
0xf: {  	[smem:$0x3FB1] =	sst s7  }
0x10: {  	[smem:$0x3FB2] =	sst s8  }
0x11: {  	[smem:$0x3FB3] =	sst s9;
	s0 =	simm.s32 @!p0 $0x0  }
0x12: {  	s1 =	sld [smem:$0x3F99];
	s0 =	simm.s32 @p0 $0x1  }
0x13: {  	[smem:$0x3FB4] =	sst s0;
	s0 =	simm.s32 @!p1 $0x0  }
0x14: {  	s2 =	sld [smem:$0x3F98];
	s0 =	simm.s32 @p1 $0x1  }
0x15: {  	[smem:$0x3FB5] =	sst s0;
	s0 =	simm.s32 @!p2 $0x0  }
0x16: {  	s3 =	sld [smem:$0x3FDB];
	s0 =	simm.s32 @p2 $0x1  }
0x17: {  	s4 =	simm.s32 $0x1BF5;
	[smem:$0x3FB7] =	sst s0  }
0x18: {  	s0 =	sld [smem:$0x3F9A];
	_ =	swait.ge [sflag:s4], $0x0  }
0x19: {  	s7 =	sld [smem:$0x3F9B]  }
0x1a: {  	s8 =	sadd.s32 $0xFFFFE003, lr  }
0x1b: {  	s9 =	sadd.s32 $0xFFFFFEF7, lr;
	s5 =	simm.s32 $0xFFFFFFFF;
	p2 =	slt.u32 s8, $0xFFFFF086  }
0x1c: {  	p1 =	slt.u32 s9, $0xF7A;
	s5 =	simm.s32 @!p2 $0x0  }
0x1d: {  	s5 =	simm.s32 @p1 $0x1;
	p0 =	seq.s32 s7, s2  }
0x1e: {  	s7 =	smul.u32 @!p0 $0xF7A, s2;
	p2 =	seq.s32 @!p0 s5, $0x0  }
0x1f: {  	s9 =	smul.u32 $0xF7A, s1;
	s8 =	simm.s32 @!p0 $0x1BF5;
	p2 =	por !p2, p0  }
0x20: {  	[sflag:s8] =	ssyncset.s32 @!p0 $0xFFFFF086;
	s6 =	sadd.s32 @!p0 s3, s7;
	s7 =	simm.s32 @!p0 $0x108  }
0x21: {  	s3 =	sadd.s32 s3, s9;
	s6 =	sadd.s32 @!p0 $0x88, s6;
	s7 =	simm.s32 @p2 $0x1082  }
0x22: {  	[simem:s7], [sflag:s8] =	dma.local @!p0 [hbm:s6], $0xF7A  }
0x23: {  	s9 =	sor.u32 $0xD0000000, s2;
	s6 =	simm.s32 $0x108;
	_ =	swait.ge @!p0 [sflag:s8], $0x0  }
0x24: {  	s3 =	sadd.s32 $0x88, s3;
	s6 =	simm.s32 @!p1 $0x1082;
	[sflag:s4] =	ssyncset.s32 $0xFFFFF086  }
0x25: {  	[simem:s6], [sflag:s4] =	dma.local [hbm:s3], $0xF7A  }
0x26: {  	[smem:$0x3F9B] =	sst s1;
	(tag) =	ssettag s2;
	_ =	strace s9  }
0x27: {  	s1 =	sld [smem:$0x3FAB]  }
0x28: {  	s2 =	sld [smem:$0x3FAC]  }
0x29: {  	s4 =	sld [smem:$0x3FAE]  }
0x2a: {  	p0 =	seq.s32 s5, $0x0;
	s5 =	sld [smem:$0x3FAF]  }
0x2b: {  	s6 =	sld [smem:$0x3FB0]  }
0x2c: {  	s7 =	sld [smem:$0x3FB1]  }
0x2d: {  	s3 =	simm.s32 $0x108;
	s8 =	sld [smem:$0x3FB2]  }
0x2e: {  	s3 =	simm.s32 @!p0 $0x1082;
	s9 =	sld [smem:$0x3FB3]  }
0x2f: {  	lr =	sadd.s32 s0, s3;
	s0 =	sld [smem:$0x3FAA]  }
0x30: {  	s3 =	sld [smem:$0x3FAD]  }
0x31: {  	[smem:$0x3FB6] =	sst s10  }
0x32: {  	s10 =	sld [smem:$0x3FB4];
	_ =	sdelay $0x3  }
0x33: {  	p0 =	seq.s32 s10, $0x1;
	s10 =	sld [smem:$0x3FB6];
	_ =	sdelay $0x3  }
0x34: {  	[smem:$0x3FB6] =	sst s10  }
0x35: {  	s10 =	sld [smem:$0x3FB5];
	_ =	sdelay $0x3  }
0x36: {  	p1 =	seq.s32 s10, $0x1;
	s10 =	sld [smem:$0x3FB6];
	_ =	sdelay $0x3  }
0x37: {  	[smem:$0x3FB6] =	sst s10  }
0x38: {  	s10 =	sld [smem:$0x3FB7]  }
0x39: {  	_ = 	snop;
	(pc) =	sbr.ind lr, $3  }
0x3a: {  	_ = 	snop  }
0x3b: {  	_ = 	snop  }
0x3c: {  	p2 =	seq.s32 s10, $0x1;
	s10 =	sld [smem:$0x3FB6]  }
0x3d: {  	_ =	shalt  }
0x3e: {  	_ =	shalt  }
0x3f: {  	_ =	shalt  }
0x40: {  	_ =	shalt  }
0x41: {  	_ =	shalt  }
0x42: {  	_ =	shalt  }
0x43: {  	_ =	shalt  }
0x44: {  	_ =	shalt  }
0x45: {  	_ =	shalt  }
0x46: {  	_ =	shalt  }
0x47: {  	_ =	shalt  }
0x48: {  	_ =	shalt  }
0x49: {  	_ =	shalt  }
0x4a: {  	_ =	shalt  }
0x4b: {  	_ =	shalt  }
0x4c: {  	_ =	shalt  }
0x4d: {  	_ =	shalt  }
0x4e: {  	_ =	shalt  }
0x4f: {  	_ =	shalt  }
0x50: {  	_ =	shalt  }
0x51: {  	_ =	shalt  }
0x52: {  	_ =	shalt  }
0x53: {  	_ =	shalt  }
0x54: {  	_ =	shalt  }
0x55: {  	_ =	shalt  }
0x56: {  	_ =	shalt  }
0x57: {  	_ =	shalt  }
0x58: {  	_ =	shalt  }
0x59: {  	_ =	shalt  }
0x5a: {  	_ =	shalt  }
0x5b: {  	_ =	shalt  }
0x5c: {  	_ =	shalt  }
0x5d: {  	_ =	shalt  }
0x5e: {  	_ =	shalt  }
0x5f: {  	_ =	shalt  }
0x60: {  	_ =	shalt  }
0x61: {  	_ =	shalt  }
0x62: {  	_ =	shalt  }
0x63: {  	_ =	shalt  }
0x64: {  	_ =	shalt  }
0x65: {  	_ =	shalt  }
0x66: {  	_ =	shalt  }
0x67: {  	_ =	shalt  }
0x68: {  	_ =	shalt  }
0x69: {  	_ =	shalt  }
0x6a: {  	_ =	shalt  }
0x6b: {  	_ =	shalt  }
0x6c: {  	_ =	shalt  }
0x6d: {  	_ =	shalt  }
0x6e: {  	_ =	shalt  }
0x6f: {  	_ =	shalt  }
0x70: {  	_ =	shalt  }
0x71: {  	_ =	shalt  }
0x72: {  	_ =	shalt  }
0x73: {  	_ =	shalt  }
0x74: {  	_ =	shalt  }
0x75: {  	_ =	shalt  }
0x76: {  	_ =	shalt  }
0x77: {  	_ =	shalt  }
0x78: {  	_ =	shalt  }
0x79: {  	_ =	shalt  }
0x7a: {  	_ =	shalt  }
0x7b: {  	_ =	shalt  }
0x7c: {  	_ =	shalt  }
0x7d: {  	_ =	shalt  }
0x7e: {  	_ =	shalt  }
0x7f: {  	_ =	shalt  }
0x80: {  	_ =	shalt  }
0x81: {  	_ =	shalt  }
0x82: {  	_ =	shalt  }
0x83: {  	_ =	shalt  }
0x84: {  	_ =	shalt  }
0x85: {  	_ =	shalt  }
0x86: {  	_ =	shalt  }
0x87: {  	_ =	shalt  }
.Lfunc_end0:
.L_simem_size_0:
called_computation.1_lowered:
.L_overlay_start_0:
0x88: {  	s2 =	sld [smem:$0x3FD9]  }
0x89: {  	s3 =	sld [smem:$0x3FFE];
	_ =	sdelay $0x1  }
0x8a: {  	s1 =	srdreg.scid  }
0x8b: {  	s0 =	sand.u32 $0x1, s1  }
0x8c: {  	s17 =	sshll.u32 s0, $0xA;
	s2 =	sadd.s32 s3, s2  }
0x8d: {  	s2 =	sadd.s32 s2, s17  }
0x8e: {  	[smem:$0x3FC2] =	sst s2  }
0x8f: {  	_ = 	snop  }
0x90: {  	s2 =	sld [smem:$0x3FD0];
	(tm) =	ssettm $0x1  }
0x91: {  	s18 =	sld [smem:$0x3FFB];
	_ =	sdelay $0x3  }
0x92: {  	_ =	strace s18  }
0x93: {  	s3 =	sld [smem:$0x3FFC];
	_ =	sdelay $0x3  }
0x94: {  	_ =	strace s3  }
0x95: {  	s3 =	sld [smem:$0x3FFD];
	_ =	sdelay $0x3  }
0x96: {  	_ =	strace s3  }
0x97: {  	_ =	strace $0x8FFFFFFF  }
0x98: {  	s19 =	sld [smem:$0x3FDB];
	_ =	sdelay $0x1  }
0x99: {  	s4 =	simm.s32 $_scs_section_size  }
0x9a: {  	s5 =	simm.s32 $_size__tile_overlayer_lowered;
	s6 =	simm.s32 $_tile_overlayer_lowered  }
0x9b: {  	s22 =	simm.s32 $0x1BFF;
	s21 =	sshll.u32 s6, $0x1;
	s3 =	sadd.s32 s4, s19  }
0x9c: {  	s7 =	simm.s32 $0x0;
	s20 =	sshll.u32 s5, $0x1;
	s5 =	sadd.s32 s21, s3  }
0x9d: {  	[timem:s7], [sflag:s22] =	dma.local [hbm:s5], s20  }
0x9e: {  	_ =	swait.ge [sflag:s22], s20  }
0x9f: {  	s4 =	ssub.s32 $0x0, s20;
	[sflag:s22] =	ssyncset.done $0x0  }
0xa0: {  	[sflag:s22] =	ssyncadd.s32 s4;
	_ =	sdelay $0x1  }
0xa1: {  	s23 =	simm.s32 $0x1B8B  }
0xa2: {  	_ =	swait.ge [sflag:s23], $0x1  }
0xa3: {  	[sflag:s23] =	ssyncset.done $0x0  }
0xa4: {  	s25 =	simm.s32 $0x1B8E;
	s24 =	sld [smem:$0x3FFE];
	[sflag:s23] =	ssyncadd.s32 $0xFFFFFFFF  }
0xa5: {  	s26 =	simm.s32 $execute0_lowered;
	[smem:$0x3FD2] =	sst s25  }
0xa6: {  	s5 =	sshll.u32 s26, $0x1;
	_ =	strace $0x80000049;
	[dreg:$0x1] =	wrdreg $0xFFFFFFFF  }
0xa7: {  	s28 =	simm.s32 $_size_execute0_lowered;
	s3 =	sadd.s32 s3, s5;
	[dreg:$0x0] =	wrdreg $0x0  }
0xa8: {  	s5 =	sshll.u32 s28, $0x1;
	[dreg:$0x2] =	wrdreg s3  }
0xa9: {  	[dreg:$0x3] =	wrdreg s5  }
0xaa: {  	[dreg:$0x4] =	wrdreg $0xC0  }
0xab: {  	_ =	task [dreg:s7], $0x5FFFF  }
0xac: {  	[dreg:$0x1] =	wrdreg $0xFFFFFFFF  }
0xad: {  	[dreg:$0x0] =	wrdreg $0x60  }
0xae: {  	[dreg:$0x2] =	wrdreg s24  }
0xaf: {  	[dreg:$0x3] =	wrdreg s2  }
0xb0: {  	[dreg:$0x4] =	wrdreg $0x6F000  }
0xb1: {  	[dreg:$0x5] =	wrdreg $0x96800  }
0xb2: {  	[dreg:$0x6] =	wrdreg $0x9  }
0xb3: {  	_ =	task.clear_ibuf [dreg:s7], $0x7FFFF;
	_ =	strace $0x90000049  }
0xb4: {  	s29 =	simm.s32 $0x9;
	_ =	strace $0x8000004B  }
0xb5: {  	_ =	swait.ge [sflag:s29], $0x1  }
0xb6: {  	[sflag:s29] =	ssyncadd.s32 $0xFFFFFFFF  }
0xb7: {  	_ =	strace $0x9000004B  }
0xb8: {  	_ =	sfence  }
0xb9: {  	s30 =	sld [smem:$0x0];
	_ =	sdelay $0x2  }
0xba: {  	s31 =	sshll.u32 s1, $0xD;
	s1 =	sshrl.u32 s1, $0x2  }
0xbb: {  	s3 =	sand.u32 $0x4000, s31;
	s1 =	sadd.s32 s1, s30  }
0xbc: {  	s0 =	sor.u32 s3, s0;
	s1 =	sshll.u32 s1, $0x11  }
0xbd: {  	s0 =	sor.u32 s1, s0  }
0xbe: {  	s0 =	sadd.s32 $0x8F2B, s0  }
0xbf: {  	[sflag:s0] =	ssyncadd.remote.s32 $0x1  }
0xc0: {  	_ =	sfence.sel $0xFFFF  }
0xc1: {  	[dreg:$0x0] =	wrdreg $0xFFFFFFFF;
	(pc) =	sbr.abs _section_cstart, $3  }
0xc2: {  	[dreg:$0x1] =	wrdreg $0xFFFFFFFF  }
0xc3: {  	_ =	task.clear_ibuf [dreg:s7], $0x2FFFF;
	_ =	strace $0x9FFFFFFF  }
0xc4: {  	(tm) =	ssettm $0x7FFFFFFF  }
0xc5: {  	_ =	shalt  }
tec
execute0_lowered:
.L_overlay_start_1:
0x0: {  	(tag) =	ssettag $0x1  }
0x1: {  	s0 =	rddreg [dreg:$0x0]  }
0x2: {  	s1 =	rddreg [dreg:$0x1]  }
0x3: {  	s2 =	rddreg [dreg:$0x2]  }
0x4: {  	s3 =	rddreg [dreg:$0x3]  }
0x5: {  	s12 =	stileid.u32;
	s4 =	srdreg.scid;
	s16 =	simm.s32 $0x80  }
0x6: {  	s17 =	simm.s32 $0x4F00;
	s18 =	simm.s32 $0x5700;
	s19 =	simm.s32 $0x1  }
0x7: {  	s21 =	simm.s32 $0x5F00;
	s28 =	simm.s32 $0x3;
	s29 =	simm.s32 $0x6  }
0x8: {  	s30 =	simm.s32 $0x4;
	s31 =	simm.s32 $0x7;
	s9 =	smul.u32 $0x2780, s12  }
0x9: {  	s5 =	sand.u32 $0x1, s4;
	s6 =	sshll.u32 s12, $0x1;
	s4 =	simm.s32 $0x0  }
0xa: {  	s26 =	sshll.u32 s12, $0x6;
	s12 =	simm.s32 $0x2780;
	s6 =	sor.u32 s5, s6  }
0xb: {  	s7 =	smul.u32 $0x27800, s5;
	[smem:$0x7FF] =	sst s4;
	s11 =	ssub.s32 $0x2, s5  }
0xc: {  	s5 =	sadd.s32 $0x1800, s0;
	s13 =	sor.u32 $0x1C09, s26;
	s26 =	simm.s32 $0x5  }
0xd: {  	s8 =	sshrl.u32 s9, $0x3;
	s10 =	smul.u32 $0x4F0, s6;
	_ =	strace $0x8000004A  }
0xe: {  	s24 =	sshrl.u32 s11, $0x1;
	s25 =	sadd.s32 s9, s2;
	s15 =	sadd.s32 s9, s3  }
0xf: {  	s8 =	sadd.s32 s8, s0;
	s22 =	sadd.s32 s9, s7;
	s11 =	ssub.s32 s11, s24  }
0x10: {  	s14 =	sshrl.u32 s25, $0x3;
	s15 =	sshrl.u32 s15, $0x3;
	s25 =	simm.s32 $0x6700  }
0x11: {  	s23 =	sadd.s32 s10, s0;
	s6 =	sshrl.u32 s22, $0x3;
	s7 =	sadd.s32 s1, s10  }
0x12: {  	s8 =	sadd.s32 $0x1E00, s8;
	s10 =	smax.u32 s11, $0x1;
	s11 =	simm.s32 $0x9  }
0x13: {  	s22 =	simm.s32 $0x2;
	s1 =	simm.s32 $0x0;
	s0 =	sadd.s32 s6, s0  }
0x14: {  	s6 =	sadd.s32 $0xBC00, s23;
	s9 =	sadd.s32 $0x15A00, s0;
	s0 =	simm.s32 $0x8  }
.LBB2_1:
0x15: {  	[tilespmem:s4], [sflag:$0x9] =	stream.linear.gather [hbm4b:s6+s4], $0x2780, $0x38;
	[tilespmem:$0xBE00] =	vst v63  }
0x16: {  	_ =	swait.ge [sflag:s11], $0x2780  }
0x17: {  	[sflag:s11] =	ssyncset.done $0x0  }
0x18: {  	[sflag:s11] =	ssyncadd.s32 $0xFFFFD880  }
0x19: {  	[tilespmem:s12], [sflag:$0x9] =	stream.linear.gather [hbm4b:s7+s4], $0x2780, $0x38;
	[tilespmem:$0xBE00] =	vst v63  }
0x1a: {  	_ =	swait.ge [sflag:s11], $0x2780  }
0x1b: {  	[sflag:s11] =	ssyncset.done $0x0  }
0x1c: {  	[sflag:s11] =	ssyncadd.s32 $0xFFFFD880  }
0x1d: {  	[spmem:s14], [sflag:s13] =	dma.local [hbm:s8], $0x4F0  }
0x1e: {  	_ =	swait.ge [sflag:s11], $0x4F0  }
0x1f: {  	[sflag:s11] =	ssyncset.done $0x0  }
0x20: {  	[sflag:s11] =	ssyncadd.s32 $0xFFFFFB10  }
0x21: {  	[spmem:s15], [sflag:s13] =	dma.local [hbm:s5], $0x4F0  }
0x22: {  	_ =	swait.ge [sflag:s11], $0x4F0  }
0x23: {  	[sflag:s11] =	ssyncset.done $0x0  }
0x24: {  	[sflag:s11] =	ssyncadd.s32 $0xFFFFFB10  }
0x25: {  	[bflag:$0x0] =	sbarrier.arrive $0xFFFF  }
0x26: {  	[tilespmem:s17], [sflag:$0x1] =	stream.indirect.gather [spmem:s2], $0x10, s4, s16, $0xb8;
	[tilespmem:$0xBE00] =	vst v63  }
0x27: {  	_ = 	snop  }
0x28: {  	[tilespmem:s18], [sflag:$0x2] =	stream.indirect.gather [spmem:s2], $0x10, s16, s16, $0xb8;
	[tilespmem:$0xBE00] =	vst v63  }
0x29: {  	_ =	swait.ge [sflag:s19], $0x800  }
0x2a: {  	[sflag:s19] =	ssyncset.done $0x0  }
0x2b: {  	[sflag:s19] =	ssyncadd.s32 $0xFFFFF800  }
0x2c: {  	[spmem:s3] =	stream.indirect.scatter.add.f32 [tilespmem:s17], [sflag:$0x5], $0x10, s12, s16, $0xb8;
	[tilespmem:$0xBE00] =	vst v63  }
0x2d: {  	s20 =	simm.s32 $0x100  }
0x2e: {  	[tilespmem:s21], [sflag:$0x3] =	stream.indirect.gather [spmem:s2], $0x10, s20, s16, $0xb8;
	[tilespmem:$0xBE00] =	vst v63  }
0x2f: {  	_ =	swait.ge [sflag:s22], $0x800  }
0x30: {  	[sflag:s22] =	ssyncset.done $0x0  }
0x31: {  	s24 =	simm.s32 $0x2800;
	[sflag:s22] =	ssyncadd.s32 $0xFFFFF800  }
0x32: {  	[spmem:s3] =	stream.indirect.scatter.add.f32 [tilespmem:s18], [sflag:$0x6], $0x10, s24, s16, $0xb8;
	[tilespmem:$0xBE00] =	vst v63  }
0x33: {  	s23 =	simm.s32 $0x180  }
0x34: {  	[tilespmem:s25], [sflag:$0x4] =	stream.indirect.gather [spmem:s2], $0x10, s23, s16, $0xb8;
	[tilespmem:$0xBE00] =	vst v63  }
0x35: {  	_ =	swait.ge [sflag:s26], $0x800  }
0x36: {  	[sflag:s26] =	ssyncset.done $0x0  }
0x37: {  	s24 =	simm.s32 $0x200;
	[sflag:s26] =	ssyncadd.s32 $0xFFFFF800  }
0x38: {  	[tilespmem:s17], [sflag:$0x1] =	stream.indirect.gather [spmem:s2], $0x10, s24, s16, $0xb8;
	[tilespmem:$0xBE00] =	vst v63  }
0x39: {  	_ =	swait.ge [sflag:s28], $0x800  }
0x3a: {  	[sflag:s28] =	ssyncset.done $0x0  }
0x3b: {  	s23 =	simm.s32 $0x2880;
	[sflag:s28] =	ssyncadd.s32 $0xFFFFF800  }
0x3c: {  	[spmem:s3] =	stream.indirect.scatter.add.f32 [tilespmem:s21], [sflag:$0x7], $0x10, s23, s16, $0xb8;
	[tilespmem:$0xBE00] =	vst v63  }
0x3d: {  	_ =	swait.ge [sflag:s29], $0x800  }
0x3e: {  	[sflag:s29] =	ssyncset.done $0x0  }
0x3f: {  	s24 =	simm.s32 $0x280;
	[sflag:s29] =	ssyncadd.s32 $0xFFFFF800  }
0x40: {  	[tilespmem:s18], [sflag:$0x2] =	stream.indirect.gather [spmem:s2], $0x10, s24, s16, $0xb8;
	[tilespmem:$0xBE00] =	vst v63  }
0x41: {  	_ =	swait.ge [sflag:s30], $0x800  }
0x42: {  	[sflag:s30] =	ssyncset.done $0x0  }
0x43: {  	s23 =	simm.s32 $0x2900;
	[sflag:s30] =	ssyncadd.s32 $0xFFFFF800  }
0x44: {  	[spmem:s3] =	stream.indirect.scatter.add.f32 [tilespmem:s25], [sflag:$0x8], $0x10, s23, s16, $0xb8;
	[tilespmem:$0xBE00] =	vst v63  }
0x45: {  	_ =	swait.ge [sflag:s31], $0x800  }
0x46: {  	[sflag:s31] =	ssyncset.done $0x0  }
0x47: {  	s24 =	simm.s32 $0x300;
	[sflag:s31] =	ssyncadd.s32 $0xFFFFF800  }
0x48: {  	[tilespmem:s21], [sflag:$0x3] =	stream.indirect.gather [spmem:s2], $0x10, s24, s16, $0xb8;
	[tilespmem:$0xBE00] =	vst v63  }
0x49: {  	_ =	swait.ge [sflag:s19], $0x800  }
0x4a: {  	[sflag:s19] =	ssyncset.done $0x0  }
0x4b: {  	s23 =	simm.s32 $0x2980;
	[sflag:s19] =	ssyncadd.s32 $0xFFFFF800  }
0x4c: {  	[spmem:s3] =	stream.indirect.scatter.add.f32 [tilespmem:s17], [sflag:$0x5], $0x10, s23, s16, $0xb8;
	[tilespmem:$0xBE00] =	vst v63  }
0x4d: {  	_ =	swait.ge [sflag:s0], $0x800  }
0x4e: {  	[sflag:s0] =	ssyncset.done $0x0  }
0x4f: {  	s24 =	simm.s32 $0x380;
	[sflag:s0] =	ssyncadd.s32 $0xFFFFF800  }
0x50: {  	[tilespmem:s25], [sflag:$0x4] =	stream.indirect.gather [spmem:s2], $0x10, s24, s16, $0xb8;
	[tilespmem:$0xBE00] =	vst v63  }
0x51: {  	_ =	swait.ge [sflag:s22], $0x800  }
0x52: {  	[sflag:s22] =	ssyncset.done $0x0  }
0x53: {  	s20 =	simm.s32 $0x800;
	s23 =	simm.s32 $0x2A00;
	[sflag:s22] =	ssyncadd.s32 $0xFFFFF800  }
.LBB2_2:
0x54: {  	[spmem:s3] =	stream.indirect.scatter.add.f32 [tilespmem:s18], [sflag:$0x6], $0x10, s23, s16, $0xb8;
	[tilespmem:$0xBE00] =	vst v63  }
0x55: {  	s23 =	smov.u32 s20  }
0x56: {  	p0 =	sne.s32 s20, $0x8800;
	s20 =	sadd.s32 $0x800, s20;
	_ =	swait.ge [sflag:s26], $0x800  }
0x57: {  	s23 =	sshra.s32 s23, $0x2;
	[sflag:s26] =	ssyncset.done $0x0  }
0x58: {  	s24 =	sadd.s32 $0x200, s23;
	[sflag:s26] =	ssyncadd.s32 $0xFFFFF800  }
0x59: {  	[tilespmem:s17], [sflag:$0x1] =	stream.indirect.gather [spmem:s2], $0x10, s24, s16, $0xb8;
	[tilespmem:$0xBE00] =	vst v63  }
0x5a: {  	_ =	swait.ge [sflag:s28], $0x800  }
0x5b: {  	[sflag:s28] =	ssyncset.done $0x0  }
0x5c: {  	s24 =	sadd.s32 $0x2880, s23;
	[sflag:s28] =	ssyncadd.s32 $0xFFFFF800  }
0x5d: {  	[spmem:s3] =	stream.indirect.scatter.add.f32 [tilespmem:s21], [sflag:$0x7], $0x10, s24, s16, $0xb8;
	[tilespmem:$0xBE00] =	vst v63  }
0x5e: {  	_ =	swait.ge [sflag:s29], $0x800  }
0x5f: {  	[sflag:s29] =	ssyncset.done $0x0  }
0x60: {  	s24 =	sadd.s32 $0x280, s23;
	[sflag:s29] =	ssyncadd.s32 $0xFFFFF800  }
0x61: {  	[tilespmem:s18], [sflag:$0x2] =	stream.indirect.gather [spmem:s2], $0x10, s24, s16, $0xb8;
	[tilespmem:$0xBE00] =	vst v63  }
0x62: {  	_ =	swait.ge [sflag:s30], $0x800  }
0x63: {  	[sflag:s30] =	ssyncset.done $0x0  }
0x64: {  	s24 =	sadd.s32 $0x2900, s23;
	[sflag:s30] =	ssyncadd.s32 $0xFFFFF800  }
0x65: {  	[spmem:s3] =	stream.indirect.scatter.add.f32 [tilespmem:s25], [sflag:$0x8], $0x10, s24, s16, $0xb8;
	[tilespmem:$0xBE00] =	vst v63  }
0x66: {  	_ =	swait.ge [sflag:s31], $0x800  }
0x67: {  	[sflag:s31] =	ssyncset.done $0x0  }
0x68: {  	s24 =	sadd.s32 $0x300, s23;
	[sflag:s31] =	ssyncadd.s32 $0xFFFFF800  }
0x69: {  	[tilespmem:s21], [sflag:$0x3] =	stream.indirect.gather [spmem:s2], $0x10, s24, s16, $0xb8;
	[tilespmem:$0xBE00] =	vst v63  }
0x6a: {  	_ =	swait.ge [sflag:s19], $0x800  }
0x6b: {  	[sflag:s19] =	ssyncset.done $0x0  }
0x6c: {  	s24 =	sadd.s32 $0x2980, s23;
	[sflag:s19] =	ssyncadd.s32 $0xFFFFF800  }
0x6d: {  	[spmem:s3] =	stream.indirect.scatter.add.f32 [tilespmem:s17], [sflag:$0x5], $0x10, s24, s16, $0xb8;
	[tilespmem:$0xBE00] =	vst v63  }
0x6e: {  	_ =	swait.ge [sflag:s0], $0x800  }
0x6f: {  	[sflag:s0] =	ssyncset.done $0x0  }
.Ltmp0:
0x70: {  	s24 =	sadd.s32 $0x380, s23;
	[sflag:s0] =	ssyncadd.s32 $0xFFFFF800;
	(pc) =	sbr.rel @p0 .LBB2_2-.Ltmp0, $4  }
0x71: {  	[tilespmem:s25], [sflag:$0x4] =	stream.indirect.gather [spmem:s2], $0x10, s24, s16, $0xb8;
	[tilespmem:$0xBE00] =	vst v63  }
0x72: {  	_ =	swait.ge [sflag:s22], $0x800  }
0x73: {  	[sflag:s22] =	ssyncset.done $0x0  }
0x74: {  	s23 =	sadd.s32 $0x2A00, s23;
	[sflag:s22] =	ssyncadd.s32 $0xFFFFF800  }
0x75: {  	[spmem:s3] =	stream.indirect.scatter.add.f32 [tilespmem:s18], [sflag:$0x6], $0x10, s23, s16, $0xb8;
	[tilespmem:$0xBE00] =	vst v63  }
0x76: {  	_ =	swait.ge [sflag:s26], $0x800  }
0x77: {  	[sflag:s26] =	ssyncset.done $0x0  }
0x78: {  	s20 =	simm.s32 $0x2600;
	[sflag:s26] =	ssyncadd.s32 $0xFFFFF800  }
0x79: {  	[tilespmem:s17], [sflag:$0x1] =	stream.indirect.gather [spmem:s2], $0x10, s20, s16, $0xb8;
	[tilespmem:$0xBE00] =	vst v63  }
0x7a: {  	_ =	swait.ge [sflag:s28], $0x800  }
0x7b: {  	[sflag:s28] =	ssyncset.done $0x0  }
0x7c: {  	s24 =	simm.s32 $0x4C80;
	[sflag:s28] =	ssyncadd.s32 $0xFFFFF800  }
0x7d: {  	[spmem:s3] =	stream.indirect.scatter.add.f32 [tilespmem:s21], [sflag:$0x7], $0x10, s24, s16, $0xb8;
	[tilespmem:$0xBE00] =	vst v63  }
0x7e: {  	_ =	swait.ge [sflag:s29], $0x800  }
0x7f: {  	[sflag:s29] =	ssyncset.done $0x0  }
0x80: {  	s23 =	simm.s32 $0x2680;
	[sflag:s29] =	ssyncadd.s32 $0xFFFFF800  }
0x81: {  	[tilespmem:s18], [sflag:$0x2] =	stream.indirect.gather [spmem:s2], $0x10, s23, s16, $0xb8;
	[tilespmem:$0xBE00] =	vst v63  }
0x82: {  	_ =	swait.ge [sflag:s30], $0x800  }
0x83: {  	[sflag:s30] =	ssyncset.done $0x0  }
0x84: {  	s24 =	simm.s32 $0x4D00;
	[sflag:s30] =	ssyncadd.s32 $0xFFFFF800  }
0x85: {  	[spmem:s3] =	stream.indirect.scatter.add.f32 [tilespmem:s25], [sflag:$0x8], $0x10, s24, s16, $0xb8;
	[tilespmem:$0xBE00] =	vst v63  }
0x86: {  	_ =	swait.ge [sflag:s31], $0x800  }
0x87: {  	[sflag:s31] =	ssyncset.done $0x0  }
0x88: {  	s23 =	simm.s32 $0x2700;
	[sflag:s31] =	ssyncadd.s32 $0xFFFFF800  }
0x89: {  	[tilespmem:s21], [sflag:$0x3] =	stream.indirect.gather [spmem:s2], $0x10, s23, s16, $0xb8;
	[tilespmem:$0xBE00] =	vst v63  }
0x8a: {  	_ =	swait.ge [sflag:s19], $0x800  }
0x8b: {  	[sflag:s19] =	ssyncset.done $0x0  }
0x8c: {  	s24 =	simm.s32 $0x4D80;
	[sflag:s19] =	ssyncadd.s32 $0xFFFFF800  }
0x8d: {  	[spmem:s3] =	stream.indirect.scatter.add.f32 [tilespmem:s17], [sflag:$0x5], $0x10, s24, s16, $0xb8;
	[tilespmem:$0xBE00] =	vst v63  }
0x8e: {  	_ =	swait.ge [sflag:s22], $0x800  }
0x8f: {  	[sflag:s22] =	ssyncset.done $0x0  }
0x90: {  	s23 =	simm.s32 $0x4E00;
	[sflag:s22] =	ssyncadd.s32 $0xFFFFF800  }
0x91: {  	[spmem:s3] =	stream.indirect.scatter.add.f32 [tilespmem:s18], [sflag:$0x6], $0x10, s23, s16, $0xb8;
	[tilespmem:$0xBE00] =	vst v63  }
0x92: {  	_ =	swait.ge [sflag:s28], $0x800  }
0x93: {  	[sflag:s28] =	ssyncset.done $0x0  }
0x94: {  	s24 =	simm.s32 $0x4E80;
	[sflag:s28] =	ssyncadd.s32 $0xFFFFF800  }
0x95: {  	[spmem:s3] =	stream.indirect.scatter.add.f32 [tilespmem:s21], [sflag:$0x7], $0x10, s24, s16, $0xb8;
	[tilespmem:$0xBE00] =	vst v63  }
0x96: {  	_ =	swait.ge [sflag:s26], $0x800  }
0x97: {  	[sflag:s26] =	ssyncset.done $0x0  }
0x98: {  	[sflag:s26] =	ssyncadd.s32 $0xFFFFF800  }
0x99: {  	_ =	swait.ge [sflag:s29], $0x800  }
0x9a: {  	[sflag:s29] =	ssyncset.done $0x0  }
0x9b: {  	[sflag:s29] =	ssyncadd.s32 $0xFFFFF800  }
0x9c: {  	_ =	swait.ge [sflag:s31], $0x800  }
0x9d: {  	[sflag:s31] =	ssyncset.done $0x0  }
0x9e: {  	[sflag:s31] =	ssyncadd.s32 $0xFFFFF800  }
0x9f: {  	_ =	swait.ge [sflag:s0], $0x800  }
0xa0: {  	s1 =	sadd.s32 $0x1, s1;
	[sflag:s0] =	ssyncset.done $0x0  }
0xa1: {  	p0 =	sne.s32 s1, s10;
	[sflag:s0] =	ssyncadd.s32 $0xFFFFF800  }
.Ltmp1:
0xa2: {  	[bflag:$0x0] =	sbarrier.arrive $0xFFFF;
	(pc) =	sbr.rel @p0 .LBB2_1-.Ltmp1, $4  }
0xa3: {  	[hbm:s9], [sflag:s13] =	dma.local [spmem:s15], $0x4F0  }
0xa4: {  	_ =	swait.ge [sflag:s11], $0x4F0  }
0xa5: {  	[sflag:s11] =	ssyncset.done $0x0  }
0xa6: {  	[sflag:s11] =	ssyncadd.s32 $0xFFFFFB10  }
0xa7: {  	_ =	sfence.sel $0x180000  }
0xa8: {  	[bflag:$0x0] =	sbarrier.arrive $0xFFFF  }
0xa9: {  	_ =	strace $0x9000004A  }
0xaa: {  	s0 =	stileid.u32;
	[bflag:$0x2] =	sbarrier.arrive $0xFFFF  }
0xab: {  	p0 =	sne.s32 s0, $0x0;
	s0 =	rddreg [dreg:$0x4]  }
0xac: {  	s0 =	sadd.s32 @!p0 $0x100000, s0  }
0xad: {  	[sflag:s0] =	ssyncadd.tile.s32 @!p0 $0x1;
	_ =	shalt  }
.Lfunc_end2:
_tile_overlayer_lowered:
.L_overlay_start_2:
0xae: {  	(tag) =	ssettag $0x2  }
0xaf: {  	s0 =	rddreg [dreg:$0x0];
	s2 =	stileid.u32  }
0xb0: {  	s1 =	rddreg [dreg:$0x1];
	p0 =	sne.s32 s2, $0x0  }
0xb1: {  	s3 =	rddreg [dreg:$0x2];
	[bflag:$0x3] =	sbarrier.arrive $0xFFFF;
	s2 =	simm.s32 @!p0 $0x1C09  }
0xb2: {  	[timem:s3], [sflag:s2] =	dma.local @!p0 [hbm:s0], s1  }
0xb3: {  	s0 =	simm.s32 @!p0 $0x9  }
0xb4: {  	_ =	swait.ge @!p0 [sflag:s0], s1  }
0xb5: {  	s1 =	ssub.s32 @!p0 $0x0, s1;
	[sflag:s0] =	ssyncset.done @!p0 $0x0  }
0xb6: {  	[sflag:s0] =	ssyncadd.s32 @!p0 s1  }
0xb7: {  	[bflag:$0x3] =	sbarrier.arrive $0xFFFF  }
0xb8: {  	_ =	shalt  }

// kernel: kernel.15.cloned.1.call-start
scs
__scs_entry_jumppad:
0x0: {  	(pc) =	sbr.rel $0x88, $3  }
0x1: {  	(tag) =	ssettag $0x0;
	lr =	simm.s32 $0x1  }
0x2: {  	[smem:$0x3F9B] =	sst lr;
	_ =	strace $0xD0000000  }
0x3: {  	_ = 	snop  }
0x4: {  	_ = 	snop  }
0x5: {  	_ = 	snop  }
0x6: {  	_ = 	snop  }
0x7: {  	_ = 	snop  }
__scs_overlays_trampoline_lowered:
0x8: {  	[smem:$0x3FAA] =	sst s0  }
0x9: {  	[smem:$0x3FAB] =	sst s1  }
0xa: {  	[smem:$0x3FAC] =	sst s2  }
0xb: {  	[smem:$0x3FAD] =	sst s3  }
0xc: {  	[smem:$0x3FAE] =	sst s4  }
0xd: {  	[smem:$0x3FAF] =	sst s5  }
0xe: {  	[smem:$0x3FB0] =	sst s6  }
0xf: {  	[smem:$0x3FB1] =	sst s7  }
0x10: {  	[smem:$0x3FB2] =	sst s8  }
0x11: {  	[smem:$0x3FB3] =	sst s9;
	s0 =	simm.s32 @!p0 $0x0  }
0x12: {  	s1 =	sld [smem:$0x3F99];
	s0 =	simm.s32 @p0 $0x1  }
0x13: {  	[smem:$0x3FB4] =	sst s0;
	s0 =	simm.s32 @!p1 $0x0  }
0x14: {  	s2 =	sld [smem:$0x3F98];
	s0 =	simm.s32 @p1 $0x1  }
0x15: {  	[smem:$0x3FB5] =	sst s0;
	s0 =	simm.s32 @!p2 $0x0  }
0x16: {  	s3 =	sld [smem:$0x3FDB];
	s0 =	simm.s32 @p2 $0x1  }
0x17: {  	s4 =	simm.s32 $0x1BF5;
	[smem:$0x3FB7] =	sst s0  }
0x18: {  	s0 =	sld [smem:$0x3F9A];
	_ =	swait.ge [sflag:s4], $0x0  }
0x19: {  	s7 =	sld [smem:$0x3F9B]  }
0x1a: {  	s8 =	sadd.s32 $0xFFFFE003, lr  }
0x1b: {  	s9 =	sadd.s32 $0xFFFFFEF7, lr;
	s5 =	simm.s32 $0xFFFFFFFF;
	p2 =	slt.u32 s8, $0xFFFFF086  }
0x1c: {  	p1 =	slt.u32 s9, $0xF7A;
	s5 =	simm.s32 @!p2 $0x0  }
0x1d: {  	s5 =	simm.s32 @p1 $0x1;
	p0 =	seq.s32 s7, s2  }
0x1e: {  	s7 =	smul.u32 @!p0 $0xF7A, s2;
	p2 =	seq.s32 @!p0 s5, $0x0  }
0x1f: {  	s9 =	smul.u32 $0xF7A, s1;
	s8 =	simm.s32 @!p0 $0x1BF5;
	p2 =	por !p2, p0  }
0x20: {  	[sflag:s8] =	ssyncset.s32 @!p0 $0xFFFFF086;
	s6 =	sadd.s32 @!p0 s3, s7;
	s7 =	simm.s32 @!p0 $0x108  }
0x21: {  	s3 =	sadd.s32 s3, s9;
	s6 =	sadd.s32 @!p0 $0x88, s6;
	s7 =	simm.s32 @p2 $0x1082  }
0x22: {  	[simem:s7], [sflag:s8] =	dma.local @!p0 [hbm:s6], $0xF7A  }
0x23: {  	s9 =	sor.u32 $0xD0000000, s2;
	s6 =	simm.s32 $0x108;
	_ =	swait.ge @!p0 [sflag:s8], $0x0  }
0x24: {  	s3 =	sadd.s32 $0x88, s3;
	s6 =	simm.s32 @!p1 $0x1082;
	[sflag:s4] =	ssyncset.s32 $0xFFFFF086  }
0x25: {  	[simem:s6], [sflag:s4] =	dma.local [hbm:s3], $0xF7A  }
0x26: {  	[smem:$0x3F9B] =	sst s1;
	(tag) =	ssettag s2;
	_ =	strace s9  }
0x27: {  	s1 =	sld [smem:$0x3FAB]  }
0x28: {  	s2 =	sld [smem:$0x3FAC]  }
0x29: {  	s4 =	sld [smem:$0x3FAE]  }
0x2a: {  	p0 =	seq.s32 s5, $0x0;
	s5 =	sld [smem:$0x3FAF]  }
0x2b: {  	s6 =	sld [smem:$0x3FB0]  }
0x2c: {  	s7 =	sld [smem:$0x3FB1]  }
0x2d: {  	s3 =	simm.s32 $0x108;
	s8 =	sld [smem:$0x3FB2]  }
0x2e: {  	s3 =	simm.s32 @!p0 $0x1082;
	s9 =	sld [smem:$0x3FB3]  }
0x2f: {  	lr =	sadd.s32 s0, s3;
	s0 =	sld [smem:$0x3FAA]  }
0x30: {  	s3 =	sld [smem:$0x3FAD]  }
0x31: {  	[smem:$0x3FB6] =	sst s10  }
0x32: {  	s10 =	sld [smem:$0x3FB4];
	_ =	sdelay $0x3  }
0x33: {  	p0 =	seq.s32 s10, $0x1;
	s10 =	sld [smem:$0x3FB6];
	_ =	sdelay $0x3  }
0x34: {  	[smem:$0x3FB6] =	sst s10  }
0x35: {  	s10 =	sld [smem:$0x3FB5];
	_ =	sdelay $0x3  }
0x36: {  	p1 =	seq.s32 s10, $0x1;
	s10 =	sld [smem:$0x3FB6];
	_ =	sdelay $0x3  }
0x37: {  	[smem:$0x3FB6] =	sst s10  }
0x38: {  	s10 =	sld [smem:$0x3FB7]  }
0x39: {  	_ = 	snop;
	(pc) =	sbr.ind lr, $3  }
0x3a: {  	_ = 	snop  }
0x3b: {  	_ = 	snop  }
0x3c: {  	p2 =	seq.s32 s10, $0x1;
	s10 =	sld [smem:$0x3FB6]  }
0x3d: {  	_ =	shalt  }
0x3e: {  	_ =	shalt  }
0x3f: {  	_ =	shalt  }
0x40: {  	_ =	shalt  }
0x41: {  	_ =	shalt  }
0x42: {  	_ =	shalt  }
0x43: {  	_ =	shalt  }
0x44: {  	_ =	shalt  }
0x45: {  	_ =	shalt  }
0x46: {  	_ =	shalt  }
0x47: {  	_ =	shalt  }
0x48: {  	_ =	shalt  }
0x49: {  	_ =	shalt  }
0x4a: {  	_ =	shalt  }
0x4b: {  	_ =	shalt  }
0x4c: {  	_ =	shalt  }
0x4d: {  	_ =	shalt  }
0x4e: {  	_ =	shalt  }
0x4f: {  	_ =	shalt  }
0x50: {  	_ =	shalt  }
0x51: {  	_ =	shalt  }
0x52: {  	_ =	shalt  }
0x53: {  	_ =	shalt  }
0x54: {  	_ =	shalt  }
0x55: {  	_ =	shalt  }
0x56: {  	_ =	shalt  }
0x57: {  	_ =	shalt  }
0x58: {  	_ =	shalt  }
0x59: {  	_ =	shalt  }
0x5a: {  	_ =	shalt  }
0x5b: {  	_ =	shalt  }
0x5c: {  	_ =	shalt  }
0x5d: {  	_ =	shalt  }
0x5e: {  	_ =	shalt  }
0x5f: {  	_ =	shalt  }
0x60: {  	_ =	shalt  }
0x61: {  	_ =	shalt  }
0x62: {  	_ =	shalt  }
0x63: {  	_ =	shalt  }
0x64: {  	_ =	shalt  }
0x65: {  	_ =	shalt  }
0x66: {  	_ =	shalt  }
0x67: {  	_ =	shalt  }
0x68: {  	_ =	shalt  }
0x69: {  	_ =	shalt  }
0x6a: {  	_ =	shalt  }
0x6b: {  	_ =	shalt  }
0x6c: {  	_ =	shalt  }
0x6d: {  	_ =	shalt  }
0x6e: {  	_ =	shalt  }
0x6f: {  	_ =	shalt  }
0x70: {  	_ =	shalt  }
0x71: {  	_ =	shalt  }
0x72: {  	_ =	shalt  }
0x73: {  	_ =	shalt  }
0x74: {  	_ =	shalt  }
0x75: {  	_ =	shalt  }
0x76: {  	_ =	shalt  }
0x77: {  	_ =	shalt  }
0x78: {  	_ =	shalt  }
0x79: {  	_ =	shalt  }
0x7a: {  	_ =	shalt  }
0x7b: {  	_ =	shalt  }
0x7c: {  	_ =	shalt  }
0x7d: {  	_ =	shalt  }
0x7e: {  	_ =	shalt  }
0x7f: {  	_ =	shalt  }
0x80: {  	_ =	shalt  }
0x81: {  	_ =	shalt  }
0x82: {  	_ =	shalt  }
0x83: {  	_ =	shalt  }
0x84: {  	_ =	shalt  }
0x85: {  	_ =	shalt  }
0x86: {  	_ =	shalt  }
0x87: {  	_ =	shalt  }
.Lfunc_end0:
.L_simem_size_0:
called_computation.2_lowered:
.L_overlay_start_0:
0x88: {  	s2 =	sld [smem:$0x3FD9]  }
0x89: {  	s3 =	sld [smem:$0x3FFE];
	_ =	sdelay $0x1  }
0x8a: {  	s1 =	srdreg.scid  }
0x8b: {  	s0 =	sand.u32 $0x1, s1  }
0x8c: {  	s17 =	sshll.u32 s0, $0xA;
	s2 =	sadd.s32 s3, s2  }
0x8d: {  	s2 =	sadd.s32 s2, s17  }
0x8e: {  	[smem:$0x3FC2] =	sst s2  }
0x8f: {  	_ = 	snop  }
0x90: {  	s2 =	sld [smem:$0x3FD0];
	(tm) =	ssettm $0x1  }
0x91: {  	s18 =	sld [smem:$0x3FFB];
	_ =	sdelay $0x3  }
0x92: {  	_ =	strace s18  }
0x93: {  	s3 =	sld [smem:$0x3FFC];
	_ =	sdelay $0x3  }
0x94: {  	_ =	strace s3  }
0x95: {  	s3 =	sld [smem:$0x3FFD];
	_ =	sdelay $0x3  }
0x96: {  	_ =	strace s3  }
0x97: {  	_ =	strace $0x8FFFFFFF  }
0x98: {  	s19 =	sld [smem:$0x3FDB];
	_ =	sdelay $0x1  }
0x99: {  	s4 =	simm.s32 $_scs_section_size  }
0x9a: {  	s5 =	simm.s32 $_size__tile_overlayer_lowered;
	s6 =	simm.s32 $_tile_overlayer_lowered  }
0x9b: {  	s22 =	simm.s32 $0x1BFF;
	s21 =	sshll.u32 s6, $0x1;
	s3 =	sadd.s32 s4, s19  }
0x9c: {  	s7 =	simm.s32 $0x0;
	s20 =	sshll.u32 s5, $0x1;
	s5 =	sadd.s32 s21, s3  }
0x9d: {  	[timem:s7], [sflag:s22] =	dma.local [hbm:s5], s20  }
0x9e: {  	_ =	swait.ge [sflag:s22], s20  }
0x9f: {  	s4 =	ssub.s32 $0x0, s20;
	[sflag:s22] =	ssyncset.done $0x0  }
0xa0: {  	[sflag:s22] =	ssyncadd.s32 s4;
	_ =	sdelay $0x1  }
0xa1: {  	s23 =	simm.s32 $0x1B8B  }
0xa2: {  	_ =	swait.ge [sflag:s23], $0x1  }
0xa3: {  	[sflag:s23] =	ssyncset.done $0x0  }
0xa4: {  	s25 =	simm.s32 $0x1B8E;
	s24 =	sld [smem:$0x3FFE];
	[sflag:s23] =	ssyncadd.s32 $0xFFFFFFFF  }
0xa5: {  	s26 =	simm.s32 $execute0_lowered;
	[smem:$0x3FD2] =	sst s25  }
0xa6: {  	s5 =	sshll.u32 s26, $0x1;
	_ =	strace $0x8000004C;
	[dreg:$0x1] =	wrdreg $0xFFFFFFFF  }
0xa7: {  	s28 =	simm.s32 $_size_execute0_lowered;
	s3 =	sadd.s32 s3, s5;
	[dreg:$0x0] =	wrdreg $0x0  }
0xa8: {  	s5 =	sshll.u32 s28, $0x1;
	[dreg:$0x2] =	wrdreg s3  }
0xa9: {  	[dreg:$0x3] =	wrdreg s5  }
0xaa: {  	[dreg:$0x4] =	wrdreg $0xC0  }
0xab: {  	_ =	task [dreg:s7], $0x5FFFF  }
0xac: {  	[dreg:$0x1] =	wrdreg $0xFFFFFFFF  }
0xad: {  	[dreg:$0x0] =	wrdreg $0x60  }
0xae: {  	[dreg:$0x2] =	wrdreg s24  }
0xaf: {  	[dreg:$0x3] =	wrdreg s2  }
0xb0: {  	[dreg:$0x4] =	wrdreg $0x6F000  }
0xb1: {  	[dreg:$0x5] =	wrdreg $0x96800  }
0xb2: {  	[dreg:$0x6] =	wrdreg $0x9  }
0xb3: {  	_ =	task.clear_ibuf [dreg:s7], $0x7FFFF;
	_ =	strace $0x9000004C  }
0xb4: {  	s29 =	simm.s32 $0x9;
	_ =	strace $0x8000004E  }
0xb5: {  	_ =	swait.ge [sflag:s29], $0x1  }
0xb6: {  	[sflag:s29] =	ssyncadd.s32 $0xFFFFFFFF  }
0xb7: {  	_ =	strace $0x9000004E  }
0xb8: {  	_ =	sfence  }
0xb9: {  	s30 =	sld [smem:$0x0];
	_ =	sdelay $0x2  }
0xba: {  	s31 =	sshll.u32 s1, $0xD;
	s1 =	sshrl.u32 s1, $0x2  }
0xbb: {  	s3 =	sand.u32 $0x4000, s31;
	s1 =	sadd.s32 s1, s30  }
0xbc: {  	s0 =	sor.u32 s3, s0;
	s1 =	sshll.u32 s1, $0x11  }
0xbd: {  	s0 =	sor.u32 s1, s0  }
0xbe: {  	s0 =	sadd.s32 $0x8F2B, s0  }
0xbf: {  	[sflag:s0] =	ssyncadd.remote.s32 $0x1  }
0xc0: {  	_ =	sfence.sel $0xFFFF  }
0xc1: {  	[dreg:$0x0] =	wrdreg $0xFFFFFFFF;
	(pc) =	sbr.abs _section_cstart, $3  }
0xc2: {  	[dreg:$0x1] =	wrdreg $0xFFFFFFFF  }
0xc3: {  	_ =	task.clear_ibuf [dreg:s7], $0x2FFFF;
	_ =	strace $0x9FFFFFFF  }
0xc4: {  	(tm) =	ssettm $0x7FFFFFFF  }
0xc5: {  	_ =	shalt  }
tec
execute0_lowered:
.L_overlay_start_1:
0x0: {  	(tag) =	ssettag $0x1  }
0x1: {  	s0 =	rddreg [dreg:$0x0]  }
0x2: {  	s1 =	rddreg [dreg:$0x1]  }
0x3: {  	s2 =	rddreg [dreg:$0x2];
	s4 =	srdreg.scid  }
0x4: {  	s12 =	stileid.u32;
	s3 =	rddreg [dreg:$0x3];
	s6 =	simm.s32 $0x0  }
0x5: {  	s16 =	simm.s32 $0x9;
	s17 =	simm.s32 $0x2780;
	s30 =	simm.s32 $0x6700  }
0x6: {  	s31 =	simm.s32 $0x5;
	s13 =	simm.s32 $0x2700;
	s14 =	simm.s32 $0x4D80  }
0x7: {  	s15 =	simm.s32 $0x4E00;
	s4 =	sand.u32 $0x1, s4;
	s5 =	sshll.u32 s12, $0x1  }
0x8: {  	[smem:$0x7FF] =	sst s6;
	s7 =	sadd.s32 $0x8C200, s0;
	s10 =	smul.u32 $0x2780, s12  }
0x9: {  	s29 =	sshll.u32 s12, $0x6;
	s12 =	simm.s32 $0x4D00;
	s5 =	sor.u32 s4, s5  }
0xa: {  	_ =	strace $0x8000004D;
	s9 =	ssub.s32 $0x2, s4;
	s4 =	smul.u32 $0x76800, s4  }
0xb: {  	s18 =	smul.u32 $0x4F0, s5;
	s5 =	sadd.s32 $0x1800, s0;
	s11 =	sshrl.u32 s9, $0x1  }
0xc: {  	s19 =	sshrl.u32 s10, $0x3;
	s21 =	sadd.s32 s10, s2;
	s23 =	sadd.s32 s10, s3  }
0xd: {  	s24 =	sadd.s32 $0x27800, s10;
	s9 =	ssub.s32 s9, s11;
	s20 =	sadd.s32 s10, s4  }
0xe: {  	[dreg:$0x8] =	wrdreg s23;
	s25 =	sshrl.u32 s24, $0x3;
	s10 =	sadd.s32 $0x4F000, s10  }
0xf: {  	s23 =	simm.s32 $0x1;
	s11 =	simm.s32 $0x2680;
	s8 =	sadd.s32 s18, s0  }
0x10: {  	s0 =	sadd.s32 $0x9B000, s0;
	s1 =	sadd.s32 s1, s18;
	s22 =	sshrl.u32 s20, $0x3  }
0x11: {  	s6 =	sadd.s32 s7, s25;
	s26 =	sshrl.u32 s10, $0x3;
	s28 =	smax.u32 s9, $0x1  }
0x12: {  	s18 =	sor.u32 $0x1C09, s29;
	s20 =	simm.s32 $0x80;
	[dreg:$0x6] =	wrdreg s1  }
0x13: {  	s25 =	simm.s32 $0x5F00;
	s8 =	sadd.s32 $0xBC00, s8;
	[dreg:$0xa] =	wrdreg s6  }
0x14: {  	s1 =	sadd.s32 s7, s19;
	[dreg:$0xe] =	wrdreg s28;
	s19 =	sshrl.u32 s21, $0x3  }
0x15: {  	s21 =	simm.s32 $0x4F00;
	s6 =	simm.s32 $0x4;
	[dreg:$0x5] =	wrdreg s8  }
0x16: {  	[dreg:$0x7] =	wrdreg s1;
	s1 =	sadd.s32 s0, s22;
	s22 =	simm.s32 $0x5700  }
0x17: {  	[dreg:$0x9] =	wrdreg s1;
	s1 =	sadd.s32 s4, s24;
	s4 =	sadd.s32 s4, s10  }
0x18: {  	s8 =	simm.s32 $0x8;
	s1 =	sshrl.u32 s1, $0x3;
	s4 =	sshrl.u32 s4, $0x3  }
0x19: {  	s24 =	simm.s32 $0x0;
	s1 =	sadd.s32 s0, s1;
	s0 =	sadd.s32 s0, s4  }
0x1a: {  	s4 =	simm.s32 $0x4E80;
	[dreg:$0xb] =	wrdreg s1;
	s1 =	sadd.s32 s7, s26  }
0x1b: {  	[dreg:$0xd] =	wrdreg s0;
	s26 =	simm.s32 $0x2;
	s0 =	simm.s32 $0x6  }
0x1c: {  	s7 =	simm.s32 $0x7;
	[dreg:$0xc] =	wrdreg s1;
	s1 =	simm.s32 $0x3  }
.LBB2_1:
0x1d: {  	s9 =	simm.s32 $0x0;
	s10 =	rddreg [dreg:$0x5]  }
0x1e: {  	[tilespmem:s9], [sflag:$0x9] =	stream.linear.gather [hbm4b:s10+s9], $0x2780, $0x38;
	[tilespmem:$0xBE00] =	vst v63  }
0x1f: {  	_ =	swait.ge [sflag:s16], $0x2780  }
0x20: {  	[sflag:s16] =	ssyncset.done $0x0  }
0x21: {  	s10 =	rddreg [dreg:$0x6];
	[sflag:s16] =	ssyncadd.s32 $0xFFFFD880  }
0x22: {  	[tilespmem:s17], [sflag:$0x9] =	stream.linear.gather [hbm4b:s10+s9], $0x2780, $0x38;
	[tilespmem:$0xBE00] =	vst v63  }
0x23: {  	_ =	swait.ge [sflag:s16], $0x2780  }
0x24: {  	[sflag:s16] =	ssyncset.done $0x0  }
0x25: {  	s10 =	rddreg [dreg:$0x7];
	[sflag:s16] =	ssyncadd.s32 $0xFFFFD880  }
0x26: {  	[spmem:s19], [sflag:s18] =	dma.local [hbm:s10], $0x4F0  }
0x27: {  	_ =	swait.ge [sflag:s16], $0x4F0  }
0x28: {  	[sflag:s16] =	ssyncset.done $0x0;
	s10 =	rddreg [dreg:$0x8]  }
0x29: {  	[sflag:s16] =	ssyncadd.s32 $0xFFFFFB10;
	s28 =	sshrl.u32 s10, $0x3  }
0x2a: {  	[spmem:s28], [sflag:s18] =	dma.local [hbm:s5], $0x4F0  }
0x2b: {  	_ =	swait.ge [sflag:s16], $0x4F0  }
0x2c: {  	[sflag:s16] =	ssyncset.done $0x0  }
0x2d: {  	[sflag:s16] =	ssyncadd.s32 $0xFFFFFB10  }
0x2e: {  	[bflag:$0x0] =	sbarrier.arrive $0xFFFF  }
0x2f: {  	[tilespmem:s21], [sflag:$0x1] =	stream.indirect.gather [spmem:s2], $0x10, s9, s20, $0xb8;
	[tilespmem:$0xBE00] =	vst v63  }
0x30: {  	_ = 	snop  }
0x31: {  	[tilespmem:s22], [sflag:$0x2] =	stream.indirect.gather [spmem:s2], $0x10, s20, s20, $0xb8;
	[tilespmem:$0xBE00] =	vst v63  }
0x32: {  	_ =	swait.ge [sflag:s23], $0x800  }
0x33: {  	[sflag:s23] =	ssyncset.done $0x0  }
0x34: {  	[sflag:s23] =	ssyncadd.s32 $0xFFFFF800  }
0x35: {  	[spmem:s3] =	stream.indirect.scatter.add.f32 [tilespmem:s21], [sflag:$0x5], $0x10, s17, s20, $0xb8;
	[tilespmem:$0xBE00] =	vst v63  }
0x36: {  	s10 =	simm.s32 $0x100  }
0x37: {  	[tilespmem:s25], [sflag:$0x3] =	stream.indirect.gather [spmem:s2], $0x10, s10, s20, $0xb8;
	[tilespmem:$0xBE00] =	vst v63  }
0x38: {  	_ =	swait.ge [sflag:s26], $0x800  }
0x39: {  	[sflag:s26] =	ssyncset.done $0x0  }
0x3a: {  	s10 =	simm.s32 $0x2800;
	[sflag:s26] =	ssyncadd.s32 $0xFFFFF800  }
0x3b: {  	[spmem:s3] =	stream.indirect.scatter.add.f32 [tilespmem:s22], [sflag:$0x6], $0x10, s10, s20, $0xb8;
	[tilespmem:$0xBE00] =	vst v63  }
0x3c: {  	s10 =	simm.s32 $0x180  }
0x3d: {  	[tilespmem:s30], [sflag:$0x4] =	stream.indirect.gather [spmem:s2], $0x10, s10, s20, $0xb8;
	[tilespmem:$0xBE00] =	vst v63  }
0x3e: {  	_ =	swait.ge [sflag:s31], $0x800  }
0x3f: {  	[sflag:s31] =	ssyncset.done $0x0  }
0x40: {  	s10 =	simm.s32 $0x200;
	[sflag:s31] =	ssyncadd.s32 $0xFFFFF800  }
0x41: {  	[tilespmem:s21], [sflag:$0x1] =	stream.indirect.gather [spmem:s2], $0x10, s10, s20, $0xb8;
	[tilespmem:$0xBE00] =	vst v63  }
0x42: {  	_ =	swait.ge [sflag:s1], $0x800  }
0x43: {  	[sflag:s1] =	ssyncset.done $0x0  }
0x44: {  	s10 =	simm.s32 $0x2880;
	[sflag:s1] =	ssyncadd.s32 $0xFFFFF800  }
0x45: {  	[spmem:s3] =	stream.indirect.scatter.add.f32 [tilespmem:s25], [sflag:$0x7], $0x10, s10, s20, $0xb8;
	[tilespmem:$0xBE00] =	vst v63  }
0x46: {  	_ =	swait.ge [sflag:s0], $0x800  }
0x47: {  	[sflag:s0] =	ssyncset.done $0x0  }
0x48: {  	s10 =	simm.s32 $0x280;
	[sflag:s0] =	ssyncadd.s32 $0xFFFFF800  }
0x49: {  	[tilespmem:s22], [sflag:$0x2] =	stream.indirect.gather [spmem:s2], $0x10, s10, s20, $0xb8;
	[tilespmem:$0xBE00] =	vst v63  }
0x4a: {  	_ =	swait.ge [sflag:s6], $0x800  }
0x4b: {  	[sflag:s6] =	ssyncset.done $0x0  }
0x4c: {  	s10 =	simm.s32 $0x2900;
	[sflag:s6] =	ssyncadd.s32 $0xFFFFF800  }
0x4d: {  	[spmem:s3] =	stream.indirect.scatter.add.f32 [tilespmem:s30], [sflag:$0x8], $0x10, s10, s20, $0xb8;
	[tilespmem:$0xBE00] =	vst v63  }
0x4e: {  	_ =	swait.ge [sflag:s7], $0x800  }
0x4f: {  	[sflag:s7] =	ssyncset.done $0x0  }
0x50: {  	s10 =	simm.s32 $0x300;
	[sflag:s7] =	ssyncadd.s32 $0xFFFFF800  }
0x51: {  	[tilespmem:s25], [sflag:$0x3] =	stream.indirect.gather [spmem:s2], $0x10, s10, s20, $0xb8;
	[tilespmem:$0xBE00] =	vst v63  }
0x52: {  	_ =	swait.ge [sflag:s23], $0x800  }
0x53: {  	[sflag:s23] =	ssyncset.done $0x0  }
0x54: {  	s10 =	simm.s32 $0x2980;
	[sflag:s23] =	ssyncadd.s32 $0xFFFFF800  }
0x55: {  	[spmem:s3] =	stream.indirect.scatter.add.f32 [tilespmem:s21], [sflag:$0x5], $0x10, s10, s20, $0xb8;
	[tilespmem:$0xBE00] =	vst v63  }
0x56: {  	_ =	swait.ge [sflag:s8], $0x800  }
0x57: {  	[sflag:s8] =	ssyncset.done $0x0  }
0x58: {  	s10 =	simm.s32 $0x380;
	[sflag:s8] =	ssyncadd.s32 $0xFFFFF800  }
0x59: {  	[tilespmem:s30], [sflag:$0x4] =	stream.indirect.gather [spmem:s2], $0x10, s10, s20, $0xb8;
	[tilespmem:$0xBE00] =	vst v63  }
0x5a: {  	_ =	swait.ge [sflag:s26], $0x800  }
0x5b: {  	[sflag:s26] =	ssyncset.done $0x0  }
0x5c: {  	s29 =	simm.s32 $0x800;
	s9 =	simm.s32 $0x2A00;
	[sflag:s26] =	ssyncadd.s32 $0xFFFFF800  }
.LBB2_2:
0x5d: {  	[spmem:s3] =	stream.indirect.scatter.add.f32 [tilespmem:s22], [sflag:$0x6], $0x10, s9, s20, $0xb8;
	[tilespmem:$0xBE00] =	vst v63  }
0x5e: {  	s9 =	smov.u32 s29  }
0x5f: {  	p0 =	sne.s32 s29, $0x8800;
	s29 =	sadd.s32 $0x800, s29;
	_ =	swait.ge [sflag:s31], $0x800  }
0x60: {  	s9 =	sshra.s32 s9, $0x2;
	[sflag:s31] =	ssyncset.done $0x0  }
0x61: {  	s10 =	sadd.s32 $0x200, s9;
	[sflag:s31] =	ssyncadd.s32 $0xFFFFF800  }
0x62: {  	[tilespmem:s21], [sflag:$0x1] =	stream.indirect.gather [spmem:s2], $0x10, s10, s20, $0xb8;
	[tilespmem:$0xBE00] =	vst v63  }
0x63: {  	_ =	swait.ge [sflag:s1], $0x800  }
0x64: {  	[sflag:s1] =	ssyncset.done $0x0  }
0x65: {  	s10 =	sadd.s32 $0x2880, s9;
	[sflag:s1] =	ssyncadd.s32 $0xFFFFF800  }
0x66: {  	[spmem:s3] =	stream.indirect.scatter.add.f32 [tilespmem:s25], [sflag:$0x7], $0x10, s10, s20, $0xb8;
	[tilespmem:$0xBE00] =	vst v63  }
0x67: {  	_ =	swait.ge [sflag:s0], $0x800  }
0x68: {  	[sflag:s0] =	ssyncset.done $0x0  }
0x69: {  	s10 =	sadd.s32 $0x280, s9;
	[sflag:s0] =	ssyncadd.s32 $0xFFFFF800  }
0x6a: {  	[tilespmem:s22], [sflag:$0x2] =	stream.indirect.gather [spmem:s2], $0x10, s10, s20, $0xb8;
	[tilespmem:$0xBE00] =	vst v63  }
0x6b: {  	_ =	swait.ge [sflag:s6], $0x800  }
0x6c: {  	[sflag:s6] =	ssyncset.done $0x0  }
0x6d: {  	s10 =	sadd.s32 $0x2900, s9;
	[sflag:s6] =	ssyncadd.s32 $0xFFFFF800  }
0x6e: {  	[spmem:s3] =	stream.indirect.scatter.add.f32 [tilespmem:s30], [sflag:$0x8], $0x10, s10, s20, $0xb8;
	[tilespmem:$0xBE00] =	vst v63  }
0x6f: {  	_ =	swait.ge [sflag:s7], $0x800  }
0x70: {  	[sflag:s7] =	ssyncset.done $0x0  }
0x71: {  	s10 =	sadd.s32 $0x300, s9;
	[sflag:s7] =	ssyncadd.s32 $0xFFFFF800  }
0x72: {  	[tilespmem:s25], [sflag:$0x3] =	stream.indirect.gather [spmem:s2], $0x10, s10, s20, $0xb8;
	[tilespmem:$0xBE00] =	vst v63  }
0x73: {  	_ =	swait.ge [sflag:s23], $0x800  }
0x74: {  	[sflag:s23] =	ssyncset.done $0x0  }
0x75: {  	s10 =	sadd.s32 $0x2980, s9;
	[sflag:s23] =	ssyncadd.s32 $0xFFFFF800  }
0x76: {  	[spmem:s3] =	stream.indirect.scatter.add.f32 [tilespmem:s21], [sflag:$0x5], $0x10, s10, s20, $0xb8;
	[tilespmem:$0xBE00] =	vst v63  }
0x77: {  	_ =	swait.ge [sflag:s8], $0x800  }
0x78: {  	[sflag:s8] =	ssyncset.done $0x0  }
.Ltmp0:
0x79: {  	s10 =	sadd.s32 $0x380, s9;
	[sflag:s8] =	ssyncadd.s32 $0xFFFFF800;
	(pc) =	sbr.rel @p0 .LBB2_2-.Ltmp0, $4  }
0x7a: {  	[tilespmem:s30], [sflag:$0x4] =	stream.indirect.gather [spmem:s2], $0x10, s10, s20, $0xb8;
	[tilespmem:$0xBE00] =	vst v63  }
0x7b: {  	_ =	swait.ge [sflag:s26], $0x800  }
0x7c: {  	[sflag:s26] =	ssyncset.done $0x0  }
0x7d: {  	s9 =	sadd.s32 $0x2A00, s9;
	[sflag:s26] =	ssyncadd.s32 $0xFFFFF800  }
0x7e: {  	[spmem:s3] =	stream.indirect.scatter.add.f32 [tilespmem:s22], [sflag:$0x6], $0x10, s9, s20, $0xb8;
	[tilespmem:$0xBE00] =	vst v63  }
0x7f: {  	_ =	swait.ge [sflag:s31], $0x800  }
0x80: {  	[sflag:s31] =	ssyncset.done $0x0  }
0x81: {  	s10 =	simm.s32 $0x2600;
	[sflag:s31] =	ssyncadd.s32 $0xFFFFF800  }
0x82: {  	[tilespmem:s21], [sflag:$0x1] =	stream.indirect.gather [spmem:s2], $0x10, s10, s20, $0xb8;
	[tilespmem:$0xBE00] =	vst v63  }
0x83: {  	_ =	swait.ge [sflag:s1], $0x800  }
0x84: {  	[sflag:s1] =	ssyncset.done $0x0  }
0x85: {  	s10 =	simm.s32 $0x4C80;
	[sflag:s1] =	ssyncadd.s32 $0xFFFFF800  }
0x86: {  	[spmem:s3] =	stream.indirect.scatter.add.f32 [tilespmem:s25], [sflag:$0x7], $0x10, s10, s20, $0xb8;
	[tilespmem:$0xBE00] =	vst v63  }
0x87: {  	_ =	swait.ge [sflag:s0], $0x800  }
0x88: {  	[sflag:s0] =	ssyncset.done $0x0  }
0x89: {  	[sflag:s0] =	ssyncadd.s32 $0xFFFFF800  }
0x8a: {  	[tilespmem:s22], [sflag:$0x2] =	stream.indirect.gather [spmem:s2], $0x10, s11, s20, $0xb8;
	[tilespmem:$0xBE00] =	vst v63  }
0x8b: {  	_ =	swait.ge [sflag:s6], $0x800  }
0x8c: {  	[sflag:s6] =	ssyncset.done $0x0  }
0x8d: {  	[sflag:s6] =	ssyncadd.s32 $0xFFFFF800  }
0x8e: {  	[spmem:s3] =	stream.indirect.scatter.add.f32 [tilespmem:s30], [sflag:$0x8], $0x10, s12, s20, $0xb8;
	[tilespmem:$0xBE00] =	vst v63  }
0x8f: {  	_ =	swait.ge [sflag:s7], $0x800  }
0x90: {  	[sflag:s7] =	ssyncset.done $0x0  }
0x91: {  	[sflag:s7] =	ssyncadd.s32 $0xFFFFF800  }
0x92: {  	[tilespmem:s25], [sflag:$0x3] =	stream.indirect.gather [spmem:s2], $0x10, s13, s20, $0xb8;
	[tilespmem:$0xBE00] =	vst v63  }
0x93: {  	_ =	swait.ge [sflag:s23], $0x800  }
0x94: {  	[sflag:s23] =	ssyncset.done $0x0  }
0x95: {  	[sflag:s23] =	ssyncadd.s32 $0xFFFFF800  }
0x96: {  	[spmem:s3] =	stream.indirect.scatter.add.f32 [tilespmem:s21], [sflag:$0x5], $0x10, s14, s20, $0xb8;
	[tilespmem:$0xBE00] =	vst v63  }
0x97: {  	_ =	swait.ge [sflag:s26], $0x800  }
0x98: {  	[sflag:s26] =	ssyncset.done $0x0  }
0x99: {  	[sflag:s26] =	ssyncadd.s32 $0xFFFFF800  }
0x9a: {  	[spmem:s3] =	stream.indirect.scatter.add.f32 [tilespmem:s22], [sflag:$0x6], $0x10, s15, s20, $0xb8;
	[tilespmem:$0xBE00] =	vst v63  }
0x9b: {  	_ =	swait.ge [sflag:s1], $0x800  }
0x9c: {  	[sflag:s1] =	ssyncset.done $0x0  }
0x9d: {  	[sflag:s1] =	ssyncadd.s32 $0xFFFFF800  }
0x9e: {  	[spmem:s3] =	stream.indirect.scatter.add.f32 [tilespmem:s25], [sflag:$0x7], $0x10, s4, s20, $0xb8;
	[tilespmem:$0xBE00] =	vst v63  }
0x9f: {  	_ =	swait.ge [sflag:s31], $0x800  }
0xa0: {  	[sflag:s31] =	ssyncset.done $0x0  }
0xa1: {  	[sflag:s31] =	ssyncadd.s32 $0xFFFFF800  }
0xa2: {  	_ =	swait.ge [sflag:s0], $0x800  }
0xa3: {  	[sflag:s0] =	ssyncset.done $0x0  }
0xa4: {  	[sflag:s0] =	ssyncadd.s32 $0xFFFFF800  }
0xa5: {  	_ =	swait.ge [sflag:s7], $0x800  }
0xa6: {  	[sflag:s7] =	ssyncset.done $0x0  }
0xa7: {  	[sflag:s7] =	ssyncadd.s32 $0xFFFFF800  }
0xa8: {  	_ =	swait.ge [sflag:s8], $0x800  }
0xa9: {  	[sflag:s8] =	ssyncset.done $0x0  }
0xaa: {  	[sflag:s8] =	ssyncadd.s32 $0xFFFFF800  }
0xab: {  	[bflag:$0x0] =	sbarrier.arrive $0xFFFF  }
0xac: {  	s10 =	rddreg [dreg:$0x9]  }
0xad: {  	[hbm:s10], [sflag:s18] =	dma.local [spmem:s28], $0x4F0  }
0xae: {  	_ =	swait.ge [sflag:s16], $0x4F0  }
0xaf: {  	[sflag:s16] =	ssyncset.done $0x0  }
0xb0: {  	s10 =	rddreg [dreg:$0xa];
	[sflag:s16] =	ssyncadd.s32 $0xFFFFFB10  }
0xb1: {  	[spmem:s19], [sflag:s18] =	dma.local [hbm:s10], $0x4F0  }
0xb2: {  	_ =	swait.ge [sflag:s16], $0x4F0  }
0xb3: {  	[sflag:s16] =	ssyncset.done $0x0  }
0xb4: {  	[sflag:s16] =	ssyncadd.s32 $0xFFFFFB10  }
0xb5: {  	[spmem:s28], [sflag:s18] =	dma.local [hbm:s5], $0x4F0  }
0xb6: {  	_ =	swait.ge [sflag:s16], $0x4F0  }
0xb7: {  	[sflag:s16] =	ssyncset.done $0x0  }
0xb8: {  	[sflag:s16] =	ssyncadd.s32 $0xFFFFFB10  }
0xb9: {  	s10 =	simm.s32 $0x0;
	[bflag:$0x0] =	sbarrier.arrive $0xFFFF  }
0xba: {  	[tilespmem:s21], [sflag:$0x1] =	stream.indirect.gather [spmem:s2], $0x10, s10, s20, $0xb8;
	[tilespmem:$0xBE00] =	vst v63  }
0xbb: {  	_ = 	snop  }
0xbc: {  	[tilespmem:s22], [sflag:$0x2] =	stream.indirect.gather [spmem:s2], $0x10, s20, s20, $0xb8;
	[tilespmem:$0xBE00] =	vst v63  }
0xbd: {  	_ =	swait.ge [sflag:s23], $0x800  }
0xbe: {  	[sflag:s23] =	ssyncset.done $0x0  }
0xbf: {  	[sflag:s23] =	ssyncadd.s32 $0xFFFFF800  }
0xc0: {  	[spmem:s3] =	stream.indirect.scatter.add.f32 [tilespmem:s21], [sflag:$0x5], $0x10, s17, s20, $0xb8;
	[tilespmem:$0xBE00] =	vst v63  }
0xc1: {  	s10 =	simm.s32 $0x100  }
0xc2: {  	[tilespmem:s25], [sflag:$0x3] =	stream.indirect.gather [spmem:s2], $0x10, s10, s20, $0xb8;
	[tilespmem:$0xBE00] =	vst v63  }
0xc3: {  	_ =	swait.ge [sflag:s26], $0x800  }
0xc4: {  	[sflag:s26] =	ssyncset.done $0x0  }
0xc5: {  	s10 =	simm.s32 $0x2800;
	[sflag:s26] =	ssyncadd.s32 $0xFFFFF800  }
0xc6: {  	[spmem:s3] =	stream.indirect.scatter.add.f32 [tilespmem:s22], [sflag:$0x6], $0x10, s10, s20, $0xb8;
	[tilespmem:$0xBE00] =	vst v63  }
0xc7: {  	s10 =	simm.s32 $0x180  }
0xc8: {  	[tilespmem:s30], [sflag:$0x4] =	stream.indirect.gather [spmem:s2], $0x10, s10, s20, $0xb8;
	[tilespmem:$0xBE00] =	vst v63  }
0xc9: {  	_ =	swait.ge [sflag:s31], $0x800  }
0xca: {  	[sflag:s31] =	ssyncset.done $0x0  }
0xcb: {  	s10 =	simm.s32 $0x200;
	[sflag:s31] =	ssyncadd.s32 $0xFFFFF800  }
0xcc: {  	[tilespmem:s21], [sflag:$0x1] =	stream.indirect.gather [spmem:s2], $0x10, s10, s20, $0xb8;
	[tilespmem:$0xBE00] =	vst v63  }
0xcd: {  	_ =	swait.ge [sflag:s1], $0x800  }
0xce: {  	[sflag:s1] =	ssyncset.done $0x0  }
0xcf: {  	s10 =	simm.s32 $0x2880;
	[sflag:s1] =	ssyncadd.s32 $0xFFFFF800  }
0xd0: {  	[spmem:s3] =	stream.indirect.scatter.add.f32 [tilespmem:s25], [sflag:$0x7], $0x10, s10, s20, $0xb8;
	[tilespmem:$0xBE00] =	vst v63  }
0xd1: {  	_ =	swait.ge [sflag:s0], $0x800  }
0xd2: {  	[sflag:s0] =	ssyncset.done $0x0  }
0xd3: {  	s10 =	simm.s32 $0x280;
	[sflag:s0] =	ssyncadd.s32 $0xFFFFF800  }
0xd4: {  	[tilespmem:s22], [sflag:$0x2] =	stream.indirect.gather [spmem:s2], $0x10, s10, s20, $0xb8;
	[tilespmem:$0xBE00] =	vst v63  }
0xd5: {  	_ =	swait.ge [sflag:s6], $0x800  }
0xd6: {  	[sflag:s6] =	ssyncset.done $0x0  }
0xd7: {  	s10 =	simm.s32 $0x2900;
	[sflag:s6] =	ssyncadd.s32 $0xFFFFF800  }
0xd8: {  	[spmem:s3] =	stream.indirect.scatter.add.f32 [tilespmem:s30], [sflag:$0x8], $0x10, s10, s20, $0xb8;
	[tilespmem:$0xBE00] =	vst v63  }
0xd9: {  	_ =	swait.ge [sflag:s7], $0x800  }
0xda: {  	[sflag:s7] =	ssyncset.done $0x0  }
0xdb: {  	s10 =	simm.s32 $0x300;
	[sflag:s7] =	ssyncadd.s32 $0xFFFFF800  }
0xdc: {  	[tilespmem:s25], [sflag:$0x3] =	stream.indirect.gather [spmem:s2], $0x10, s10, s20, $0xb8;
	[tilespmem:$0xBE00] =	vst v63  }
0xdd: {  	_ =	swait.ge [sflag:s23], $0x800  }
0xde: {  	[sflag:s23] =	ssyncset.done $0x0  }
0xdf: {  	s10 =	simm.s32 $0x2980;
	[sflag:s23] =	ssyncadd.s32 $0xFFFFF800  }
0xe0: {  	[spmem:s3] =	stream.indirect.scatter.add.f32 [tilespmem:s21], [sflag:$0x5], $0x10, s10, s20, $0xb8;
	[tilespmem:$0xBE00] =	vst v63  }
0xe1: {  	_ =	swait.ge [sflag:s8], $0x800  }
0xe2: {  	[sflag:s8] =	ssyncset.done $0x0  }
0xe3: {  	s10 =	simm.s32 $0x380;
	[sflag:s8] =	ssyncadd.s32 $0xFFFFF800  }
0xe4: {  	[tilespmem:s30], [sflag:$0x4] =	stream.indirect.gather [spmem:s2], $0x10, s10, s20, $0xb8;
	[tilespmem:$0xBE00] =	vst v63  }
0xe5: {  	_ =	swait.ge [sflag:s26], $0x800  }
0xe6: {  	[sflag:s26] =	ssyncset.done $0x0  }
0xe7: {  	s29 =	simm.s32 $0x800;
	s9 =	simm.s32 $0x2A00;
	[sflag:s26] =	ssyncadd.s32 $0xFFFFF800  }
.LBB2_4:
0xe8: {  	[spmem:s3] =	stream.indirect.scatter.add.f32 [tilespmem:s22], [sflag:$0x6], $0x10, s9, s20, $0xb8;
	[tilespmem:$0xBE00] =	vst v63  }
0xe9: {  	s9 =	smov.u32 s29  }
0xea: {  	p0 =	sne.s32 s29, $0x8800;
	s29 =	sadd.s32 $0x800, s29;
	_ =	swait.ge [sflag:s31], $0x800  }
0xeb: {  	s9 =	sshra.s32 s9, $0x2;
	[sflag:s31] =	ssyncset.done $0x0  }
0xec: {  	s10 =	sadd.s32 $0x200, s9;
	[sflag:s31] =	ssyncadd.s32 $0xFFFFF800  }
0xed: {  	[tilespmem:s21], [sflag:$0x1] =	stream.indirect.gather [spmem:s2], $0x10, s10, s20, $0xb8;
	[tilespmem:$0xBE00] =	vst v63  }
0xee: {  	_ =	swait.ge [sflag:s1], $0x800  }
0xef: {  	[sflag:s1] =	ssyncset.done $0x0  }
0xf0: {  	s10 =	sadd.s32 $0x2880, s9;
	[sflag:s1] =	ssyncadd.s32 $0xFFFFF800  }
0xf1: {  	[spmem:s3] =	stream.indirect.scatter.add.f32 [tilespmem:s25], [sflag:$0x7], $0x10, s10, s20, $0xb8;
	[tilespmem:$0xBE00] =	vst v63  }
0xf2: {  	_ =	swait.ge [sflag:s0], $0x800  }
0xf3: {  	[sflag:s0] =	ssyncset.done $0x0  }
0xf4: {  	s10 =	sadd.s32 $0x280, s9;
	[sflag:s0] =	ssyncadd.s32 $0xFFFFF800  }
0xf5: {  	[tilespmem:s22], [sflag:$0x2] =	stream.indirect.gather [spmem:s2], $0x10, s10, s20, $0xb8;
	[tilespmem:$0xBE00] =	vst v63  }
0xf6: {  	_ =	swait.ge [sflag:s6], $0x800  }
0xf7: {  	[sflag:s6] =	ssyncset.done $0x0  }
0xf8: {  	s10 =	sadd.s32 $0x2900, s9;
	[sflag:s6] =	ssyncadd.s32 $0xFFFFF800  }
0xf9: {  	[spmem:s3] =	stream.indirect.scatter.add.f32 [tilespmem:s30], [sflag:$0x8], $0x10, s10, s20, $0xb8;
	[tilespmem:$0xBE00] =	vst v63  }
0xfa: {  	_ =	swait.ge [sflag:s7], $0x800  }
0xfb: {  	[sflag:s7] =	ssyncset.done $0x0  }
0xfc: {  	s10 =	sadd.s32 $0x300, s9;
	[sflag:s7] =	ssyncadd.s32 $0xFFFFF800  }
0xfd: {  	[tilespmem:s25], [sflag:$0x3] =	stream.indirect.gather [spmem:s2], $0x10, s10, s20, $0xb8;
	[tilespmem:$0xBE00] =	vst v63  }
0xfe: {  	_ =	swait.ge [sflag:s23], $0x800  }
0xff: {  	[sflag:s23] =	ssyncset.done $0x0  }
0x100: {  	s10 =	sadd.s32 $0x2980, s9;
	[sflag:s23] =	ssyncadd.s32 $0xFFFFF800  }
0x101: {  	[spmem:s3] =	stream.indirect.scatter.add.f32 [tilespmem:s21], [sflag:$0x5], $0x10, s10, s20, $0xb8;
	[tilespmem:$0xBE00] =	vst v63  }
0x102: {  	_ =	swait.ge [sflag:s8], $0x800  }
0x103: {  	[sflag:s8] =	ssyncset.done $0x0  }
.Ltmp1:
0x104: {  	s10 =	sadd.s32 $0x380, s9;
	[sflag:s8] =	ssyncadd.s32 $0xFFFFF800;
	(pc) =	sbr.rel @p0 .LBB2_4-.Ltmp1, $4  }
0x105: {  	[tilespmem:s30], [sflag:$0x4] =	stream.indirect.gather [spmem:s2], $0x10, s10, s20, $0xb8;
	[tilespmem:$0xBE00] =	vst v63  }
0x106: {  	_ =	swait.ge [sflag:s26], $0x800  }
0x107: {  	[sflag:s26] =	ssyncset.done $0x0  }
0x108: {  	s9 =	sadd.s32 $0x2A00, s9;
	[sflag:s26] =	ssyncadd.s32 $0xFFFFF800  }
0x109: {  	[spmem:s3] =	stream.indirect.scatter.add.f32 [tilespmem:s22], [sflag:$0x6], $0x10, s9, s20, $0xb8;
	[tilespmem:$0xBE00] =	vst v63  }
0x10a: {  	_ =	swait.ge [sflag:s31], $0x800  }
0x10b: {  	[sflag:s31] =	ssyncset.done $0x0  }
0x10c: {  	s10 =	simm.s32 $0x2600;
	[sflag:s31] =	ssyncadd.s32 $0xFFFFF800  }
0x10d: {  	[tilespmem:s21], [sflag:$0x1] =	stream.indirect.gather [spmem:s2], $0x10, s10, s20, $0xb8;
	[tilespmem:$0xBE00] =	vst v63  }
0x10e: {  	_ =	swait.ge [sflag:s1], $0x800  }
0x10f: {  	[sflag:s1] =	ssyncset.done $0x0  }
0x110: {  	s10 =	simm.s32 $0x4C80;
	[sflag:s1] =	ssyncadd.s32 $0xFFFFF800  }
0x111: {  	[spmem:s3] =	stream.indirect.scatter.add.f32 [tilespmem:s25], [sflag:$0x7], $0x10, s10, s20, $0xb8;
	[tilespmem:$0xBE00] =	vst v63  }
0x112: {  	_ =	swait.ge [sflag:s0], $0x800  }
0x113: {  	[sflag:s0] =	ssyncset.done $0x0  }
0x114: {  	[sflag:s0] =	ssyncadd.s32 $0xFFFFF800  }
0x115: {  	[tilespmem:s22], [sflag:$0x2] =	stream.indirect.gather [spmem:s2], $0x10, s11, s20, $0xb8;
	[tilespmem:$0xBE00] =	vst v63  }
0x116: {  	_ =	swait.ge [sflag:s6], $0x800  }
0x117: {  	[sflag:s6] =	ssyncset.done $0x0  }
0x118: {  	[sflag:s6] =	ssyncadd.s32 $0xFFFFF800  }
0x119: {  	[spmem:s3] =	stream.indirect.scatter.add.f32 [tilespmem:s30], [sflag:$0x8], $0x10, s12, s20, $0xb8;
	[tilespmem:$0xBE00] =	vst v63  }
0x11a: {  	_ =	swait.ge [sflag:s7], $0x800  }
0x11b: {  	[sflag:s7] =	ssyncset.done $0x0  }
0x11c: {  	[sflag:s7] =	ssyncadd.s32 $0xFFFFF800  }
0x11d: {  	[tilespmem:s25], [sflag:$0x3] =	stream.indirect.gather [spmem:s2], $0x10, s13, s20, $0xb8;
	[tilespmem:$0xBE00] =	vst v63  }
0x11e: {  	_ =	swait.ge [sflag:s23], $0x800  }
0x11f: {  	[sflag:s23] =	ssyncset.done $0x0  }
0x120: {  	[sflag:s23] =	ssyncadd.s32 $0xFFFFF800  }
0x121: {  	[spmem:s3] =	stream.indirect.scatter.add.f32 [tilespmem:s21], [sflag:$0x5], $0x10, s14, s20, $0xb8;
	[tilespmem:$0xBE00] =	vst v63  }
0x122: {  	_ =	swait.ge [sflag:s26], $0x800  }
0x123: {  	[sflag:s26] =	ssyncset.done $0x0  }
0x124: {  	[sflag:s26] =	ssyncadd.s32 $0xFFFFF800  }
0x125: {  	[spmem:s3] =	stream.indirect.scatter.add.f32 [tilespmem:s22], [sflag:$0x6], $0x10, s15, s20, $0xb8;
	[tilespmem:$0xBE00] =	vst v63  }
0x126: {  	_ =	swait.ge [sflag:s1], $0x800  }
0x127: {  	[sflag:s1] =	ssyncset.done $0x0  }
0x128: {  	[sflag:s1] =	ssyncadd.s32 $0xFFFFF800  }
0x129: {  	[spmem:s3] =	stream.indirect.scatter.add.f32 [tilespmem:s25], [sflag:$0x7], $0x10, s4, s20, $0xb8;
	[tilespmem:$0xBE00] =	vst v63  }
0x12a: {  	_ =	swait.ge [sflag:s31], $0x800  }
0x12b: {  	[sflag:s31] =	ssyncset.done $0x0  }
0x12c: {  	[sflag:s31] =	ssyncadd.s32 $0xFFFFF800  }
0x12d: {  	_ =	swait.ge [sflag:s0], $0x800  }
0x12e: {  	[sflag:s0] =	ssyncset.done $0x0  }
0x12f: {  	[sflag:s0] =	ssyncadd.s32 $0xFFFFF800  }
0x130: {  	_ =	swait.ge [sflag:s7], $0x800  }
0x131: {  	[sflag:s7] =	ssyncset.done $0x0  }
0x132: {  	[sflag:s7] =	ssyncadd.s32 $0xFFFFF800  }
0x133: {  	_ =	swait.ge [sflag:s8], $0x800  }
0x134: {  	[sflag:s8] =	ssyncset.done $0x0  }
0x135: {  	[sflag:s8] =	ssyncadd.s32 $0xFFFFF800  }
0x136: {  	[bflag:$0x0] =	sbarrier.arrive $0xFFFF  }
0x137: {  	s10 =	rddreg [dreg:$0xb]  }
0x138: {  	[hbm:s10], [sflag:s18] =	dma.local [spmem:s28], $0x4F0  }
0x139: {  	_ =	swait.ge [sflag:s16], $0x4F0  }
0x13a: {  	[sflag:s16] =	ssyncset.done $0x0  }
0x13b: {  	s10 =	rddreg [dreg:$0xc];
	[sflag:s16] =	ssyncadd.s32 $0xFFFFFB10  }
0x13c: {  	[spmem:s19], [sflag:s18] =	dma.local [hbm:s10], $0x4F0  }
0x13d: {  	_ =	swait.ge [sflag:s16], $0x4F0  }
0x13e: {  	[sflag:s16] =	ssyncset.done $0x0  }
0x13f: {  	[sflag:s16] =	ssyncadd.s32 $0xFFFFFB10  }
0x140: {  	[spmem:s28], [sflag:s18] =	dma.local [hbm:s5], $0x4F0  }
0x141: {  	_ =	swait.ge [sflag:s16], $0x4F0  }
0x142: {  	[sflag:s16] =	ssyncset.done $0x0  }
0x143: {  	[sflag:s16] =	ssyncadd.s32 $0xFFFFFB10  }
0x144: {  	s10 =	simm.s32 $0x0;
	[bflag:$0x0] =	sbarrier.arrive $0xFFFF  }
0x145: {  	[tilespmem:s21], [sflag:$0x1] =	stream.indirect.gather [spmem:s2], $0x10, s10, s20, $0xb8;
	[tilespmem:$0xBE00] =	vst v63  }
0x146: {  	_ = 	snop  }
0x147: {  	[tilespmem:s22], [sflag:$0x2] =	stream.indirect.gather [spmem:s2], $0x10, s20, s20, $0xb8;
	[tilespmem:$0xBE00] =	vst v63  }
0x148: {  	_ =	swait.ge [sflag:s23], $0x800  }
0x149: {  	[sflag:s23] =	ssyncset.done $0x0  }
0x14a: {  	[sflag:s23] =	ssyncadd.s32 $0xFFFFF800  }
0x14b: {  	[spmem:s3] =	stream.indirect.scatter.add.f32 [tilespmem:s21], [sflag:$0x5], $0x10, s17, s20, $0xb8;
	[tilespmem:$0xBE00] =	vst v63  }
0x14c: {  	s10 =	simm.s32 $0x100  }
0x14d: {  	[tilespmem:s25], [sflag:$0x3] =	stream.indirect.gather [spmem:s2], $0x10, s10, s20, $0xb8;
	[tilespmem:$0xBE00] =	vst v63  }
0x14e: {  	_ =	swait.ge [sflag:s26], $0x800  }
0x14f: {  	[sflag:s26] =	ssyncset.done $0x0  }
0x150: {  	s10 =	simm.s32 $0x2800;
	[sflag:s26] =	ssyncadd.s32 $0xFFFFF800  }
0x151: {  	[spmem:s3] =	stream.indirect.scatter.add.f32 [tilespmem:s22], [sflag:$0x6], $0x10, s10, s20, $0xb8;
	[tilespmem:$0xBE00] =	vst v63  }
0x152: {  	s10 =	simm.s32 $0x180  }
0x153: {  	[tilespmem:s30], [sflag:$0x4] =	stream.indirect.gather [spmem:s2], $0x10, s10, s20, $0xb8;
	[tilespmem:$0xBE00] =	vst v63  }
0x154: {  	_ =	swait.ge [sflag:s31], $0x800  }
0x155: {  	[sflag:s31] =	ssyncset.done $0x0  }
0x156: {  	s10 =	simm.s32 $0x200;
	[sflag:s31] =	ssyncadd.s32 $0xFFFFF800  }
0x157: {  	[tilespmem:s21], [sflag:$0x1] =	stream.indirect.gather [spmem:s2], $0x10, s10, s20, $0xb8;
	[tilespmem:$0xBE00] =	vst v63  }
0x158: {  	_ =	swait.ge [sflag:s1], $0x800  }
0x159: {  	[sflag:s1] =	ssyncset.done $0x0  }
0x15a: {  	s10 =	simm.s32 $0x2880;
	[sflag:s1] =	ssyncadd.s32 $0xFFFFF800  }
0x15b: {  	[spmem:s3] =	stream.indirect.scatter.add.f32 [tilespmem:s25], [sflag:$0x7], $0x10, s10, s20, $0xb8;
	[tilespmem:$0xBE00] =	vst v63  }
0x15c: {  	_ =	swait.ge [sflag:s0], $0x800  }
0x15d: {  	[sflag:s0] =	ssyncset.done $0x0  }
0x15e: {  	s10 =	simm.s32 $0x280;
	[sflag:s0] =	ssyncadd.s32 $0xFFFFF800  }
0x15f: {  	[tilespmem:s22], [sflag:$0x2] =	stream.indirect.gather [spmem:s2], $0x10, s10, s20, $0xb8;
	[tilespmem:$0xBE00] =	vst v63  }
0x160: {  	_ =	swait.ge [sflag:s6], $0x800  }
0x161: {  	[sflag:s6] =	ssyncset.done $0x0  }
0x162: {  	s10 =	simm.s32 $0x2900;
	[sflag:s6] =	ssyncadd.s32 $0xFFFFF800  }
0x163: {  	[spmem:s3] =	stream.indirect.scatter.add.f32 [tilespmem:s30], [sflag:$0x8], $0x10, s10, s20, $0xb8;
	[tilespmem:$0xBE00] =	vst v63  }
0x164: {  	_ =	swait.ge [sflag:s7], $0x800  }
0x165: {  	[sflag:s7] =	ssyncset.done $0x0  }
0x166: {  	s10 =	simm.s32 $0x300;
	[sflag:s7] =	ssyncadd.s32 $0xFFFFF800  }
0x167: {  	[tilespmem:s25], [sflag:$0x3] =	stream.indirect.gather [spmem:s2], $0x10, s10, s20, $0xb8;
	[tilespmem:$0xBE00] =	vst v63  }
0x168: {  	_ =	swait.ge [sflag:s23], $0x800  }
0x169: {  	[sflag:s23] =	ssyncset.done $0x0  }
0x16a: {  	s10 =	simm.s32 $0x2980;
	[sflag:s23] =	ssyncadd.s32 $0xFFFFF800  }
0x16b: {  	[spmem:s3] =	stream.indirect.scatter.add.f32 [tilespmem:s21], [sflag:$0x5], $0x10, s10, s20, $0xb8;
	[tilespmem:$0xBE00] =	vst v63  }
0x16c: {  	_ =	swait.ge [sflag:s8], $0x800  }
0x16d: {  	[sflag:s8] =	ssyncset.done $0x0  }
0x16e: {  	s10 =	simm.s32 $0x380;
	[sflag:s8] =	ssyncadd.s32 $0xFFFFF800  }
0x16f: {  	[tilespmem:s30], [sflag:$0x4] =	stream.indirect.gather [spmem:s2], $0x10, s10, s20, $0xb8;
	[tilespmem:$0xBE00] =	vst v63  }
0x170: {  	_ =	swait.ge [sflag:s26], $0x800  }
0x171: {  	[sflag:s26] =	ssyncset.done $0x0  }
0x172: {  	s29 =	simm.s32 $0x800;
	s9 =	simm.s32 $0x2A00;
	[sflag:s26] =	ssyncadd.s32 $0xFFFFF800  }
.LBB2_6:
0x173: {  	[spmem:s3] =	stream.indirect.scatter.add.f32 [tilespmem:s22], [sflag:$0x6], $0x10, s9, s20, $0xb8;
	[tilespmem:$0xBE00] =	vst v63  }
0x174: {  	s9 =	smov.u32 s29  }
0x175: {  	p0 =	sne.s32 s29, $0x8800;
	s29 =	sadd.s32 $0x800, s29;
	_ =	swait.ge [sflag:s31], $0x800  }
0x176: {  	s9 =	sshra.s32 s9, $0x2;
	[sflag:s31] =	ssyncset.done $0x0  }
0x177: {  	s10 =	sadd.s32 $0x200, s9;
	[sflag:s31] =	ssyncadd.s32 $0xFFFFF800  }
0x178: {  	[tilespmem:s21], [sflag:$0x1] =	stream.indirect.gather [spmem:s2], $0x10, s10, s20, $0xb8;
	[tilespmem:$0xBE00] =	vst v63  }
0x179: {  	_ =	swait.ge [sflag:s1], $0x800  }
0x17a: {  	[sflag:s1] =	ssyncset.done $0x0  }
0x17b: {  	s10 =	sadd.s32 $0x2880, s9;
	[sflag:s1] =	ssyncadd.s32 $0xFFFFF800  }
0x17c: {  	[spmem:s3] =	stream.indirect.scatter.add.f32 [tilespmem:s25], [sflag:$0x7], $0x10, s10, s20, $0xb8;
	[tilespmem:$0xBE00] =	vst v63  }
0x17d: {  	_ =	swait.ge [sflag:s0], $0x800  }
0x17e: {  	[sflag:s0] =	ssyncset.done $0x0  }
0x17f: {  	s10 =	sadd.s32 $0x280, s9;
	[sflag:s0] =	ssyncadd.s32 $0xFFFFF800  }
0x180: {  	[tilespmem:s22], [sflag:$0x2] =	stream.indirect.gather [spmem:s2], $0x10, s10, s20, $0xb8;
	[tilespmem:$0xBE00] =	vst v63  }
0x181: {  	_ =	swait.ge [sflag:s6], $0x800  }
0x182: {  	[sflag:s6] =	ssyncset.done $0x0  }
0x183: {  	s10 =	sadd.s32 $0x2900, s9;
	[sflag:s6] =	ssyncadd.s32 $0xFFFFF800  }
0x184: {  	[spmem:s3] =	stream.indirect.scatter.add.f32 [tilespmem:s30], [sflag:$0x8], $0x10, s10, s20, $0xb8;
	[tilespmem:$0xBE00] =	vst v63  }
0x185: {  	_ =	swait.ge [sflag:s7], $0x800  }
0x186: {  	[sflag:s7] =	ssyncset.done $0x0  }
0x187: {  	s10 =	sadd.s32 $0x300, s9;
	[sflag:s7] =	ssyncadd.s32 $0xFFFFF800  }
0x188: {  	[tilespmem:s25], [sflag:$0x3] =	stream.indirect.gather [spmem:s2], $0x10, s10, s20, $0xb8;
	[tilespmem:$0xBE00] =	vst v63  }
0x189: {  	_ =	swait.ge [sflag:s23], $0x800  }
0x18a: {  	[sflag:s23] =	ssyncset.done $0x0  }
0x18b: {  	s10 =	sadd.s32 $0x2980, s9;
	[sflag:s23] =	ssyncadd.s32 $0xFFFFF800  }
0x18c: {  	[spmem:s3] =	stream.indirect.scatter.add.f32 [tilespmem:s21], [sflag:$0x5], $0x10, s10, s20, $0xb8;
	[tilespmem:$0xBE00] =	vst v63  }
0x18d: {  	_ =	swait.ge [sflag:s8], $0x800  }
0x18e: {  	[sflag:s8] =	ssyncset.done $0x0  }
.Ltmp2:
0x18f: {  	s10 =	sadd.s32 $0x380, s9;
	[sflag:s8] =	ssyncadd.s32 $0xFFFFF800;
	(pc) =	sbr.rel @p0 .LBB2_6-.Ltmp2, $4  }
0x190: {  	[tilespmem:s30], [sflag:$0x4] =	stream.indirect.gather [spmem:s2], $0x10, s10, s20, $0xb8;
	[tilespmem:$0xBE00] =	vst v63  }
0x191: {  	_ =	swait.ge [sflag:s26], $0x800  }
0x192: {  	[sflag:s26] =	ssyncset.done $0x0  }
0x193: {  	s9 =	sadd.s32 $0x2A00, s9;
	[sflag:s26] =	ssyncadd.s32 $0xFFFFF800  }
0x194: {  	[spmem:s3] =	stream.indirect.scatter.add.f32 [tilespmem:s22], [sflag:$0x6], $0x10, s9, s20, $0xb8;
	[tilespmem:$0xBE00] =	vst v63  }
0x195: {  	_ =	swait.ge [sflag:s31], $0x800  }
0x196: {  	[sflag:s31] =	ssyncset.done $0x0  }
0x197: {  	s10 =	simm.s32 $0x2600;
	[sflag:s31] =	ssyncadd.s32 $0xFFFFF800  }
0x198: {  	[tilespmem:s21], [sflag:$0x1] =	stream.indirect.gather [spmem:s2], $0x10, s10, s20, $0xb8;
	[tilespmem:$0xBE00] =	vst v63  }
0x199: {  	_ =	swait.ge [sflag:s1], $0x800  }
0x19a: {  	[sflag:s1] =	ssyncset.done $0x0  }
0x19b: {  	s29 =	simm.s32 $0x4C80;
	[sflag:s1] =	ssyncadd.s32 $0xFFFFF800  }
0x19c: {  	[spmem:s3] =	stream.indirect.scatter.add.f32 [tilespmem:s25], [sflag:$0x7], $0x10, s29, s20, $0xb8;
	[tilespmem:$0xBE00] =	vst v63  }
0x19d: {  	_ =	swait.ge [sflag:s0], $0x800  }
0x19e: {  	[sflag:s0] =	ssyncset.done $0x0  }
0x19f: {  	[sflag:s0] =	ssyncadd.s32 $0xFFFFF800  }
0x1a0: {  	[tilespmem:s22], [sflag:$0x2] =	stream.indirect.gather [spmem:s2], $0x10, s11, s20, $0xb8;
	[tilespmem:$0xBE00] =	vst v63  }
0x1a1: {  	_ =	swait.ge [sflag:s6], $0x800  }
0x1a2: {  	[sflag:s6] =	ssyncset.done $0x0  }
0x1a3: {  	[sflag:s6] =	ssyncadd.s32 $0xFFFFF800  }
0x1a4: {  	[spmem:s3] =	stream.indirect.scatter.add.f32 [tilespmem:s30], [sflag:$0x8], $0x10, s12, s20, $0xb8;
	[tilespmem:$0xBE00] =	vst v63  }
0x1a5: {  	_ =	swait.ge [sflag:s7], $0x800  }
0x1a6: {  	[sflag:s7] =	ssyncset.done $0x0  }
0x1a7: {  	[sflag:s7] =	ssyncadd.s32 $0xFFFFF800  }
0x1a8: {  	[tilespmem:s25], [sflag:$0x3] =	stream.indirect.gather [spmem:s2], $0x10, s13, s20, $0xb8;
	[tilespmem:$0xBE00] =	vst v63  }
0x1a9: {  	_ =	swait.ge [sflag:s23], $0x800  }
0x1aa: {  	[sflag:s23] =	ssyncset.done $0x0  }
0x1ab: {  	[sflag:s23] =	ssyncadd.s32 $0xFFFFF800  }
0x1ac: {  	[spmem:s3] =	stream.indirect.scatter.add.f32 [tilespmem:s21], [sflag:$0x5], $0x10, s14, s20, $0xb8;
	[tilespmem:$0xBE00] =	vst v63  }
0x1ad: {  	_ =	swait.ge [sflag:s26], $0x800  }
0x1ae: {  	[sflag:s26] =	ssyncset.done $0x0  }
0x1af: {  	[sflag:s26] =	ssyncadd.s32 $0xFFFFF800  }
0x1b0: {  	[spmem:s3] =	stream.indirect.scatter.add.f32 [tilespmem:s22], [sflag:$0x6], $0x10, s15, s20, $0xb8;
	[tilespmem:$0xBE00] =	vst v63  }
0x1b1: {  	_ =	swait.ge [sflag:s1], $0x800  }
0x1b2: {  	[sflag:s1] =	ssyncset.done $0x0  }
0x1b3: {  	[sflag:s1] =	ssyncadd.s32 $0xFFFFF800  }
0x1b4: {  	[spmem:s3] =	stream.indirect.scatter.add.f32 [tilespmem:s25], [sflag:$0x7], $0x10, s4, s20, $0xb8;
	[tilespmem:$0xBE00] =	vst v63  }
0x1b5: {  	_ =	swait.ge [sflag:s31], $0x800  }
0x1b6: {  	[sflag:s31] =	ssyncset.done $0x0  }
0x1b7: {  	[sflag:s31] =	ssyncadd.s32 $0xFFFFF800  }
0x1b8: {  	_ =	swait.ge [sflag:s0], $0x800  }
0x1b9: {  	[sflag:s0] =	ssyncset.done $0x0  }
0x1ba: {  	[sflag:s0] =	ssyncadd.s32 $0xFFFFF800  }
0x1bb: {  	_ =	swait.ge [sflag:s7], $0x800  }
0x1bc: {  	[sflag:s7] =	ssyncset.done $0x0  }
0x1bd: {  	[sflag:s7] =	ssyncadd.s32 $0xFFFFF800  }
0x1be: {  	_ =	swait.ge [sflag:s8], $0x800  }
0x1bf: {  	[sflag:s8] =	ssyncset.done $0x0  }
0x1c0: {  	[sflag:s8] =	ssyncadd.s32 $0xFFFFF800  }
0x1c1: {  	[bflag:$0x0] =	sbarrier.arrive $0xFFFF  }
0x1c2: {  	s10 =	rddreg [dreg:$0xd]  }
0x1c3: {  	[hbm:s10], [sflag:s18] =	dma.local [spmem:s28], $0x4F0  }
0x1c4: {  	_ =	swait.ge [sflag:s16], $0x4F0  }
0x1c5: {  	s24 =	sadd.s32 $0x1, s24;
	s29 =	rddreg [dreg:$0xe]  }
0x1c6: {  	p0 =	sne.s32 s24, s29  }
.Ltmp3:
0x1c7: {  	_ = 	snop;
	(pc) =	sbr.rel @p0 .LBB2_1-.Ltmp3, $3  }
0x1c8: {  	_ =	sdelay $0x1  }
0x1c9: {  	[sflag:s16] =	ssyncset.done $0x0  }
0x1ca: {  	[sflag:s16] =	ssyncadd.s32 $0xFFFFFB10  }
0x1cb: {  	_ =	sfence.sel $0x180000  }
0x1cc: {  	[bflag:$0x0] =	sbarrier.arrive $0xFFFF  }
0x1cd: {  	_ =	strace $0x9000004D  }
0x1ce: {  	s0 =	stileid.u32;
	[bflag:$0x2] =	sbarrier.arrive $0xFFFF  }
0x1cf: {  	p0 =	sne.s32 s0, $0x0;
	s0 =	rddreg [dreg:$0x4]  }
0x1d0: {  	s0 =	sadd.s32 @!p0 $0x100000, s0  }
0x1d1: {  	[sflag:s0] =	ssyncadd.tile.s32 @!p0 $0x1;
	_ =	shalt  }
.Lfunc_end2:
_tile_overlayer_lowered:
.L_overlay_start_2:
0x1d2: {  	(tag) =	ssettag $0x2  }
0x1d3: {  	s0 =	rddreg [dreg:$0x0];
	s2 =	stileid.u32  }
0x1d4: {  	s1 =	rddreg [dreg:$0x1];
	p0 =	sne.s32 s2, $0x0  }
0x1d5: {  	s3 =	rddreg [dreg:$0x2];
	[bflag:$0x3] =	sbarrier.arrive $0xFFFF;
	s2 =	simm.s32 @!p0 $0x1C09  }
0x1d6: {  	[timem:s3], [sflag:s2] =	dma.local @!p0 [hbm:s0], s1  }
0x1d7: {  	s0 =	simm.s32 @!p0 $0x9  }
0x1d8: {  	_ =	swait.ge @!p0 [sflag:s0], s1  }
0x1d9: {  	s1 =	ssub.s32 @!p0 $0x0, s1;
	[sflag:s0] =	ssyncset.done @!p0 $0x0  }
0x1da: {  	[sflag:s0] =	ssyncadd.s32 @!p0 s1  }
0x1db: {  	[bflag:$0x3] =	sbarrier.arrive $0xFFFF  }
0x1dc: {  	_ =	shalt  }

// kernel: kernel.9.cloned.1.call-start
scs
__scs_entry_jumppad:
0x0: {  	(pc) =	sbr.rel $0x88, $3  }
0x1: {  	(tag) =	ssettag $0x0;
	lr =	simm.s32 $0x1  }
0x2: {  	[smem:$0x3F9B] =	sst lr;
	_ =	strace $0xD0000000  }
0x3: {  	_ = 	snop  }
0x4: {  	_ = 	snop  }
0x5: {  	_ = 	snop  }
0x6: {  	_ = 	snop  }
0x7: {  	_ = 	snop  }
__scs_overlays_trampoline_lowered:
0x8: {  	[smem:$0x3FAA] =	sst s0  }
0x9: {  	[smem:$0x3FAB] =	sst s1  }
0xa: {  	[smem:$0x3FAC] =	sst s2  }
0xb: {  	[smem:$0x3FAD] =	sst s3  }
0xc: {  	[smem:$0x3FAE] =	sst s4  }
0xd: {  	[smem:$0x3FAF] =	sst s5  }
0xe: {  	[smem:$0x3FB0] =	sst s6  }
0xf: {  	[smem:$0x3FB1] =	sst s7  }
0x10: {  	[smem:$0x3FB2] =	sst s8  }
0x11: {  	[smem:$0x3FB3] =	sst s9;
	s0 =	simm.s32 @!p0 $0x0  }
0x12: {  	s1 =	sld [smem:$0x3F99];
	s0 =	simm.s32 @p0 $0x1  }
0x13: {  	[smem:$0x3FB4] =	sst s0;
	s0 =	simm.s32 @!p1 $0x0  }
0x14: {  	s2 =	sld [smem:$0x3F98];
	s0 =	simm.s32 @p1 $0x1  }
0x15: {  	[smem:$0x3FB5] =	sst s0;
	s0 =	simm.s32 @!p2 $0x0  }
0x16: {  	s3 =	sld [smem:$0x3FDB];
	s0 =	simm.s32 @p2 $0x1  }
0x17: {  	s4 =	simm.s32 $0x1BF5;
	[smem:$0x3FB7] =	sst s0  }
0x18: {  	s0 =	sld [smem:$0x3F9A];
	_ =	swait.ge [sflag:s4], $0x0  }
0x19: {  	s7 =	sld [smem:$0x3F9B]  }
0x1a: {  	s8 =	sadd.s32 $0xFFFFE003, lr  }
0x1b: {  	s9 =	sadd.s32 $0xFFFFFEF7, lr;
	s5 =	simm.s32 $0xFFFFFFFF;
	p2 =	slt.u32 s8, $0xFFFFF086  }
0x1c: {  	p1 =	slt.u32 s9, $0xF7A;
	s5 =	simm.s32 @!p2 $0x0  }
0x1d: {  	s5 =	simm.s32 @p1 $0x1;
	p0 =	seq.s32 s7, s2  }
0x1e: {  	s7 =	smul.u32 @!p0 $0xF7A, s2;
	p2 =	seq.s32 @!p0 s5, $0x0  }
0x1f: {  	s9 =	smul.u32 $0xF7A, s1;
	s8 =	simm.s32 @!p0 $0x1BF5;
	p2 =	por !p2, p0  }
0x20: {  	[sflag:s8] =	ssyncset.s32 @!p0 $0xFFFFF086;
	s6 =	sadd.s32 @!p0 s3, s7;
	s7 =	simm.s32 @!p0 $0x108  }
0x21: {  	s3 =	sadd.s32 s3, s9;
	s6 =	sadd.s32 @!p0 $0x88, s6;
	s7 =	simm.s32 @p2 $0x1082  }
0x22: {  	[simem:s7], [sflag:s8] =	dma.local @!p0 [hbm:s6], $0xF7A  }
0x23: {  	s9 =	sor.u32 $0xD0000000, s2;
	s6 =	simm.s32 $0x108;
	_ =	swait.ge @!p0 [sflag:s8], $0x0  }
0x24: {  	s3 =	sadd.s32 $0x88, s3;
	s6 =	simm.s32 @!p1 $0x1082;
	[sflag:s4] =	ssyncset.s32 $0xFFFFF086  }
0x25: {  	[simem:s6], [sflag:s4] =	dma.local [hbm:s3], $0xF7A  }
0x26: {  	[smem:$0x3F9B] =	sst s1;
	(tag) =	ssettag s2;
	_ =	strace s9  }
0x27: {  	s1 =	sld [smem:$0x3FAB]  }
0x28: {  	s2 =	sld [smem:$0x3FAC]  }
0x29: {  	s4 =	sld [smem:$0x3FAE]  }
0x2a: {  	p0 =	seq.s32 s5, $0x0;
	s5 =	sld [smem:$0x3FAF]  }
0x2b: {  	s6 =	sld [smem:$0x3FB0]  }
0x2c: {  	s7 =	sld [smem:$0x3FB1]  }
0x2d: {  	s3 =	simm.s32 $0x108;
	s8 =	sld [smem:$0x3FB2]  }
0x2e: {  	s3 =	simm.s32 @!p0 $0x1082;
	s9 =	sld [smem:$0x3FB3]  }
0x2f: {  	lr =	sadd.s32 s0, s3;
	s0 =	sld [smem:$0x3FAA]  }
0x30: {  	s3 =	sld [smem:$0x3FAD]  }
0x31: {  	[smem:$0x3FB6] =	sst s10  }
0x32: {  	s10 =	sld [smem:$0x3FB4];
	_ =	sdelay $0x3  }
0x33: {  	p0 =	seq.s32 s10, $0x1;
	s10 =	sld [smem:$0x3FB6];
	_ =	sdelay $0x3  }
0x34: {  	[smem:$0x3FB6] =	sst s10  }
0x35: {  	s10 =	sld [smem:$0x3FB5];
	_ =	sdelay $0x3  }
0x36: {  	p1 =	seq.s32 s10, $0x1;
	s10 =	sld [smem:$0x3FB6];
	_ =	sdelay $0x3  }
0x37: {  	[smem:$0x3FB6] =	sst s10  }
0x38: {  	s10 =	sld [smem:$0x3FB7]  }
0x39: {  	_ = 	snop;
	(pc) =	sbr.ind lr, $3  }
0x3a: {  	_ = 	snop  }
0x3b: {  	_ = 	snop  }
0x3c: {  	p2 =	seq.s32 s10, $0x1;
	s10 =	sld [smem:$0x3FB6]  }
0x3d: {  	_ =	shalt  }
0x3e: {  	_ =	shalt  }
0x3f: {  	_ =	shalt  }
0x40: {  	_ =	shalt  }
0x41: {  	_ =	shalt  }
0x42: {  	_ =	shalt  }
0x43: {  	_ =	shalt  }
0x44: {  	_ =	shalt  }
0x45: {  	_ =	shalt  }
0x46: {  	_ =	shalt  }
0x47: {  	_ =	shalt  }
0x48: {  	_ =	shalt  }
0x49: {  	_ =	shalt  }
0x4a: {  	_ =	shalt  }
0x4b: {  	_ =	shalt  }
0x4c: {  	_ =	shalt  }
0x4d: {  	_ =	shalt  }
0x4e: {  	_ =	shalt  }
0x4f: {  	_ =	shalt  }
0x50: {  	_ =	shalt  }
0x51: {  	_ =	shalt  }
0x52: {  	_ =	shalt  }
0x53: {  	_ =	shalt  }
0x54: {  	_ =	shalt  }
0x55: {  	_ =	shalt  }
0x56: {  	_ =	shalt  }
0x57: {  	_ =	shalt  }
0x58: {  	_ =	shalt  }
0x59: {  	_ =	shalt  }
0x5a: {  	_ =	shalt  }
0x5b: {  	_ =	shalt  }
0x5c: {  	_ =	shalt  }
0x5d: {  	_ =	shalt  }
0x5e: {  	_ =	shalt  }
0x5f: {  	_ =	shalt  }
0x60: {  	_ =	shalt  }
0x61: {  	_ =	shalt  }
0x62: {  	_ =	shalt  }
0x63: {  	_ =	shalt  }
0x64: {  	_ =	shalt  }
0x65: {  	_ =	shalt  }
0x66: {  	_ =	shalt  }
0x67: {  	_ =	shalt  }
0x68: {  	_ =	shalt  }
0x69: {  	_ =	shalt  }
0x6a: {  	_ =	shalt  }
0x6b: {  	_ =	shalt  }
0x6c: {  	_ =	shalt  }
0x6d: {  	_ =	shalt  }
0x6e: {  	_ =	shalt  }
0x6f: {  	_ =	shalt  }
0x70: {  	_ =	shalt  }
0x71: {  	_ =	shalt  }
0x72: {  	_ =	shalt  }
0x73: {  	_ =	shalt  }
0x74: {  	_ =	shalt  }
0x75: {  	_ =	shalt  }
0x76: {  	_ =	shalt  }
0x77: {  	_ =	shalt  }
0x78: {  	_ =	shalt  }
0x79: {  	_ =	shalt  }
0x7a: {  	_ =	shalt  }
0x7b: {  	_ =	shalt  }
0x7c: {  	_ =	shalt  }
0x7d: {  	_ =	shalt  }
0x7e: {  	_ =	shalt  }
0x7f: {  	_ =	shalt  }
0x80: {  	_ =	shalt  }
0x81: {  	_ =	shalt  }
0x82: {  	_ =	shalt  }
0x83: {  	_ =	shalt  }
0x84: {  	_ =	shalt  }
0x85: {  	_ =	shalt  }
0x86: {  	_ =	shalt  }
0x87: {  	_ =	shalt  }
.Lfunc_end0:
.L_simem_size_0:
called_computation_lowered:
.L_overlay_start_0:
0x88: {  	s2 =	sld [smem:$0x3FD9]  }
0x89: {  	s3 =	sld [smem:$0x3FFE];
	_ =	sdelay $0x1  }
0x8a: {  	s1 =	srdreg.scid  }
0x8b: {  	s0 =	sand.u32 $0x1, s1  }
0x8c: {  	s17 =	sshll.u32 s0, $0xA;
	s2 =	sadd.s32 s3, s2  }
0x8d: {  	s2 =	sadd.s32 s2, s17  }
0x8e: {  	[smem:$0x3FC2] =	sst s2  }
0x8f: {  	_ = 	snop  }
0x90: {  	s2 =	sld [smem:$0x3FD0];
	(tm) =	ssettm $0x1  }
0x91: {  	s18 =	sld [smem:$0x3FFB];
	_ =	sdelay $0x3  }
0x92: {  	_ =	strace s18  }
0x93: {  	s3 =	sld [smem:$0x3FFC];
	_ =	sdelay $0x3  }
0x94: {  	_ =	strace s3  }
0x95: {  	s3 =	sld [smem:$0x3FFD];
	_ =	sdelay $0x3  }
0x96: {  	_ =	strace s3  }
0x97: {  	_ =	strace $0x8FFFFFFF  }
0x98: {  	s19 =	sld [smem:$0x3FDB];
	_ =	sdelay $0x1  }
0x99: {  	s4 =	simm.s32 $_scs_section_size  }
0x9a: {  	s5 =	simm.s32 $_size__tile_overlayer_lowered;
	s6 =	simm.s32 $_tile_overlayer_lowered  }
0x9b: {  	s22 =	simm.s32 $0x1BFF;
	s21 =	sshll.u32 s6, $0x1;
	s3 =	sadd.s32 s4, s19  }
0x9c: {  	s7 =	simm.s32 $0x0;
	s20 =	sshll.u32 s5, $0x1;
	s5 =	sadd.s32 s21, s3  }
0x9d: {  	[timem:s7], [sflag:s22] =	dma.local [hbm:s5], s20  }
0x9e: {  	_ =	swait.ge [sflag:s22], s20  }
0x9f: {  	s4 =	ssub.s32 $0x0, s20;
	[sflag:s22] =	ssyncset.done $0x0  }
0xa0: {  	[sflag:s22] =	ssyncadd.s32 s4;
	_ =	sdelay $0x1  }
0xa1: {  	s23 =	simm.s32 $0x1B8B  }
0xa2: {  	_ =	swait.ge [sflag:s23], $0x1  }
0xa3: {  	[sflag:s23] =	ssyncset.done $0x0  }
0xa4: {  	s25 =	simm.s32 $0x1B8E;
	s24 =	sld [smem:$0x3FFE];
	[sflag:s23] =	ssyncadd.s32 $0xFFFFFFFF  }
0xa5: {  	s26 =	simm.s32 $execute0_lowered;
	[smem:$0x3FD2] =	sst s25  }
0xa6: {  	s5 =	sshll.u32 s26, $0x1;
	_ =	strace $0x80000046;
	[dreg:$0x1] =	wrdreg $0xFFFFFFFF  }
0xa7: {  	s28 =	simm.s32 $_size_execute0_lowered;
	s3 =	sadd.s32 s3, s5;
	[dreg:$0x0] =	wrdreg $0x0  }
0xa8: {  	s5 =	sshll.u32 s28, $0x1;
	[dreg:$0x2] =	wrdreg s3  }
0xa9: {  	[dreg:$0x3] =	wrdreg s5  }
0xaa: {  	[dreg:$0x4] =	wrdreg $0xC0  }
0xab: {  	_ =	task [dreg:s7], $0x5FFFF  }
0xac: {  	[dreg:$0x1] =	wrdreg $0xFFFFFFFF  }
0xad: {  	[dreg:$0x0] =	wrdreg $0x60  }
0xae: {  	[dreg:$0x2] =	wrdreg s2  }
0xaf: {  	[dreg:$0x3] =	wrdreg s24  }
0xb0: {  	[dreg:$0x4] =	wrdreg $0x2F800  }
0xb1: {  	[dreg:$0x5] =	wrdreg $0x9  }
0xb2: {  	_ =	task.clear_ibuf [dreg:s7], $0x6FFFF;
	_ =	strace $0x90000046  }
0xb3: {  	s29 =	simm.s32 $0x9;
	_ =	strace $0x80000048  }
0xb4: {  	_ =	swait.ge [sflag:s29], $0x1  }
0xb5: {  	[sflag:s29] =	ssyncadd.s32 $0xFFFFFFFF  }
0xb6: {  	_ =	strace $0x90000048  }
0xb7: {  	_ =	sfence  }
0xb8: {  	s30 =	sld [smem:$0x0];
	_ =	sdelay $0x2  }
0xb9: {  	s31 =	sshll.u32 s1, $0xD;
	s1 =	sshrl.u32 s1, $0x2  }
0xba: {  	s3 =	sand.u32 $0x4000, s31;
	s1 =	sadd.s32 s1, s30  }
0xbb: {  	s0 =	sor.u32 s3, s0;
	s1 =	sshll.u32 s1, $0x11  }
0xbc: {  	s0 =	sor.u32 s1, s0  }
0xbd: {  	s0 =	sadd.s32 $0x8F2B, s0  }
0xbe: {  	[sflag:s0] =	ssyncadd.remote.s32 $0x1  }
0xbf: {  	_ =	sfence.sel $0xFFFF  }
0xc0: {  	[dreg:$0x0] =	wrdreg $0xFFFFFFFF;
	(pc) =	sbr.abs _section_cstart, $3  }
0xc1: {  	[dreg:$0x1] =	wrdreg $0xFFFFFFFF  }
0xc2: {  	_ =	task.clear_ibuf [dreg:s7], $0x2FFFF;
	_ =	strace $0x9FFFFFFF  }
0xc3: {  	(tm) =	ssettm $0x7FFFFFFF  }
tec
execute0_lowered:
.L_overlay_start_1:
0x0: {  	(tag) =	ssettag $0x1  }
0x1: {  	s6 =	rddreg [dreg:$0x0]  }
0x2: {  	s7 =	rddreg [dreg:$0x1]  }
0x3: {  	s2 =	rddreg [dreg:$0x2]  }
0x4: {  	s0 =	rddreg [dreg:$0x3];
	s4 =	srdreg.scid  }
0x5: {  	s1 =	stileid.u32;
	s3 =	simm.s32 $0x0;
	s13 =	simm.s32 $0x80  }
0x6: {  	s14 =	simm.s32 $0x1;
	s15 =	simm.s32 $0x0;
	s5 =	sand.u32 $0x1, s4  }
0x7: {  	s8 =	smul.u32 $0x2780, s1;
	[smem:$0x7FF] =	sst s3;
	s4 =	sadd.s32 $0x1600, s7  }
0x8: {  	s10 =	sshll.u32 s1, $0x1;
	s31 =	sshll.u32 s1, $0x6;
	s9 =	smul.u32 $0x27800, s5  }
0x9: {  	_ =	strace $0x80000047;
	s11 =	ssub.s32 $0x2, s5;
	s5 =	sor.u32 s5, s10  }
0xa: {  	s10 =	simm.s32 $0x2780;
	s28 =	sshrl.u32 s11, $0x1;
	s12 =	smul.u32 $0x4F0, s5  }
0xb: {  	s5 =	sadd.s32 $0x1800, s7;
	s30 =	sadd.s32 s8, s2;
	s9 =	sadd.s32 s8, s9  }
0xc: {  	s29 =	ssub.s32 s11, s28;
	s11 =	sor.u32 $0x1C02, s31;
	s9 =	sshrl.u32 s9, $0x3  }
0xd: {  	s6 =	sadd.s32 s6, s12;
	s8 =	smax.u32 s29, $0x1;
	s7 =	sadd.s32 s9, s7  }
0xe: {  	s12 =	sshrl.u32 s30, $0x3;
	s9 =	simm.s32 $0x2;
	s7 =	sadd.s32 $0x1E00, s7  }
.LBB2_1:
0xf: {  	[tilespmem:s3], [sflag:$0x2] =	stream.linear.gather [hbm4b:s6+s3], $0x2780, $0x38;
	[tilespmem:$0x5700] =	vst v63  }
0x10: {  	_ =	swait.ge [sflag:s9], $0x2780  }
0x11: {  	[sflag:s9] =	ssyncset.done $0x0  }
0x12: {  	[sflag:s9] =	ssyncadd.s32 $0xFFFFD880  }
0x13: {  	[tilespmem:s10], [sflag:$0x2] =	stream.linear.gather [hbm4b:s4+s3], $0x800, $0x38;
	[tilespmem:$0x5700] =	vst v63  }
0x14: {  	_ =	swait.ge [sflag:s9], $0x800  }
0x15: {  	[sflag:s9] =	ssyncset.done $0x0  }
0x16: {  	[sflag:s9] =	ssyncadd.s32 $0xFFFFF800  }
0x17: {  	[spmem:s12], [sflag:s11] =	dma.local [hbm:s5], $0x4F0  }
0x18: {  	_ =	swait.ge [sflag:s9], $0x4F0  }
0x19: {  	[sflag:s9] =	ssyncset.done $0x0  }
0x1a: {  	[sflag:s9] =	ssyncadd.s32 $0xFFFFFB10  }
0x1b: {  	s16 =	simm.s32 $0x0;
	[bflag:$0x0] =	sbarrier.arrive $0xFFFF  }
.LBB2_2:
0x1c: {  	p0 =	sne.s32 s16, $0x9C00  }
.Ltmp0:
0x1d: {  	_ = 	snop;
	(pc) =	sbr.rel @p0 .LBB2_2-.Ltmp0, $3  }
0x1e: {  	_ =	sdelay $0x1  }
0x1f: {  	s17 =	sshra.s32 s16, $0x2;
	s16 =	sadd.s32 $0x200, s16  }
0x20: {  	[spmem:s2] =	stream.indirect.scatter.add.f32 [tilespmem:s10], [sflag:$0x1], $0x10, s17, s13, $0xb8;
	[tilespmem:$0x5700] =	vst v63  }
0x21: {  	_ =	swait.ge [sflag:s14], $0x800  }
0x22: {  	s16 =	simm.s32 $0x4E;
	[sflag:s14] =	ssyncset.done $0x0  }
.LBB2_4:
0x23: {  	p0 =	sne.s32 s16, $0x1;
	s16 =	sadd.s32 $0xFFFFFFFF, s16;
	[sflag:s14] =	ssyncadd.s32 $0xFFFFF800  }
.Ltmp1:
0x24: {  	(pc) =	sbr.rel @p0 .LBB2_4-.Ltmp1, $3  }
0x25: {  	_ =	sdelay $0x1  }
0x26: {  	_ =	swait.ge [sflag:s14], $0x800  }
0x27: {  	[sflag:s14] =	ssyncset.done $0x0  }
0x28: {  	s15 =	sadd.s32 $0x1, s15  }
0x29: {  	[sflag:s14] =	ssyncadd.s32 $0xFFFFF800;
	p0 =	sne.s32 s15, s8  }
.Ltmp2:
0x2a: {  	[bflag:$0x0] =	sbarrier.arrive $0xFFFF;
	(pc) =	sbr.rel @p0 .LBB2_1-.Ltmp2, $4  }
0x2b: {  	[hbm:s7], [sflag:s11] =	dma.local [spmem:s12], $0x4F0  }
0x2c: {  	_ =	swait.ge [sflag:s9], $0x4F0  }
0x2d: {  	[sflag:s9] =	ssyncset.done $0x0  }
0x2e: {  	[sflag:s9] =	ssyncadd.s32 $0xFFFFFB10  }
0x2f: {  	_ =	sfence.sel $0x180000  }
0x30: {  	[bflag:$0x0] =	sbarrier.arrive $0xFFFF  }
0x31: {  	p0 =	sne.s32 s1, $0x0;
	_ =	strace $0x90000047  }
0x32: {  	s0 =	sadd.s32 @!p0 $0x100000, s0;
	[bflag:$0x2] =	sbarrier.arrive $0xFFFF  }
0x33: {  	[sflag:s0] =	ssyncadd.tile.s32 @!p0 $0x1;
	_ =	shalt  }
.Lfunc_end2:
_tile_overlayer_lowered:
.L_overlay_start_2:
0x34: {  	(tag) =	ssettag $0x2  }
0x35: {  	s0 =	rddreg [dreg:$0x0];
	s2 =	stileid.u32  }
0x36: {  	s1 =	rddreg [dreg:$0x1];
	p0 =	sne.s32 s2, $0x0  }
0x37: {  	s3 =	rddreg [dreg:$0x2];
	[bflag:$0x3] =	sbarrier.arrive $0xFFFF;
	s2 =	simm.s32 @!p0 $0x1C02  }
0x38: {  	[timem:s3], [sflag:s2] =	dma.local @!p0 [hbm:s0], s1  }
0x39: {  	s0 =	simm.s32 @!p0 $0x2  }
0x3a: {  	_ =	swait.ge @!p0 [sflag:s0], s1  }
0x3b: {  	s1 =	ssub.s32 @!p0 $0x0, s1;
	[sflag:s0] =	ssyncset.done @!p0 $0x0  }
0x3c: {  	[sflag:s0] =	ssyncadd.s32 @!p0 s1  }
0x3d: {  	[bflag:$0x3] =	sbarrier.arrive $0xFFFF  }
0x3e: {  	_ =	shalt  }

</sc_bundles>
